<compile_context>
chip_gen: v7x
topology: tpu7x:2x2x1
jax: 0.10.2.dev20260603
libtpu: 0.0.44.dev20260713+nightly
codegen_flags: <defaults>
</compile_context>

<pallas_src>
import functools

import jax
import jax.numpy as jnp
from jax import lax
from jax.experimental import pallas as pl
from jax.experimental.pallas import tpu as pltpu
from jax.experimental.pallas import tpu_sc as plsc

CHUNK = 64
RING = 8
LAG = 3
IB = RING * CHUNK


@functools.partial(jax.jit, static_argnums=(2, 3))
def _emb_lookup(idx1d, table, nidx, d):
    info = plsc.get_sparse_core_info()
    nc, ns = info.num_cores, info.num_subcores
    nw = nc * ns
    nelem = nidx // nw
    nblocks = nelem // IB
    assert nidx % nw == 0 and nelem % IB == 0 and nblocks % 2 == 0
    v = table.shape[0]

    mesh = plsc.VectorSubcoreMesh(core_axis_name="c", subcore_axis_name="s")

    @functools.partial(
        pl.kernel,
        mesh=mesh,
        out_type=jax.ShapeDtypeStruct((nidx, d), jnp.float32),
        scratch_types=[
            pltpu.VMEM_SHARED((v, d), jnp.float32),
            pltpu.VMEM((2, IB), jnp.int32),
            pltpu.VMEM((RING * CHUNK, d), jnp.float32),
            pltpu.SemaphoreType.DMA,
            pltpu.SemaphoreType.DMA,
            pltpu.SemaphoreType.DMA,
        ],
    )
    def body(idx_hbm, table_hbm, out_hbm, table_sp, idx_v, rows_v, isem, gsem, wsem):
        cid = lax.axis_index("c")
        sid = lax.axis_index("s")
        wid = sid * nc + cid

        @pl.when(sid == 0)
        def _():
            pltpu.sync_copy(table_hbm, table_sp)

        plsc.subcore_barrier()

        base = wid * nelem
        last_blk = base + nelem - IB

        def fire_idx(p, slot):
            e = lax.min(base + p * IB, last_blk)
            pltpu.async_copy(idx_hbm.at[pl.ds(e, IB)], idx_v.at[slot], isem)

        def drain_idx(slot):
            pltpu.make_async_copy(
                idx_hbm.at[pl.ds(base, IB)], idx_v.at[slot], isem
            ).wait()

        def fire_gather(q, b):
            pltpu.async_copy(
                table_sp.at[idx_v.at[q].at[pl.ds(b * CHUNK, CHUNK)]],
                rows_v.at[pl.ds(b * CHUNK, CHUNK)],
                gsem,
            )

        def drain_gather(u):
            pltpu.make_async_copy(
                out_hbm.at[pl.ds(0, CHUNK)],
                rows_v.at[pl.ds(u * CHUNK, CHUNK)],
                gsem,
            ).wait()

        def fire_write(e, u):
            pltpu.async_copy(
                rows_v.at[pl.ds(u * CHUNK, CHUNK)], out_hbm.at[pl.ds(e, CHUNK)], wsem
            )

        def drain_write():
            pltpu.make_async_copy(
                rows_v.at[pl.ds(0, CHUNK)], out_hbm.at[pl.ds(0, CHUNK)], wsem
            ).wait()

        def block(p, q, first):
            if not first:
                drain_idx(q)
            e0 = base + p * IB
            for b in range(RING):
                if not (first and b < LAG):
                    u = (b - LAG) % RING
                    drain_gather(u)
                    fire_write(e0 + (b - LAG) * CHUNK, u)
                if not first:
                    drain_write()
                fire_gather(q, b)
                if b == LAG - 1:
                    fire_idx(p + 1, 1 - q)

        pltpu.sync_copy(idx_hbm.at[pl.ds(base, IB)], idx_v.at[0])
        block(0, 0, True)

        def pair(pp, carry):
            block(2 * pp + 1, 1, False)
            block(2 * pp + 2, 0, False)
            return carry

        lax.fori_loop(0, (nblocks - 2) // 2, pair, 0)
        block(nblocks - 1, 1, False)

        drain_idx(0)
        last_e = base + nelem - IB
        for b in range(RING - LAG, RING):
            drain_gather(b)
            fire_write(last_e + b * CHUNK, b)
        for _ in range(RING):
            drain_write()

    return body(idx1d, table)


def kernel(x, table):
    r, c = x.shape
    v, d = table.shape
    nidx = r * c
    idx1d = x.reshape(nidx).astype(jnp.int32)
    out = _emb_lookup(idx1d, table, nidx, d)
    return out.reshape(r, c, d)

# --- scband reference (transcript-rebuilt; emitter-appended) ---
"""Pipeline reference for scband-embedding-atomic-49340584296572 (READ-ONLY COPY).

The authoritative reference and input builder live on the scoring server;
editing this copy changes nothing except your own understanding.
"""

import jax, jax.numpy as jnp
import numpy as np


def setup_inputs(seed: int = 0) -> dict:
    key = jax.random.key(seed)
    k1, k2 = jax.random.split(key)
    x = jax.random.randint(k1, (16384, 200), 0, 1000, dtype=jnp.int64 if jax.config.jax_enable_x64 else jnp.int32)
    table = jax.random.normal(k2, (1000, 128), dtype=jnp.float32)
    return {"x": x, "table": table}


def reference(x, table):
    # Faithful translation of nn.Embedding lookup: out = table[x]
    idx = x.astype(jnp.int32)
    return jnp.take(table, idx, axis=0)

if __name__ == "__main__":
    import jax
    _d = setup_inputs()
    print(jax.jit(kernel)(*tuple(_d.values())))

</pallas_src>

<mosaic_0001>
#map = affine_map<(d0, d1) -> (0)>
#map1 = affine_map<(d0, d1) -> (0, 0)>
module attributes {stable_mosaic.version = 14 : i64} {
  func.func @body(%arg0: i32, %arg1: i32, %arg2: memref<3276800xi32, #tpu.memory_space<hbm>>, %arg3: memref<1000x128xf32, #tpu.memory_space<hbm>>, %arg4: memref<3276800x128xf32, #tpu.memory_space<hbm>>, %arg5: memref<1000x128xf32, #tpu.memory_space<vmem_shared>>, %arg6: memref<2x512xi32, #tpu.memory_space<vmem>>, %arg7: memref<512x128xf32, #tpu.memory_space<vmem>>, %arg8: memref<!tpu.dma_semaphore, #tpu.memory_space<semaphore_mem>>, %arg9: memref<!tpu.dma_semaphore, #tpu.memory_space<semaphore_mem>>, %arg10: memref<!tpu.dma_semaphore, #tpu.memory_space<semaphore_mem>>) attributes {dimension_semantics = [#tpu.dimension_semantics<core_parallel>, #tpu.dimension_semantics<subcore_parallel>], iteration_bounds = array<i64: 2, 16>, scalar_prefetch = 0 : i64, scratch_operands = 6 : i64, tpu.core_type = #tpu.core_type<sc_vector_subcore>, window_params = [{transform_indices = #map}, {transform_indices = #map1}, {transform_indices = #map1}]} {
    %mul3A = arith.constant 2 : i32
    %mul3A_0 = arith.muli %arg1, %mul3A : i32
    %add3A = arith.addi %mul3A_0, %arg0 : i32
    %eq3A = arith.constant 0 : i32
    %eq3A_1 = arith.cmpi eq, %arg1, %eq3A : i32
    %convert_element_type3A = arith.extui %eq3A_1 : i1 to i32
    %cond3A = arith.constant 0 : i32
    %cond3A_2 = arith.cmpi ne, %convert_element_type3A, %cond3A : i32
    scf.if %cond3A_2 {
      "tpu.region"() ({
        %run_scoped3A_828 = tpu.sem_alloc : memref<!tpu.dma_semaphore, #tpu.memory_space<semaphore_mem>>
        tpu.enqueue_dma source(%arg3 : memref<1000x128xf32, #tpu.memory_space<hbm>>) target(%arg5 : memref<1000x128xf32, #tpu.memory_space<vmem_shared>>) target_semaphore(%run_scoped3A_828 : memref<!tpu.dma_semaphore, #tpu.memory_space<semaphore_mem>>)
        tpu.wait_dma2 semaphore(%run_scoped3A_828 : memref<!tpu.dma_semaphore, #tpu.memory_space<semaphore_mem>>) src(%arg3 : memref<1000x128xf32, #tpu.memory_space<hbm>>) dst(%arg5 : memref<1000x128xf32, #tpu.memory_space<vmem_shared>>)
        tpu.yield
      }) : () -> ()
    } else {
    }
    %barrier3A = arith.constant 0 : index
    tpu.barrier barrier_id(%barrier3A)
    %mul3A_3 = arith.constant 102400 : i32
    %mul3A_4 = arith.muli %add3A, %mul3A_3 : i32
    %add3A_5 = arith.constant 102400 : i32
    %add3A_6 = arith.addi %mul3A_4, %add3A_5 : i32
    %sub3A = arith.constant 512 : i32
    %sub3A_7 = arith.subi %add3A_6, %sub3A : i32
    %run_scoped3A = arith.constant 0 : i32
    "tpu.region"() ({
      %run_scoped3A_828 = tpu.sem_alloc : memref<!tpu.dma_semaphore, #tpu.memory_space<semaphore_mem>>
      %dma_start3A_829 = arith.constant 0 : i32
      %dma_start3A_830 = tpu.memref_slice %arg6[%run_scoped3A, %dma_start3A_829] : memref<2x512xi32, #tpu.memory_space<vmem>> -> memref<1x512xi32, #tpu.memory_space<vmem>>
      %dma_start3A_831 = tpu.memref_squeeze %dma_start3A_830 : memref<1x512xi32, #tpu.memory_space<vmem>> -> memref<512xi32, #tpu.memory_space<vmem>>
      %dma_start3A_832 = tpu.memref_slice %arg2[%mul3A_4] : memref<3276800xi32, #tpu.memory_space<hbm>> -> memref<512xi32, #tpu.memory_space<hbm>>
      %dma_start3A_833 = arith.constant 0 : i32
      %dma_start3A_834 = tpu.memref_slice %arg6[%run_scoped3A, %dma_start3A_833] : memref<2x512xi32, #tpu.memory_space<vmem>> -> memref<1x512xi32, #tpu.memory_space<vmem>>
      %dma_start3A_835 = tpu.memref_squeeze %dma_start3A_834 : memref<1x512xi32, #tpu.memory_space<vmem>> -> memref<512xi32, #tpu.memory_space<vmem>>
      %dma_start3A_836 = tpu.memref_slice %arg2[%mul3A_4] : memref<3276800xi32, #tpu.memory_space<hbm>> -> memref<512xi32, #tpu.memory_space<hbm>>
      tpu.enqueue_dma source(%dma_start3A_836 : memref<512xi32, #tpu.memory_space<hbm>>) target(%dma_start3A_835 : memref<512xi32, #tpu.memory_space<vmem>>) target_semaphore(%run_scoped3A_828 : memref<!tpu.dma_semaphore, #tpu.memory_space<semaphore_mem>>)
      %dma_wait3A_837 = arith.constant 0 : i32
      %dma_wait3A_838 = tpu.memref_slice %arg6[%run_scoped3A, %dma_wait3A_837] : memref<2x512xi32, #tpu.memory_space<vmem>> -> memref<1x512xi32, #tpu.memory_space<vmem>>
      %dma_wait3A_839 = tpu.memref_squeeze %dma_wait3A_838 : memref<1x512xi32, #tpu.memory_space<vmem>> -> memref<512xi32, #tpu.memory_space<vmem>>
      %dma_wait3A_840 = tpu.memref_slice %arg2[%mul3A_4] : memref<3276800xi32, #tpu.memory_space<hbm>> -> memref<512xi32, #tpu.memory_space<hbm>>
      %dma_wait3A_841 = arith.constant 0 : i32
      %dma_wait3A_842 = tpu.memref_slice %arg6[%run_scoped3A, %dma_wait3A_841] : memref<2x512xi32, #tpu.memory_space<vmem>> -> memref<1x512xi32, #tpu.memory_space<vmem>>
      %dma_wait3A_843 = tpu.memref_squeeze %dma_wait3A_842 : memref<1x512xi32, #tpu.memory_space<vmem>> -> memref<512xi32, #tpu.memory_space<vmem>>
      %dma_wait3A_844 = tpu.memref_slice %arg2[%mul3A_4] : memref<3276800xi32, #tpu.memory_space<hbm>> -> memref<512xi32, #tpu.memory_space<hbm>>
      tpu.wait_dma2 semaphore(%run_scoped3A_828 : memref<!tpu.dma_semaphore, #tpu.memory_space<semaphore_mem>>) src(%dma_wait3A_844 : memref<512xi32, #tpu.memory_space<hbm>>) dst(%dma_wait3A_843 : memref<512xi32, #tpu.memory_space<vmem>>)
      tpu.yield
    }) : () -> ()
    %add3A_8 = arith.constant 0 : i32
    %add3A_9 = arith.addi %mul3A_4, %add3A_8 : i32
    %dma_start3A = arith.constant 0 : i32
    %dma_start3A_10 = arith.constant 0 : i32
    %dma_start3A_11 = arith.constant 0 : i32
    %dma_start3A_12 = tpu.memref_slice %arg7[%dma_start3A_10, %dma_start3A_11] : memref<512x128xf32, #tpu.memory_space<vmem>> -> memref<64x128xf32, #tpu.memory_space<vmem>>
    %dma_start3A_13 = arith.constant 0 : i32
    %dma_start3A_14 = tpu.memref_slice %arg6[%dma_start3A, %dma_start3A_13] : memref<2x512xi32, #tpu.memory_space<vmem>> -> memref<1x512xi32, #tpu.memory_space<vmem>>
    %dma_start3A_15 = tpu.memref_squeeze %dma_start3A_14 : memref<1x512xi32, #tpu.memory_space<vmem>> -> memref<512xi32, #tpu.memory_space<vmem>>
    %dma_start3A_16 = arith.constant 0 : i32
    %dma_start3A_17 = tpu.memref_slice %dma_start3A_15[%dma_start3A_16] : memref<512xi32, #tpu.memory_space<vmem>> -> memref<64xi32, #tpu.memory_space<vmem>>
    %dma_start3A_18 = arith.constant 0 : i32
    %dma_start3A_19 = arith.constant 0 : i32
    %dma_start3A_20 = tpu.memref_slice %arg5[%dma_start3A_18, %dma_start3A_19] : memref<1000x128xf32, #tpu.memory_space<vmem_shared>> -> memref<1000x128xf32, #tpu.memory_space<vmem_shared>>
    tpu.enqueue_indirect_dma source(%dma_start3A_20 : memref<1000x128xf32, #tpu.memory_space<vmem_shared>>) target(%dma_start3A_12 : memref<64x128xf32, #tpu.memory_space<vmem>>) offsets(%dma_start3A_17 : memref<64xi32, #tpu.memory_space<vmem>>) semaphore(%arg9 : memref<!tpu.dma_semaphore, #tpu.memory_space<semaphore_mem>>)
    %dma_start3A_21 = arith.constant 0 : i32
    %dma_start3A_22 = arith.constant 64 : i32
    %dma_start3A_23 = arith.constant 0 : i32
    %dma_start3A_24 = tpu.memref_slice %arg7[%dma_start3A_22, %dma_start3A_23] : memref<512x128xf32, #tpu.memory_space<vmem>> -> memref<64x128xf32, #tpu.memory_space<vmem>>
    %dma_start3A_25 = arith.constant 0 : i32
    %dma_start3A_26 = tpu.memref_slice %arg6[%dma_start3A_21, %dma_start3A_25] : memref<2x512xi32, #tpu.memory_space<vmem>> -> memref<1x512xi32, #tpu.memory_space<vmem>>
    %dma_start3A_27 = tpu.memref_squeeze %dma_start3A_26 : memref<1x512xi32, #tpu.memory_space<vmem>> -> memref<512xi32, #tpu.memory_space<vmem>>
    %dma_start3A_28 = arith.constant 64 : i32
    %dma_start3A_29 = tpu.memref_slice %dma_start3A_27[%dma_start3A_28] : memref<512xi32, #tpu.memory_space<vmem>> -> memref<64xi32, #tpu.memory_space<vmem>>
    %dma_start3A_30 = arith.constant 0 : i32
    %dma_start3A_31 = arith.constant 0 : i32
    %dma_start3A_32 = tpu.memref_slice %arg5[%dma_start3A_30, %dma_start3A_31] : memref<1000x128xf32, #tpu.memory_space<vmem_shared>> -> memref<1000x128xf32, #tpu.memory_space<vmem_shared>>
    tpu.enqueue_indirect_dma source(%dma_start3A_32 : memref<1000x128xf32, #tpu.memory_space<vmem_shared>>) target(%dma_start3A_24 : memref<64x128xf32, #tpu.memory_space<vmem>>) offsets(%dma_start3A_29 : memref<64xi32, #tpu.memory_space<vmem>>) semaphore(%arg9 : memref<!tpu.dma_semaphore, #tpu.memory_space<semaphore_mem>>)
    %dma_start3A_33 = arith.constant 0 : i32
    %dma_start3A_34 = arith.constant 128 : i32
    %dma_start3A_35 = arith.constant 0 : i32
    %dma_start3A_36 = tpu.memref_slice %arg7[%dma_start3A_34, %dma_start3A_35] : memref<512x128xf32, #tpu.memory_space<vmem>> -> memref<64x128xf32, #tpu.memory_space<vmem>>
    %dma_start3A_37 = arith.constant 0 : i32
    %dma_start3A_38 = tpu.memref_slice %arg6[%dma_start3A_33, %dma_start3A_37] : memref<2x512xi32, #tpu.memory_space<vmem>> -> memref<1x512xi32, #tpu.memory_space<vmem>>
    %dma_start3A_39 = tpu.memref_squeeze %dma_start3A_38 : memref<1x512xi32, #tpu.memory_space<vmem>> -> memref<512xi32, #tpu.memory_space<vmem>>
    %dma_start3A_40 = arith.constant 128 : i32
    %dma_start3A_41 = tpu.memref_slice %dma_start3A_39[%dma_start3A_40] : memref<512xi32, #tpu.memory_space<vmem>> -> memref<64xi32, #tpu.memory_space<vmem>>
    %dma_start3A_42 = arith.constant 0 : i32
    %dma_start3A_43 = arith.constant 0 : i32
    %dma_start3A_44 = tpu.memref_slice %arg5[%dma_start3A_42, %dma_start3A_43] : memref<1000x128xf32, #tpu.memory_space<vmem_shared>> -> memref<1000x128xf32, #tpu.memory_space<vmem_shared>>
    tpu.enqueue_indirect_dma source(%dma_start3A_44 : memref<1000x128xf32, #tpu.memory_space<vmem_shared>>) target(%dma_start3A_36 : memref<64x128xf32, #tpu.memory_space<vmem>>) offsets(%dma_start3A_41 : memref<64xi32, #tpu.memory_space<vmem>>) semaphore(%arg9 : memref<!tpu.dma_semaphore, #tpu.memory_space<semaphore_mem>>)
    %add3A_45 = arith.constant 512 : i32
    %add3A_46 = arith.addi %mul3A_4, %add3A_45 : i32
    %min3A = arith.minsi %add3A_46, %sub3A_7 : i32
    %dma_start3A_47 = arith.constant 1 : i32
    %dma_start3A_48 = arith.constant 0 : i32
    %dma_start3A_49 = tpu.memref_slice %arg6[%dma_start3A_47, %dma_start3A_48] : memref<2x512xi32, #tpu.memory_space<vmem>> -> memref<1x512xi32, #tpu.memory_space<vmem>>
    %dma_start3A_50 = tpu.memref_squeeze %dma_start3A_49 : memref<1x512xi32, #tpu.memory_space<vmem>> -> memref<512xi32, #tpu.memory_space<vmem>>
    %dma_start3A_51 = tpu.memref_slice %arg2[%min3A] : memref<3276800xi32, #tpu.memory_space<hbm>> -> memref<512xi32, #tpu.memory_space<hbm>>
    %dma_start3A_52 = arith.constant 0 : i32
    %dma_start3A_53 = tpu.memref_slice %arg6[%dma_start3A_47, %dma_start3A_52] : memref<2x512xi32, #tpu.memory_space<vmem>> -> memref<1x512xi32, #tpu.memory_space<vmem>>
    %dma_start3A_54 = tpu.memref_squeeze %dma_start3A_53 : memref<1x512xi32, #tpu.memory_space<vmem>> -> memref<512xi32, #tpu.memory_space<vmem>>
    %dma_start3A_55 = tpu.memref_slice %arg2[%min3A] : memref<3276800xi32, #tpu.memory_space<hbm>> -> memref<512xi32, #tpu.memory_space<hbm>>
    tpu.enqueue_dma source(%dma_start3A_55 : memref<512xi32, #tpu.memory_space<hbm>>) target(%dma_start3A_54 : memref<512xi32, #tpu.memory_space<vmem>>) target_semaphore(%arg8 : memref<!tpu.dma_semaphore, #tpu.memory_space<semaphore_mem>>)
    %dma_wait3A = arith.constant 0 : i32
    %dma_wait3A_56 = arith.constant 0 : i32
    %dma_wait3A_57 = tpu.memref_slice %arg7[%dma_wait3A, %dma_wait3A_56] : memref<512x128xf32, #tpu.memory_space<vmem>> -> memref<64x128xf32, #tpu.memory_space<vmem>>
    %dma_wait3A_58 = arith.constant 0 : i32
    %dma_wait3A_59 = arith.constant 0 : i32
    %dma_wait3A_60 = tpu.memref_slice %arg4[%dma_wait3A_58, %dma_wait3A_59] : memref<3276800x128xf32, #tpu.memory_space<hbm>> -> memref<64x128xf32, #tpu.memory_space<hbm>>
    %dma_wait3A_61 = arith.constant 0 : i32
    %dma_wait3A_62 = arith.constant 0 : i32
    %dma_wait3A_63 = tpu.memref_slice %arg7[%dma_wait3A_61, %dma_wait3A_62] : memref<512x128xf32, #tpu.memory_space<vmem>> -> memref<64x128xf32, #tpu.memory_space<vmem>>
    %dma_wait3A_64 = arith.constant 0 : i32
    %dma_wait3A_65 = arith.constant 0 : i32
    %dma_wait3A_66 = tpu.memref_slice %arg4[%dma_wait3A_64, %dma_wait3A_65] : memref<3276800x128xf32, #tpu.memory_space<hbm>> -> memref<64x128xf32, #tpu.memory_space<hbm>>
    tpu.wait_dma2 semaphore(%arg9 : memref<!tpu.dma_semaphore, #tpu.memory_space<semaphore_mem>>) src(%dma_wait3A_66 : memref<64x128xf32, #tpu.memory_space<hbm>>) dst(%dma_wait3A_63 : memref<64x128xf32, #tpu.memory_space<vmem>>)
    %add3A_67 = arith.constant 0 : i32
    %add3A_68 = arith.addi %add3A_9, %add3A_67 : i32
    %dma_start3A_69 = arith.constant 0 : i32
    %dma_start3A_70 = arith.constant 0 : i32
    %dma_start3A_71 = tpu.memref_slice %arg7[%dma_start3A_69, %dma_start3A_70] : memref<512x128xf32, #tpu.memory_space<vmem>> -> memref<64x128xf32, #tpu.memory_space<vmem>>
    %dma_start3A_72 = arith.constant 0 : i32
    %dma_start3A_73 = tpu.memref_slice %arg4[%add3A_68, %dma_start3A_72] : memref<3276800x128xf32, #tpu.memory_space<hbm>> -> memref<64x128xf32, #tpu.memory_space<hbm>>
    %dma_start3A_74 = arith.constant 0 : i32
    %dma_start3A_75 = tpu.memref_slice %arg4[%add3A_68, %dma_start3A_74] : memref<3276800x128xf32, #tpu.memory_space<hbm>> -> memref<64x128xf32, #tpu.memory_space<hbm>>
    %dma_start3A_76 = arith.constant 0 : i32
    %dma_start3A_77 = arith.constant 0 : i32
    %dma_start3A_78 = tpu.memref_slice %arg7[%dma_start3A_76, %dma_start3A_77] : memref<512x128xf32, #tpu.memory_space<vmem>> -> memref<64x128xf32, #tpu.memory_space<vmem>>
    tpu.enqueue_dma source(%dma_start3A_78 : memref<64x128xf32, #tpu.memory_space<vmem>>) target(%dma_start3A_75 : memref<64x128xf32, #tpu.memory_space<hbm>>) target_semaphore(%arg10 : memref<!tpu.dma_semaphore, #tpu.memory_space<semaphore_mem>>)
    %dma_start3A_79 = arith.constant 0 : i32
    %dma_start3A_80 = arith.constant 192 : i32
    %dma_start3A_81 = arith.constant 0 : i32
    %dma_start3A_82 = tpu.memref_slice %arg7[%dma_start3A_80, %dma_start3A_81] : memref<512x128xf32, #tpu.memory_space<vmem>> -> memref<64x128xf32, #tpu.memory_space<vmem>>
    %dma_start3A_83 = arith.constant 0 : i32
    %dma_start3A_84 = tpu.memref_slice %arg6[%dma_start3A_79, %dma_start3A_83] : memref<2x512xi32, #tpu.memory_space<vmem>> -> memref<1x512xi32, #tpu.memory_space<vmem>>
    %dma_start3A_85 = tpu.memref_squeeze %dma_start3A_84 : memref<1x512xi32, #tpu.memory_space<vmem>> -> memref<512xi32, #tpu.memory_space<vmem>>
    %dma_start3A_86 = arith.constant 192 : i32
    %dma_start3A_87 = tpu.memref_slice %dma_start3A_85[%dma_start3A_86] : memref<512xi32, #tpu.memory_space<vmem>> -> memref<64xi32, #tpu.memory_space<vmem>>
    %dma_start3A_88 = arith.constant 0 : i32
    %dma_start3A_89 = arith.constant 0 : i32
    %dma_start3A_90 = tpu.memref_slice %arg5[%dma_start3A_88, %dma_start3A_89] : memref<1000x128xf32, #tpu.memory_space<vmem_shared>> -> memref<1000x128xf32, #tpu.memory_space<vmem_shared>>
    tpu.enqueue_indirect_dma source(%dma_start3A_90 : memref<1000x128xf32, #tpu.memory_space<vmem_shared>>) target(%dma_start3A_82 : memref<64x128xf32, #tpu.memory_space<vmem>>) offsets(%dma_start3A_87 : memref<64xi32, #tpu.memory_space<vmem>>) semaphore(%arg9 : memref<!tpu.dma_semaphore, #tpu.memory_space<semaphore_mem>>)
    %dma_wait3A_91 = arith.constant 64 : i32
    %dma_wait3A_92 = arith.constant 0 : i32
    %dma_wait3A_93 = tpu.memref_slice %arg7[%dma_wait3A_91, %dma_wait3A_92] : memref<512x128xf32, #tpu.memory_space<vmem>> -> memref<64x128xf32, #tpu.memory_space<vmem>>
    %dma_wait3A_94 = arith.constant 0 : i32
    %dma_wait3A_95 = arith.constant 0 : i32
    %dma_wait3A_96 = tpu.memref_slice %arg4[%dma_wait3A_94, %dma_wait3A_95] : memref<3276800x128xf32, #tpu.memory_space<hbm>> -> memref<64x128xf32, #tpu.memory_space<hbm>>
    %dma_wait3A_97 = arith.constant 64 : i32
    %dma_wait3A_98 = arith.constant 0 : i32
    %dma_wait3A_99 = tpu.memref_slice %arg7[%dma_wait3A_97, %dma_wait3A_98] : memref<512x128xf32, #tpu.memory_space<vmem>> -> memref<64x128xf32, #tpu.memory_space<vmem>>
    %dma_wait3A_100 = arith.constant 0 : i32
    %dma_wait3A_101 = arith.constant 0 : i32
    %dma_wait3A_102 = tpu.memref_slice %arg4[%dma_wait3A_100, %dma_wait3A_101] : memref<3276800x128xf32, #tpu.memory_space<hbm>> -> memref<64x128xf32, #tpu.memory_space<hbm>>
    tpu.wait_dma2 semaphore(%arg9 : memref<!tpu.dma_semaphore, #tpu.memory_space<semaphore_mem>>) src(%dma_wait3A_102 : memref<64x128xf32, #tpu.memory_space<hbm>>) dst(%dma_wait3A_99 : memref<64x128xf32, #tpu.memory_space<vmem>>)
    %add3A_103 = arith.constant 64 : i32
    %add3A_104 = arith.addi %add3A_9, %add3A_103 : i32
    %dma_start3A_105 = arith.constant 64 : i32
    %dma_start3A_106 = arith.constant 0 : i32
    %dma_start3A_107 = tpu.memref_slice %arg7[%dma_start3A_105, %dma_start3A_106] : memref<512x128xf32, #tpu.memory_space<vmem>> -> memref<64x128xf32, #tpu.memory_space<vmem>>
    %dma_start3A_108 = arith.constant 0 : i32
    %dma_start3A_109 = tpu.memref_slice %arg4[%add3A_104, %dma_start3A_108] : memref<3276800x128xf32, #tpu.memory_space<hbm>> -> memref<64x128xf32, #tpu.memory_space<hbm>>
    %dma_start3A_110 = arith.constant 0 : i32
    %dma_start3A_111 = tpu.memref_slice %arg4[%add3A_104, %dma_start3A_110] : memref<3276800x128xf32, #tpu.memory_space<hbm>> -> memref<64x128xf32, #tpu.memory_space<hbm>>
    %dma_start3A_112 = arith.constant 64 : i32
    %dma_start3A_113 = arith.constant 0 : i32
    %dma_start3A_114 = tpu.memref_slice %arg7[%dma_start3A_112, %dma_start3A_113] : memref<512x128xf32, #tpu.memory_space<vmem>> -> memref<64x128xf32, #tpu.memory_space<vmem>>
    tpu.enqueue_dma source(%dma_start3A_114 : memref<64x128xf32, #tpu.memory_space<vmem>>) target(%dma_start3A_111 : memref<64x128xf32, #tpu.memory_space<hbm>>) target_semaphore(%arg10 : memref<!tpu.dma_semaphore, #tpu.memory_space<semaphore_mem>>)
    %dma_start3A_115 = arith.constant 0 : i32
    %dma_start3A_116 = arith.constant 256 : i32
    %dma_start3A_117 = arith.constant 0 : i32
    %dma_start3A_118 = tpu.memref_slice %arg7[%dma_start3A_116, %dma_start3A_117] : memref<512x128xf32, #tpu.memory_space<vmem>> -> memref<64x128xf32, #tpu.memory_space<vmem>>
    %dma_start3A_119 = arith.constant 0 : i32
    %dma_start3A_120 = tpu.memref_slice %arg6[%dma_start3A_115, %dma_start3A_119] : memref<2x512xi32, #tpu.memory_space<vmem>> -> memref<1x512xi32, #tpu.memory_space<vmem>>
    %dma_start3A_121 = tpu.memref_squeeze %dma_start3A_120 : memref<1x512xi32, #tpu.memory_space<vmem>> -> memref<512xi32, #tpu.memory_space<vmem>>
    %dma_start3A_122 = arith.constant 256 : i32
    %dma_start3A_123 = tpu.memref_slice %dma_start3A_121[%dma_start3A_122] : memref<512xi32, #tpu.memory_space<vmem>> -> memref<64xi32, #tpu.memory_space<vmem>>
    %dma_start3A_124 = arith.constant 0 : i32
    %dma_start3A_125 = arith.constant 0 : i32
    %dma_start3A_126 = tpu.memref_slice %arg5[%dma_start3A_124, %dma_start3A_125] : memref<1000x128xf32, #tpu.memory_space<vmem_shared>> -> memref<1000x128xf32, #tpu.memory_space<vmem_shared>>
    tpu.enqueue_indirect_dma source(%dma_start3A_126 : memref<1000x128xf32, #tpu.memory_space<vmem_shared>>) target(%dma_start3A_118 : memref<64x128xf32, #tpu.memory_space<vmem>>) offsets(%dma_start3A_123 : memref<64xi32, #tpu.memory_space<vmem>>) semaphore(%arg9 : memref<!tpu.dma_semaphore, #tpu.memory_space<semaphore_mem>>)
    %dma_wait3A_127 = arith.constant 128 : i32
    %dma_wait3A_128 = arith.constant 0 : i32
    %dma_wait3A_129 = tpu.memref_slice %arg7[%dma_wait3A_127, %dma_wait3A_128] : memref<512x128xf32, #tpu.memory_space<vmem>> -> memref<64x128xf32, #tpu.memory_space<vmem>>
    %dma_wait3A_130 = arith.constant 0 : i32
    %dma_wait3A_131 = arith.constant 0 : i32
    %dma_wait3A_132 = tpu.memref_slice %arg4[%dma_wait3A_130, %dma_wait3A_131] : memref<3276800x128xf32, #tpu.memory_space<hbm>> -> memref<64x128xf32, #tpu.memory_space<hbm>>
    %dma_wait3A_133 = arith.constant 128 : i32
    %dma_wait3A_134 = arith.constant 0 : i32
    %dma_wait3A_135 = tpu.memref_slice %arg7[%dma_wait3A_133, %dma_wait3A_134] : memref<512x128xf32, #tpu.memory_space<vmem>> -> memref<64x128xf32, #tpu.memory_space<vmem>>
    %dma_wait3A_136 = arith.constant 0 : i32
    %dma_wait3A_137 = arith.constant 0 : i32
    %dma_wait3A_138 = tpu.memref_slice %arg4[%dma_wait3A_136, %dma_wait3A_137] : memref<3276800x128xf32, #tpu.memory_space<hbm>> -> memref<64x128xf32, #tpu.memory_space<hbm>>
    tpu.wait_dma2 semaphore(%arg9 : memref<!tpu.dma_semaphore, #tpu.memory_space<semaphore_mem>>) src(%dma_wait3A_138 : memref<64x128xf32, #tpu.memory_space<hbm>>) dst(%dma_wait3A_135 : memref<64x128xf32, #tpu.memory_space<vmem>>)
    %add3A_139 = arith.constant 128 : i32
    %add3A_140 = arith.addi %add3A_9, %add3A_139 : i32
    %dma_start3A_141 = arith.constant 128 : i32
    %dma_start3A_142 = arith.constant 0 : i32
    %dma_start3A_143 = tpu.memref_slice %arg7[%dma_start3A_141, %dma_start3A_142] : memref<512x128xf32, #tpu.memory_space<vmem>> -> memref<64x128xf32, #tpu.memory_space<vmem>>
    %dma_start3A_144 = arith.constant 0 : i32
    %dma_start3A_145 = tpu.memref_slice %arg4[%add3A_140, %dma_start3A_144] : memref<3276800x128xf32, #tpu.memory_space<hbm>> -> memref<64x128xf32, #tpu.memory_space<hbm>>
    %dma_start3A_146 = arith.constant 0 : i32
    %dma_start3A_147 = tpu.memref_slice %arg4[%add3A_140, %dma_start3A_146] : memref<3276800x128xf32, #tpu.memory_space<hbm>> -> memref<64x128xf32, #tpu.memory_space<hbm>>
    %dma_start3A_148 = arith.constant 128 : i32
    %dma_start3A_149 = arith.constant 0 : i32
    %dma_start3A_150 = tpu.memref_slice %arg7[%dma_start3A_148, %dma_start3A_149] : memref<512x128xf32, #tpu.memory_space<vmem>> -> memref<64x128xf32, #tpu.memory_space<vmem>>
    tpu.enqueue_dma source(%dma_start3A_150 : memref<64x128xf32, #tpu.memory_space<vmem>>) target(%dma_start3A_147 : memref<64x128xf32, #tpu.memory_space<hbm>>) target_semaphore(%arg10 : memref<!tpu.dma_semaphore, #tpu.memory_space<semaphore_mem>>)
    %dma_start3A_151 = arith.constant 0 : i32
    %dma_start3A_152 = arith.constant 320 : i32
    %dma_start3A_153 = arith.constant 0 : i32
    %dma_start3A_154 = tpu.memref_slice %arg7[%dma_start3A_152, %dma_start3A_153] : memref<512x128xf32, #tpu.memory_space<vmem>> -> memref<64x128xf32, #tpu.memory_space<vmem>>
    %dma_start3A_155 = arith.constant 0 : i32
    %dma_start3A_156 = tpu.memref_slice %arg6[%dma_start3A_151, %dma_start3A_155] : memref<2x512xi32, #tpu.memory_space<vmem>> -> memref<1x512xi32, #tpu.memory_space<vmem>>
    %dma_start3A_157 = tpu.memref_squeeze %dma_start3A_156 : memref<1x512xi32, #tpu.memory_space<vmem>> -> memref<512xi32, #tpu.memory_space<vmem>>
    %dma_start3A_158 = arith.constant 320 : i32
    %dma_start3A_159 = tpu.memref_slice %dma_start3A_157[%dma_start3A_158] : memref<512xi32, #tpu.memory_space<vmem>> -> memref<64xi32, #tpu.memory_space<vmem>>
    %dma_start3A_160 = arith.constant 0 : i32
    %dma_start3A_161 = arith.constant 0 : i32
    %dma_start3A_162 = tpu.memref_slice %arg5[%dma_start3A_160, %dma_start3A_161] : memref<1000x128xf32, #tpu.memory_space<vmem_shared>> -> memref<1000x128xf32, #tpu.memory_space<vmem_shared>>
    tpu.enqueue_indirect_dma source(%dma_start3A_162 : memref<1000x128xf32, #tpu.memory_space<vmem_shared>>) target(%dma_start3A_154 : memref<64x128xf32, #tpu.memory_space<vmem>>) offsets(%dma_start3A_159 : memref<64xi32, #tpu.memory_space<vmem>>) semaphore(%arg9 : memref<!tpu.dma_semaphore, #tpu.memory_space<semaphore_mem>>)
    %dma_wait3A_163 = arith.constant 192 : i32
    %dma_wait3A_164 = arith.constant 0 : i32
    %dma_wait3A_165 = tpu.memref_slice %arg7[%dma_wait3A_163, %dma_wait3A_164] : memref<512x128xf32, #tpu.memory_space<vmem>> -> memref<64x128xf32, #tpu.memory_space<vmem>>
    %dma_wait3A_166 = arith.constant 0 : i32
    %dma_wait3A_167 = arith.constant 0 : i32
    %dma_wait3A_168 = tpu.memref_slice %arg4[%dma_wait3A_166, %dma_wait3A_167] : memref<3276800x128xf32, #tpu.memory_space<hbm>> -> memref<64x128xf32, #tpu.memory_space<hbm>>
    %dma_wait3A_169 = arith.constant 192 : i32
    %dma_wait3A_170 = arith.constant 0 : i32
    %dma_wait3A_171 = tpu.memref_slice %arg7[%dma_wait3A_169, %dma_wait3A_170] : memref<512x128xf32, #tpu.memory_space<vmem>> -> memref<64x128xf32, #tpu.memory_space<vmem>>
    %dma_wait3A_172 = arith.constant 0 : i32
    %dma_wait3A_173 = arith.constant 0 : i32
    %dma_wait3A_174 = tpu.memref_slice %arg4[%dma_wait3A_172, %dma_wait3A_173] : memref<3276800x128xf32, #tpu.memory_space<hbm>> -> memref<64x128xf32, #tpu.memory_space<hbm>>
    tpu.wait_dma2 semaphore(%arg9 : memref<!tpu.dma_semaphore, #tpu.memory_space<semaphore_mem>>) src(%dma_wait3A_174 : memref<64x128xf32, #tpu.memory_space<hbm>>) dst(%dma_wait3A_171 : memref<64x128xf32, #tpu.memory_space<vmem>>)
    %add3A_175 = arith.constant 192 : i32
    %add3A_176 = arith.addi %add3A_9, %add3A_175 : i32
    %dma_start3A_177 = arith.constant 192 : i32
    %dma_start3A_178 = arith.constant 0 : i32
    %dma_start3A_179 = tpu.memref_slice %arg7[%dma_start3A_177, %dma_start3A_178] : memref<512x128xf32, #tpu.memory_space<vmem>> -> memref<64x128xf32, #tpu.memory_space<vmem>>
    %dma_start3A_180 = arith.constant 0 : i32
    %dma_start3A_181 = tpu.memref_slice %arg4[%add3A_176, %dma_start3A_180] : memref<3276800x128xf32, #tpu.memory_space<hbm>> -> memref<64x128xf32, #tpu.memory_space<hbm>>
    %dma_start3A_182 = arith.constant 0 : i32
    %dma_start3A_183 = tpu.memref_slice %arg4[%add3A_176, %dma_start3A_182] : memref<3276800x128xf32, #tpu.memory_space<hbm>> -> memref<64x128xf32, #tpu.memory_space<hbm>>
    %dma_start3A_184 = arith.constant 192 : i32
    %dma_start3A_185 = arith.constant 0 : i32
    %dma_start3A_186 = tpu.memref_slice %arg7[%dma_start3A_184, %dma_start3A_185] : memref<512x128xf32, #tpu.memory_space<vmem>> -> memref<64x128xf32, #tpu.memory_space<vmem>>
    tpu.enqueue_dma source(%dma_start3A_186 : memref<64x128xf32, #tpu.memory_space<vmem>>) target(%dma_start3A_183 : memref<64x128xf32, #tpu.memory_space<hbm>>) target_semaphore(%arg10 : memref<!tpu.dma_semaphore, #tpu.memory_space<semaphore_mem>>)
    %dma_start3A_187 = arith.constant 0 : i32
    %dma_start3A_188 = arith.constant 384 : i32
    %dma_start3A_189 = arith.constant 0 : i32
    %dma_start3A_190 = tpu.memref_slice %arg7[%dma_start3A_188, %dma_start3A_189] : memref<512x128xf32, #tpu.memory_space<vmem>> -> memref<64x128xf32, #tpu.memory_space<vmem>>
    %dma_start3A_191 = arith.constant 0 : i32
    %dma_start3A_192 = tpu.memref_slice %arg6[%dma_start3A_187, %dma_start3A_191] : memref<2x512xi32, #tpu.memory_space<vmem>> -> memref<1x512xi32, #tpu.memory_space<vmem>>
    %dma_start3A_193 = tpu.memref_squeeze %dma_start3A_192 : memref<1x512xi32, #tpu.memory_space<vmem>> -> memref<512xi32, #tpu.memory_space<vmem>>
    %dma_start3A_194 = arith.constant 384 : i32
    %dma_start3A_195 = tpu.memref_slice %dma_start3A_193[%dma_start3A_194] : memref<512xi32, #tpu.memory_space<vmem>> -> memref<64xi32, #tpu.memory_space<vmem>>
    %dma_start3A_196 = arith.constant 0 : i32
    %dma_start3A_197 = arith.constant 0 : i32
    %dma_start3A_198 = tpu.memref_slice %arg5[%dma_start3A_196, %dma_start3A_197] : memref<1000x128xf32, #tpu.memory_space<vmem_shared>> -> memref<1000x128xf32, #tpu.memory_space<vmem_shared>>
    tpu.enqueue_indirect_dma source(%dma_start3A_198 : memref<1000x128xf32, #tpu.memory_space<vmem_shared>>) target(%dma_start3A_190 : memref<64x128xf32, #tpu.memory_space<vmem>>) offsets(%dma_start3A_195 : memref<64xi32, #tpu.memory_space<vmem>>) semaphore(%arg9 : memref<!tpu.dma_semaphore, #tpu.memory_space<semaphore_mem>>)
    %dma_wait3A_199 = arith.constant 256 : i32
    %dma_wait3A_200 = arith.constant 0 : i32
    %dma_wait3A_201 = tpu.memref_slice %arg7[%dma_wait3A_199, %dma_wait3A_200] : memref<512x128xf32, #tpu.memory_space<vmem>> -> memref<64x128xf32, #tpu.memory_space<vmem>>
    %dma_wait3A_202 = arith.constant 0 : i32
    %dma_wait3A_203 = arith.constant 0 : i32
    %dma_wait3A_204 = tpu.memref_slice %arg4[%dma_wait3A_202, %dma_wait3A_203] : memref<3276800x128xf32, #tpu.memory_space<hbm>> -> memref<64x128xf32, #tpu.memory_space<hbm>>
    %dma_wait3A_205 = arith.constant 256 : i32
    %dma_wait3A_206 = arith.constant 0 : i32
    %dma_wait3A_207 = tpu.memref_slice %arg7[%dma_wait3A_205, %dma_wait3A_206] : memref<512x128xf32, #tpu.memory_space<vmem>> -> memref<64x128xf32, #tpu.memory_space<vmem>>
    %dma_wait3A_208 = arith.constant 0 : i32
    %dma_wait3A_209 = arith.constant 0 : i32
    %dma_wait3A_210 = tpu.memref_slice %arg4[%dma_wait3A_208, %dma_wait3A_209] : memref<3276800x128xf32, #tpu.memory_space<hbm>> -> memref<64x128xf32, #tpu.memory_space<hbm>>
    tpu.wait_dma2 semaphore(%arg9 : memref<!tpu.dma_semaphore, #tpu.memory_space<semaphore_mem>>) src(%dma_wait3A_210 : memref<64x128xf32, #tpu.memory_space<hbm>>) dst(%dma_wait3A_207 : memref<64x128xf32, #tpu.memory_space<vmem>>)
    %add3A_211 = arith.constant 256 : i32
    %add3A_212 = arith.addi %add3A_9, %add3A_211 : i32
    %dma_start3A_213 = arith.constant 256 : i32
    %dma_start3A_214 = arith.constant 0 : i32
    %dma_start3A_215 = tpu.memref_slice %arg7[%dma_start3A_213, %dma_start3A_214] : memref<512x128xf32, #tpu.memory_space<vmem>> -> memref<64x128xf32, #tpu.memory_space<vmem>>
    %dma_start3A_216 = arith.constant 0 : i32
    %dma_start3A_217 = tpu.memref_slice %arg4[%add3A_212, %dma_start3A_216] : memref<3276800x128xf32, #tpu.memory_space<hbm>> -> memref<64x128xf32, #tpu.memory_space<hbm>>
    %dma_start3A_218 = arith.constant 0 : i32
    %dma_start3A_219 = tpu.memref_slice %arg4[%add3A_212, %dma_start3A_218] : memref<3276800x128xf32, #tpu.memory_space<hbm>> -> memref<64x128xf32, #tpu.memory_space<hbm>>
    %dma_start3A_220 = arith.constant 256 : i32
    %dma_start3A_221 = arith.constant 0 : i32
    %dma_start3A_222 = tpu.memref_slice %arg7[%dma_start3A_220, %dma_start3A_221] : memref<512x128xf32, #tpu.memory_space<vmem>> -> memref<64x128xf32, #tpu.memory_space<vmem>>
    tpu.enqueue_dma source(%dma_start3A_222 : memref<64x128xf32, #tpu.memory_space<vmem>>) target(%dma_start3A_219 : memref<64x128xf32, #tpu.memory_space<hbm>>) target_semaphore(%arg10 : memref<!tpu.dma_semaphore, #tpu.memory_space<semaphore_mem>>)
    %dma_start3A_223 = arith.constant 0 : i32
    %dma_start3A_224 = arith.constant 448 : i32
    %dma_start3A_225 = arith.constant 0 : i32
    %dma_start3A_226 = tpu.memref_slice %arg7[%dma_start3A_224, %dma_start3A_225] : memref<512x128xf32, #tpu.memory_space<vmem>> -> memref<64x128xf32, #tpu.memory_space<vmem>>
    %dma_start3A_227 = arith.constant 0 : i32
    %dma_start3A_228 = tpu.memref_slice %arg6[%dma_start3A_223, %dma_start3A_227] : memref<2x512xi32, #tpu.memory_space<vmem>> -> memref<1x512xi32, #tpu.memory_space<vmem>>
    %dma_start3A_229 = tpu.memref_squeeze %dma_start3A_228 : memref<1x512xi32, #tpu.memory_space<vmem>> -> memref<512xi32, #tpu.memory_space<vmem>>
    %dma_start3A_230 = arith.constant 448 : i32
    %dma_start3A_231 = tpu.memref_slice %dma_start3A_229[%dma_start3A_230] : memref<512xi32, #tpu.memory_space<vmem>> -> memref<64xi32, #tpu.memory_space<vmem>>
    %dma_start3A_232 = arith.constant 0 : i32
    %dma_start3A_233 = arith.constant 0 : i32
    %dma_start3A_234 = tpu.memref_slice %arg5[%dma_start3A_232, %dma_start3A_233] : memref<1000x128xf32, #tpu.memory_space<vmem_shared>> -> memref<1000x128xf32, #tpu.memory_space<vmem_shared>>
    tpu.enqueue_indirect_dma source(%dma_start3A_234 : memref<1000x128xf32, #tpu.memory_space<vmem_shared>>) target(%dma_start3A_226 : memref<64x128xf32, #tpu.memory_space<vmem>>) offsets(%dma_start3A_231 : memref<64xi32, #tpu.memory_space<vmem>>) semaphore(%arg9 : memref<!tpu.dma_semaphore, #tpu.memory_space<semaphore_mem>>)
    %scan3A = arith.constant 0 : i32
    %scan3A_235 = arith.constant 0 : i32
    %scan3A_236 = arith.constant 99 : i32
    %scan3A_237 = arith.addi %scan3A_235, %scan3A_236 : i32
    %scan3A_238 = arith.constant 1 : i32
    scf.for %scan3A_828 = %scan3A_235 to %scan3A_237 step %scan3A_238  : i32 {
      %mul3A_829 = arith.constant 2 : i32
      %mul3A_830 = arith.muli %mul3A_829, %scan3A_828 : i32
      %add3A_831 = arith.constant 1 : i32
      %add3A_832 = arith.addi %mul3A_830, %add3A_831 : i32
      %dma_wait3A_833 = arith.constant 1 : i32
      %dma_wait3A_834 = arith.constant 0 : i32
      %dma_wait3A_835 = tpu.memref_slice %arg6[%dma_wait3A_833, %dma_wait3A_834] : memref<2x512xi32, #tpu.memory_space<vmem>> -> memref<1x512xi32, #tpu.memory_space<vmem>>
      %dma_wait3A_836 = tpu.memref_squeeze %dma_wait3A_835 : memref<1x512xi32, #tpu.memory_space<vmem>> -> memref<512xi32, #tpu.memory_space<vmem>>
      %dma_wait3A_837 = tpu.memref_slice %arg2[%mul3A_4] : memref<3276800xi32, #tpu.memory_space<hbm>> -> memref<512xi32, #tpu.memory_space<hbm>>
      %dma_wait3A_838 = arith.constant 0 : i32
      %dma_wait3A_839 = tpu.memref_slice %arg6[%dma_wait3A_833, %dma_wait3A_838] : memref<2x512xi32, #tpu.memory_space<vmem>> -> memref<1x512xi32, #tpu.memory_space<vmem>>
      %dma_wait3A_840 = tpu.memref_squeeze %dma_wait3A_839 : memref<1x512xi32, #tpu.memory_space<vmem>> -> memref<512xi32, #tpu.memory_space<vmem>>
      %dma_wait3A_841 = tpu.memref_slice %arg2[%mul3A_4] : memref<3276800xi32, #tpu.memory_space<hbm>> -> memref<512xi32, #tpu.memory_space<hbm>>
      tpu.wait_dma2 semaphore(%arg8 : memref<!tpu.dma_semaphore, #tpu.memory_space<semaphore_mem>>) src(%dma_wait3A_841 : memref<512xi32, #tpu.memory_space<hbm>>) dst(%dma_wait3A_840 : memref<512xi32, #tpu.memory_space<vmem>>)
      %mul3A_842 = arith.constant 512 : i32
      %mul3A_843 = arith.muli %add3A_832, %mul3A_842 : i32
      %add3A_844 = arith.addi %mul3A_4, %mul3A_843 : i32
      %dma_wait3A_845 = arith.constant 320 : i32
      %dma_wait3A_846 = arith.constant 0 : i32
      %dma_wait3A_847 = tpu.memref_slice %arg7[%dma_wait3A_845, %dma_wait3A_846] : memref<512x128xf32, #tpu.memory_space<vmem>> -> memref<64x128xf32, #tpu.memory_space<vmem>>
      %dma_wait3A_848 = arith.constant 0 : i32
      %dma_wait3A_849 = arith.constant 0 : i32
      %dma_wait3A_850 = tpu.memref_slice %arg4[%dma_wait3A_848, %dma_wait3A_849] : memref<3276800x128xf32, #tpu.memory_space<hbm>> -> memref<64x128xf32, #tpu.memory_space<hbm>>
      %dma_wait3A_851 = arith.constant 320 : i32
      %dma_wait3A_852 = arith.constant 0 : i32
      %dma_wait3A_853 = tpu.memref_slice %arg7[%dma_wait3A_851, %dma_wait3A_852] : memref<512x128xf32, #tpu.memory_space<vmem>> -> memref<64x128xf32, #tpu.memory_space<vmem>>
      %dma_wait3A_854 = arith.constant 0 : i32
      %dma_wait3A_855 = arith.constant 0 : i32
      %dma_wait3A_856 = tpu.memref_slice %arg4[%dma_wait3A_854, %dma_wait3A_855] : memref<3276800x128xf32, #tpu.memory_space<hbm>> -> memref<64x128xf32, #tpu.memory_space<hbm>>
      tpu.wait_dma2 semaphore(%arg9 : memref<!tpu.dma_semaphore, #tpu.memory_space<semaphore_mem>>) src(%dma_wait3A_856 : memref<64x128xf32, #tpu.memory_space<hbm>>) dst(%dma_wait3A_853 : memref<64x128xf32, #tpu.memory_space<vmem>>)
      %add3A_857 = arith.constant -192 : i32
      %add3A_858 = arith.addi %add3A_844, %add3A_857 : i32
      %dma_start3A_859 = arith.constant 320 : i32
      %dma_start3A_860 = arith.constant 0 : i32
      %dma_start3A_861 = tpu.memref_slice %arg7[%dma_start3A_859, %dma_start3A_860] : memref<512x128xf32, #tpu.memory_space<vmem>> -> memref<64x128xf32, #tpu.memory_space<vmem>>
      %dma_start3A_862 = arith.constant 0 : i32
      %dma_start3A_863 = tpu.memref_slice %arg4[%add3A_858, %dma_start3A_862] : memref<3276800x128xf32, #tpu.memory_space<hbm>> -> memref<64x128xf32, #tpu.memory_space<hbm>>
      %dma_start3A_864 = arith.constant 0 : i32
      %dma_start3A_865 = tpu.memref_slice %arg4[%add3A_858, %dma_start3A_864] : memref<3276800x128xf32, #tpu.memory_space<hbm>> -> memref<64x128xf32, #tpu.memory_space<hbm>>
      %dma_start3A_866 = arith.constant 320 : i32
      %dma_start3A_867 = arith.constant 0 : i32
      %dma_start3A_868 = tpu.memref_slice %arg7[%dma_start3A_866, %dma_start3A_867] : memref<512x128xf32, #tpu.memory_space<vmem>> -> memref<64x128xf32, #tpu.memory_space<vmem>>
      tpu.enqueue_dma source(%dma_start3A_868 : memref<64x128xf32, #tpu.memory_space<vmem>>) target(%dma_start3A_865 : memref<64x128xf32, #tpu.memory_space<hbm>>) target_semaphore(%arg10 : memref<!tpu.dma_semaphore, #tpu.memory_space<semaphore_mem>>)
      %dma_wait3A_869 = arith.constant 0 : i32
      %dma_wait3A_870 = arith.constant 0 : i32
      %dma_wait3A_871 = tpu.memref_slice %arg7[%dma_wait3A_869, %dma_wait3A_870] : memref<512x128xf32, #tpu.memory_space<vmem>> -> memref<64x128xf32, #tpu.memory_space<vmem>>
      %dma_wait3A_872 = arith.constant 0 : i32
      %dma_wait3A_873 = arith.constant 0 : i32
      %dma_wait3A_874 = tpu.memref_slice %arg4[%dma_wait3A_872, %dma_wait3A_873] : memref<3276800x128xf32, #tpu.memory_space<hbm>> -> memref<64x128xf32, #tpu.memory_space<hbm>>
      %dma_wait3A_875 = arith.constant 0 : i32
      %dma_wait3A_876 = arith.constant 0 : i32
      %dma_wait3A_877 = tpu.memref_slice %arg4[%dma_wait3A_875, %dma_wait3A_876] : memref<3276800x128xf32, #tpu.memory_space<hbm>> -> memref<64x128xf32, #tpu.memory_space<hbm>>
      %dma_wait3A_878 = arith.constant 0 : i32
      %dma_wait3A_879 = arith.constant 0 : i32
      %dma_wait3A_880 = tpu.memref_slice %arg7[%dma_wait3A_878, %dma_wait3A_879] : memref<512x128xf32, #tpu.memory_space<vmem>> -> memref<64x128xf32, #tpu.memory_space<vmem>>
      tpu.wait_dma2 semaphore(%arg10 : memref<!tpu.dma_semaphore, #tpu.memory_space<semaphore_mem>>) src(%dma_wait3A_880 : memref<64x128xf32, #tpu.memory_space<vmem>>) dst(%dma_wait3A_877 : memref<64x128xf32, #tpu.memory_space<hbm>>)
      %dma_start3A_881 = arith.constant 1 : i32
      %dma_start3A_882 = arith.constant 0 : i32
      %dma_start3A_883 = arith.constant 0 : i32
      %dma_start3A_884 = tpu.memref_slice %arg7[%dma_start3A_882, %dma_start3A_883] : memref<512x128xf32, #tpu.memory_space<vmem>> -> memref<64x128xf32, #tpu.memory_space<vmem>>
      %dma_start3A_885 = arith.constant 0 : i32
      %dma_start3A_886 = tpu.memref_slice %arg6[%dma_start3A_881, %dma_start3A_885] : memref<2x512xi32, #tpu.memory_space<vmem>> -> memref<1x512xi32, #tpu.memory_space<vmem>>
      %dma_start3A_887 = tpu.memref_squeeze %dma_start3A_886 : memref<1x512xi32, #tpu.memory_space<vmem>> -> memref<512xi32, #tpu.memory_space<vmem>>
      %dma_start3A_888 = arith.constant 0 : i32
      %dma_start3A_889 = tpu.memref_slice %dma_start3A_887[%dma_start3A_888] : memref<512xi32, #tpu.memory_space<vmem>> -> memref<64xi32, #tpu.memory_space<vmem>>
      %dma_start3A_890 = arith.constant 0 : i32
      %dma_start3A_891 = arith.constant 0 : i32
      %dma_start3A_892 = tpu.memref_slice %arg5[%dma_start3A_890, %dma_start3A_891] : memref<1000x128xf32, #tpu.memory_space<vmem_shared>> -> memref<1000x128xf32, #tpu.memory_space<vmem_shared>>
      tpu.enqueue_indirect_dma source(%dma_start3A_892 : memref<1000x128xf32, #tpu.memory_space<vmem_shared>>) target(%dma_start3A_884 : memref<64x128xf32, #tpu.memory_space<vmem>>) offsets(%dma_start3A_889 : memref<64xi32, #tpu.memory_space<vmem>>) semaphore(%arg9 : memref<!tpu.dma_semaphore, #tpu.memory_space<semaphore_mem>>)
      %dma_wait3A_893 = arith.constant 384 : i32
      %dma_wait3A_894 = arith.constant 0 : i32
      %dma_wait3A_895 = tpu.memref_slice %arg7[%dma_wait3A_893, %dma_wait3A_894] : memref<512x128xf32, #tpu.memory_space<vmem>> -> memref<64x128xf32, #tpu.memory_space<vmem>>
      %dma_wait3A_896 = arith.constant 0 : i32
      %dma_wait3A_897 = arith.constant 0 : i32
      %dma_wait3A_898 = tpu.memref_slice %arg4[%dma_wait3A_896, %dma_wait3A_897] : memref<3276800x128xf32, #tpu.memory_space<hbm>> -> memref<64x128xf32, #tpu.memory_space<hbm>>
      %dma_wait3A_899 = arith.constant 384 : i32
      %dma_wait3A_900 = arith.constant 0 : i32
      %dma_wait3A_901 = tpu.memref_slice %arg7[%dma_wait3A_899, %dma_wait3A_900] : memref<512x128xf32, #tpu.memory_space<vmem>> -> memref<64x128xf32, #tpu.memory_space<vmem>>
      %dma_wait3A_902 = arith.constant 0 : i32
      %dma_wait3A_903 = arith.constant 0 : i32
      %dma_wait3A_904 = tpu.memref_slice %arg4[%dma_wait3A_902, %dma_wait3A_903] : memref<3276800x128xf32, #tpu.memory_space<hbm>> -> memref<64x128xf32, #tpu.memory_space<hbm>>
      tpu.wait_dma2 semaphore(%arg9 : memref<!tpu.dma_semaphore, #tpu.memory_space<semaphore_mem>>) src(%dma_wait3A_904 : memref<64x128xf32, #tpu.memory_space<hbm>>) dst(%dma_wait3A_901 : memref<64x128xf32, #tpu.memory_space<vmem>>)
      %add3A_905 = arith.constant -128 : i32
      %add3A_906 = arith.addi %add3A_844, %add3A_905 : i32
      %dma_start3A_907 = arith.constant 384 : i32
      %dma_start3A_908 = arith.constant 0 : i32
      %dma_start3A_909 = tpu.memref_slice %arg7[%dma_start3A_907, %dma_start3A_908] : memref<512x128xf32, #tpu.memory_space<vmem>> -> memref<64x128xf32, #tpu.memory_space<vmem>>
      %dma_start3A_910 = arith.constant 0 : i32
      %dma_start3A_911 = tpu.memref_slice %arg4[%add3A_906, %dma_start3A_910] : memref<3276800x128xf32, #tpu.memory_space<hbm>> -> memref<64x128xf32, #tpu.memory_space<hbm>>
      %dma_start3A_912 = arith.constant 0 : i32
      %dma_start3A_913 = tpu.memref_slice %arg4[%add3A_906, %dma_start3A_912] : memref<3276800x128xf32, #tpu.memory_space<hbm>> -> memref<64x128xf32, #tpu.memory_space<hbm>>
      %dma_start3A_914 = arith.constant 384 : i32
      %dma_start3A_915 = arith.constant 0 : i32
      %dma_start3A_916 = tpu.memref_slice %arg7[%dma_start3A_914, %dma_start3A_915] : memref<512x128xf32, #tpu.memory_space<vmem>> -> memref<64x128xf32, #tpu.memory_space<vmem>>
      tpu.enqueue_dma source(%dma_start3A_916 : memref<64x128xf32, #tpu.memory_space<vmem>>) target(%dma_start3A_913 : memref<64x128xf32, #tpu.memory_space<hbm>>) target_semaphore(%arg10 : memref<!tpu.dma_semaphore, #tpu.memory_space<semaphore_mem>>)
      %dma_wait3A_917 = arith.constant 0 : i32
      %dma_wait3A_918 = arith.constant 0 : i32
      %dma_wait3A_919 = tpu.memref_slice %arg7[%dma_wait3A_917, %dma_wait3A_918] : memref<512x128xf32, #tpu.memory_space<vmem>> -> memref<64x128xf32, #tpu.memory_space<vmem>>
      %dma_wait3A_920 = arith.constant 0 : i32
      %dma_wait3A_921 = arith.constant 0 : i32
      %dma_wait3A_922 = tpu.memref_slice %arg4[%dma_wait3A_920, %dma_wait3A_921] : memref<3276800x128xf32, #tpu.memory_space<hbm>> -> memref<64x128xf32, #tpu.memory_space<hbm>>
      %dma_wait3A_923 = arith.constant 0 : i32
      %dma_wait3A_924 = arith.constant 0 : i32
      %dma_wait3A_925 = tpu.memref_slice %arg4[%dma_wait3A_923, %dma_wait3A_924] : memref<3276800x128xf32, #tpu.memory_space<hbm>> -> memref<64x128xf32, #tpu.memory_space<hbm>>
      %dma_wait3A_926 = arith.constant 0 : i32
      %dma_wait3A_927 = arith.constant 0 : i32
      %dma_wait3A_928 = tpu.memref_slice %arg7[%dma_wait3A_926, %dma_wait3A_927] : memref<512x128xf32, #tpu.memory_space<vmem>> -> memref<64x128xf32, #tpu.memory_space<vmem>>
      tpu.wait_dma2 semaphore(%arg10 : memref<!tpu.dma_semaphore, #tpu.memory_space<semaphore_mem>>) src(%dma_wait3A_928 : memref<64x128xf32, #tpu.memory_space<vmem>>) dst(%dma_wait3A_925 : memref<64x128xf32, #tpu.memory_space<hbm>>)
      %dma_start3A_929 = arith.constant 1 : i32
      %dma_start3A_930 = arith.constant 64 : i32
      %dma_start3A_931 = arith.constant 0 : i32
      %dma_start3A_932 = tpu.memref_slice %arg7[%dma_start3A_930, %dma_start3A_931] : memref<512x128xf32, #tpu.memory_space<vmem>> -> memref<64x128xf32, #tpu.memory_space<vmem>>
      %dma_start3A_933 = arith.constant 0 : i32
      %dma_start3A_934 = tpu.memref_slice %arg6[%dma_start3A_929, %dma_start3A_933] : memref<2x512xi32, #tpu.memory_space<vmem>> -> memref<1x512xi32, #tpu.memory_space<vmem>>
      %dma_start3A_935 = tpu.memref_squeeze %dma_start3A_934 : memref<1x512xi32, #tpu.memory_space<vmem>> -> memref<512xi32, #tpu.memory_space<vmem>>
      %dma_start3A_936 = arith.constant 64 : i32
      %dma_start3A_937 = tpu.memref_slice %dma_start3A_935[%dma_start3A_936] : memref<512xi32, #tpu.memory_space<vmem>> -> memref<64xi32, #tpu.memory_space<vmem>>
      %dma_start3A_938 = arith.constant 0 : i32
      %dma_start3A_939 = arith.constant 0 : i32
      %dma_start3A_940 = tpu.memref_slice %arg5[%dma_start3A_938, %dma_start3A_939] : memref<1000x128xf32, #tpu.memory_space<vmem_shared>> -> memref<1000x128xf32, #tpu.memory_space<vmem_shared>>
      tpu.enqueue_indirect_dma source(%dma_start3A_940 : memref<1000x128xf32, #tpu.memory_space<vmem_shared>>) target(%dma_start3A_932 : memref<64x128xf32, #tpu.memory_space<vmem>>) offsets(%dma_start3A_937 : memref<64xi32, #tpu.memory_space<vmem>>) semaphore(%arg9 : memref<!tpu.dma_semaphore, #tpu.memory_space<semaphore_mem>>)
      %dma_wait3A_941 = arith.constant 448 : i32
      %dma_wait3A_942 = arith.constant 0 : i32
      %dma_wait3A_943 = tpu.memref_slice %arg7[%dma_wait3A_941, %dma_wait3A_942] : memref<512x128xf32, #tpu.memory_space<vmem>> -> memref<64x128xf32, #tpu.memory_space<vmem>>
      %dma_wait3A_944 = arith.constant 0 : i32
      %dma_wait3A_945 = arith.constant 0 : i32
      %dma_wait3A_946 = tpu.memref_slice %arg4[%dma_wait3A_944, %dma_wait3A_945] : memref<3276800x128xf32, #tpu.memory_space<hbm>> -> memref<64x128xf32, #tpu.memory_space<hbm>>
      %dma_wait3A_947 = arith.constant 448 : i32
      %dma_wait3A_948 = arith.constant 0 : i32
      %dma_wait3A_949 = tpu.memref_slice %arg7[%dma_wait3A_947, %dma_wait3A_948] : memref<512x128xf32, #tpu.memory_space<vmem>> -> memref<64x128xf32, #tpu.memory_space<vmem>>
      %dma_wait3A_950 = arith.constant 0 : i32
      %dma_wait3A_951 = arith.constant 0 : i32
      %dma_wait3A_952 = tpu.memref_slice %arg4[%dma_wait3A_950, %dma_wait3A_951] : memref<3276800x128xf32, #tpu.memory_space<hbm>> -> memref<64x128xf32, #tpu.memory_space<hbm>>
      tpu.wait_dma2 semaphore(%arg9 : memref<!tpu.dma_semaphore, #tpu.memory_space<semaphore_mem>>) src(%dma_wait3A_952 : memref<64x128xf32, #tpu.memory_space<hbm>>) dst(%dma_wait3A_949 : memref<64x128xf32, #tpu.memory_space<vmem>>)
      %add3A_953 = arith.constant -64 : i32
      %add3A_954 = arith.addi %add3A_844, %add3A_953 : i32
      %dma_start3A_955 = arith.constant 448 : i32
      %dma_start3A_956 = arith.constant 0 : i32
      %dma_start3A_957 = tpu.memref_slice %arg7[%dma_start3A_955, %dma_start3A_956] : memref<512x128xf32, #tpu.memory_space<vmem>> -> memref<64x128xf32, #tpu.memory_space<vmem>>
      %dma_start3A_958 = arith.constant 0 : i32
      %dma_start3A_959 = tpu.memref_slice %arg4[%add3A_954, %dma_start3A_958] : memref<3276800x128xf32, #tpu.memory_space<hbm>> -> memref<64x128xf32, #tpu.memory_space<hbm>>
      %dma_start3A_960 = arith.constant 0 : i32
      %dma_start3A_961 = tpu.memref_slice %arg4[%add3A_954, %dma_start3A_960] : memref<3276800x128xf32, #tpu.memory_space<hbm>> -> memref<64x128xf32, #tpu.memory_space<hbm>>
      %dma_start3A_962 = arith.constant 448 : i32
      %dma_start3A_963 = arith.constant 0 : i32
      %dma_start3A_964 = tpu.memref_slice %arg7[%dma_start3A_962, %dma_start3A_963] : memref<512x128xf32, #tpu.memory_space<vmem>> -> memref<64x128xf32, #tpu.memory_space<vmem>>
      tpu.enqueue_dma source(%dma_start3A_964 : memref<64x128xf32, #tpu.memory_space<vmem>>) target(%dma_start3A_961 : memref<64x128xf32, #tpu.memory_space<hbm>>) target_semaphore(%arg10 : memref<!tpu.dma_semaphore, #tpu.memory_space<semaphore_mem>>)
      %dma_wait3A_965 = arith.constant 0 : i32
      %dma_wait3A_966 = arith.constant 0 : i32
      %dma_wait3A_967 = tpu.memref_slice %arg7[%dma_wait3A_965, %dma_wait3A_966] : memref<512x128xf32, #tpu.memory_space<vmem>> -> memref<64x128xf32, #tpu.memory_space<vmem>>
      %dma_wait3A_968 = arith.constant 0 : i32
      %dma_wait3A_969 = arith.constant 0 : i32
      %dma_wait3A_970 = tpu.memref_slice %arg4[%dma_wait3A_968, %dma_wait3A_969] : memref<3276800x128xf32, #tpu.memory_space<hbm>> -> memref<64x128xf32, #tpu.memory_space<hbm>>
      %dma_wait3A_971 = arith.constant 0 : i32
      %dma_wait3A_972 = arith.constant 0 : i32
      %dma_wait3A_973 = tpu.memref_slice %arg4[%dma_wait3A_971, %dma_wait3A_972] : memref<3276800x128xf32, #tpu.memory_space<hbm>> -> memref<64x128xf32, #tpu.memory_space<hbm>>
      %dma_wait3A_974 = arith.constant 0 : i32
      %dma_wait3A_975 = arith.constant 0 : i32
      %dma_wait3A_976 = tpu.memref_slice %arg7[%dma_wait3A_974, %dma_wait3A_975] : memref<512x128xf32, #tpu.memory_space<vmem>> -> memref<64x128xf32, #tpu.memory_space<vmem>>
      tpu.wait_dma2 semaphore(%arg10 : memref<!tpu.dma_semaphore, #tpu.memory_space<semaphore_mem>>) src(%dma_wait3A_976 : memref<64x128xf32, #tpu.memory_space<vmem>>) dst(%dma_wait3A_973 : memref<64x128xf32, #tpu.memory_space<hbm>>)
      %dma_start3A_977 = arith.constant 1 : i32
      %dma_start3A_978 = arith.constant 128 : i32
      %dma_start3A_979 = arith.constant 0 : i32
      %dma_start3A_980 = tpu.memref_slice %arg7[%dma_start3A_978, %dma_start3A_979] : memref<512x128xf32, #tpu.memory_space<vmem>> -> memref<64x128xf32, #tpu.memory_space<vmem>>
      %dma_start3A_981 = arith.constant 0 : i32
      %dma_start3A_982 = tpu.memref_slice %arg6[%dma_start3A_977, %dma_start3A_981] : memref<2x512xi32, #tpu.memory_space<vmem>> -> memref<1x512xi32, #tpu.memory_space<vmem>>
      %dma_start3A_983 = tpu.memref_squeeze %dma_start3A_982 : memref<1x512xi32, #tpu.memory_space<vmem>> -> memref<512xi32, #tpu.memory_space<vmem>>
      %dma_start3A_984 = arith.constant 128 : i32
      %dma_start3A_985 = tpu.memref_slice %dma_start3A_983[%dma_start3A_984] : memref<512xi32, #tpu.memory_space<vmem>> -> memref<64xi32, #tpu.memory_space<vmem>>
      %dma_start3A_986 = arith.constant 0 : i32
      %dma_start3A_987 = arith.constant 0 : i32
      %dma_start3A_988 = tpu.memref_slice %arg5[%dma_start3A_986, %dma_start3A_987] : memref<1000x128xf32, #tpu.memory_space<vmem_shared>> -> memref<1000x128xf32, #tpu.memory_space<vmem_shared>>
      tpu.enqueue_indirect_dma source(%dma_start3A_988 : memref<1000x128xf32, #tpu.memory_space<vmem_shared>>) target(%dma_start3A_980 : memref<64x128xf32, #tpu.memory_space<vmem>>) offsets(%dma_start3A_985 : memref<64xi32, #tpu.memory_space<vmem>>) semaphore(%arg9 : memref<!tpu.dma_semaphore, #tpu.memory_space<semaphore_mem>>)
      %add3A_989 = arith.constant 1 : i32
      %add3A_990 = arith.addi %add3A_832, %add3A_989 : i32
      %mul3A_991 = arith.constant 512 : i32
      %mul3A_992 = arith.muli %add3A_990, %mul3A_991 : i32
      %add3A_993 = arith.addi %mul3A_4, %mul3A_992 : i32
      %min3A_994 = arith.minsi %add3A_993, %sub3A_7 : i32
      %dma_start3A_995 = arith.constant 0 : i32
      %dma_start3A_996 = arith.constant 0 : i32
      %dma_start3A_997 = tpu.memref_slice %arg6[%dma_start3A_995, %dma_start3A_996] : memref<2x512xi32, #tpu.memory_space<vmem>> -> memref<1x512xi32, #tpu.memory_space<vmem>>
      %dma_start3A_998 = tpu.memref_squeeze %dma_start3A_997 : memref<1x512xi32, #tpu.memory_space<vmem>> -> memref<512xi32, #tpu.memory_space<vmem>>
      %dma_start3A_999 = tpu.memref_slice %arg2[%min3A_994] : memref<3276800xi32, #tpu.memory_space<hbm>> -> memref<512xi32, #tpu.memory_space<hbm>>
      %dma_start3A_1000 = arith.constant 0 : i32
      %dma_start3A_1001 = tpu.memref_slice %arg6[%dma_start3A_995, %dma_start3A_1000] : memref<2x512xi32, #tpu.memory_space<vmem>> -> memref<1x512xi32, #tpu.memory_space<vmem>>
      %dma_start3A_1002 = tpu.memref_squeeze %dma_start3A_1001 : memref<1x512xi32, #tpu.memory_space<vmem>> -> memref<512xi32, #tpu.memory_space<vmem>>
      %dma_start3A_1003 = tpu.memref_slice %arg2[%min3A_994] : memref<3276800xi32, #tpu.memory_space<hbm>> -> memref<512xi32, #tpu.memory_space<hbm>>
      tpu.enqueue_dma source(%dma_start3A_1003 : memref<512xi32, #tpu.memory_space<hbm>>) target(%dma_start3A_1002 : memref<512xi32, #tpu.memory_space<vmem>>) target_semaphore(%arg8 : memref<!tpu.dma_semaphore, #tpu.memory_space<semaphore_mem>>)
      %dma_wait3A_1004 = arith.constant 0 : i32
      %dma_wait3A_1005 = arith.constant 0 : i32
      %dma_wait3A_1006 = tpu.memref_slice %arg7[%dma_wait3A_1004, %dma_wait3A_1005] : memref<512x128xf32, #tpu.memory_space<vmem>> -> memref<64x128xf32, #tpu.memory_space<vmem>>
      %dma_wait3A_1007 = arith.constant 0 : i32
      %dma_wait3A_1008 = arith.constant 0 : i32
      %dma_wait3A_1009 = tpu.memref_slice %arg4[%dma_wait3A_1007, %dma_wait3A_1008] : memref<3276800x128xf32, #tpu.memory_space<hbm>> -> memref<64x128xf32, #tpu.memory_space<hbm>>
      %dma_wait3A_1010 = arith.constant 0 : i32
      %dma_wait3A_1011 = arith.constant 0 : i32
      %dma_wait3A_1012 = tpu.memref_slice %arg7[%dma_wait3A_1010, %dma_wait3A_1011] : memref<512x128xf32, #tpu.memory_space<vmem>> -> memref<64x128xf32, #tpu.memory_space<vmem>>
      %dma_wait3A_1013 = arith.constant 0 : i32
      %dma_wait3A_1014 = arith.constant 0 : i32
      %dma_wait3A_1015 = tpu.memref_slice %arg4[%dma_wait3A_1013, %dma_wait3A_1014] : memref<3276800x128xf32, #tpu.memory_space<hbm>> -> memref<64x128xf32, #tpu.memory_space<hbm>>
      tpu.wait_dma2 semaphore(%arg9 : memref<!tpu.dma_semaphore, #tpu.memory_space<semaphore_mem>>) src(%dma_wait3A_1015 : memref<64x128xf32, #tpu.memory_space<hbm>>) dst(%dma_wait3A_1012 : memref<64x128xf32, #tpu.memory_space<vmem>>)
      %add3A_1016 = arith.constant 0 : i32
      %add3A_1017 = arith.addi %add3A_844, %add3A_1016 : i32
      %dma_start3A_1018 = arith.constant 0 : i32
      %dma_start3A_1019 = arith.constant 0 : i32
      %dma_start3A_1020 = tpu.memref_slice %arg7[%dma_start3A_1018, %dma_start3A_1019] : memref<512x128xf32, #tpu.memory_space<vmem>> -> memref<64x128xf32, #tpu.memory_space<vmem>>
      %dma_start3A_1021 = arith.constant 0 : i32
      %dma_start3A_1022 = tpu.memref_slice %arg4[%add3A_1017, %dma_start3A_1021] : memref<3276800x128xf32, #tpu.memory_space<hbm>> -> memref<64x128xf32, #tpu.memory_space<hbm>>
      %dma_start3A_1023 = arith.constant 0 : i32
      %dma_start3A_1024 = tpu.memref_slice %arg4[%add3A_1017, %dma_start3A_1023] : memref<3276800x128xf32, #tpu.memory_space<hbm>> -> memref<64x128xf32, #tpu.memory_space<hbm>>
      %dma_start3A_1025 = arith.constant 0 : i32
      %dma_start3A_1026 = arith.constant 0 : i32
      %dma_start3A_1027 = tpu.memref_slice %arg7[%dma_start3A_1025, %dma_start3A_1026] : memref<512x128xf32, #tpu.memory_space<vmem>> -> memref<64x128xf32, #tpu.memory_space<vmem>>
      tpu.enqueue_dma source(%dma_start3A_1027 : memref<64x128xf32, #tpu.memory_space<vmem>>) target(%dma_start3A_1024 : memref<64x128xf32, #tpu.memory_space<hbm>>) target_semaphore(%arg10 : memref<!tpu.dma_semaphore, #tpu.memory_space<semaphore_mem>>)
      %dma_wait3A_1028 = arith.constant 0 : i32
      %dma_wait3A_1029 = arith.constant 0 : i32
      %dma_wait3A_1030 = tpu.memref_slice %arg7[%dma_wait3A_1028, %dma_wait3A_1029] : memref<512x128xf32, #tpu.memory_space<vmem>> -> memref<64x128xf32, #tpu.memory_space<vmem>>
      %dma_wait3A_1031 = arith.constant 0 : i32
      %dma_wait3A_1032 = arith.constant 0 : i32
      %dma_wait3A_1033 = tpu.memref_slice %arg4[%dma_wait3A_1031, %dma_wait3A_1032] : memref<3276800x128xf32, #tpu.memory_space<hbm>> -> memref<64x128xf32, #tpu.memory_space<hbm>>
      %dma_wait3A_1034 = arith.constant 0 : i32
      %dma_wait3A_1035 = arith.constant 0 : i32
      %dma_wait3A_1036 = tpu.memref_slice %arg4[%dma_wait3A_1034, %dma_wait3A_1035] : memref<3276800x128xf32, #tpu.memory_space<hbm>> -> memref<64x128xf32, #tpu.memory_space<hbm>>
      %dma_wait3A_1037 = arith.constant 0 : i32
      %dma_wait3A_1038 = arith.constant 0 : i32
      %dma_wait3A_1039 = tpu.memref_slice %arg7[%dma_wait3A_1037, %dma_wait3A_1038] : memref<512x128xf32, #tpu.memory_space<vmem>> -> memref<64x128xf32, #tpu.memory_space<vmem>>
      tpu.wait_dma2 semaphore(%arg10 : memref<!tpu.dma_semaphore, #tpu.memory_space<semaphore_mem>>) src(%dma_wait3A_1039 : memref<64x128xf32, #tpu.memory_space<vmem>>) dst(%dma_wait3A_1036 : memref<64x128xf32, #tpu.memory_space<hbm>>)
      %dma_start3A_1040 = arith.constant 1 : i32
      %dma_start3A_1041 = arith.constant 192 : i32
      %dma_start3A_1042 = arith.constant 0 : i32
      %dma_start3A_1043 = tpu.memref_slice %arg7[%dma_start3A_1041, %dma_start3A_1042] : memref<512x128xf32, #tpu.memory_space<vmem>> -> memref<64x128xf32, #tpu.memory_space<vmem>>
      %dma_start3A_1044 = arith.constant 0 : i32
      %dma_start3A_1045 = tpu.memref_slice %arg6[%dma_start3A_1040, %dma_start3A_1044] : memref<2x512xi32, #tpu.memory_space<vmem>> -> memref<1x512xi32, #tpu.memory_space<vmem>>
      %dma_start3A_1046 = tpu.memref_squeeze %dma_start3A_1045 : memref<1x512xi32, #tpu.memory_space<vmem>> -> memref<512xi32, #tpu.memory_space<vmem>>
      %dma_start3A_1047 = arith.constant 192 : i32
      %dma_start3A_1048 = tpu.memref_slice %dma_start3A_1046[%dma_start3A_1047] : memref<512xi32, #tpu.memory_space<vmem>> -> memref<64xi32, #tpu.memory_space<vmem>>
      %dma_start3A_1049 = arith.constant 0 : i32
      %dma_start3A_1050 = arith.constant 0 : i32
      %dma_start3A_1051 = tpu.memref_slice %arg5[%dma_start3A_1049, %dma_start3A_1050] : memref<1000x128xf32, #tpu.memory_space<vmem_shared>> -> memref<1000x128xf32, #tpu.memory_space<vmem_shared>>
      tpu.enqueue_indirect_dma source(%dma_start3A_1051 : memref<1000x128xf32, #tpu.memory_space<vmem_shared>>) target(%dma_start3A_1043 : memref<64x128xf32, #tpu.memory_space<vmem>>) offsets(%dma_start3A_1048 : memref<64xi32, #tpu.memory_space<vmem>>) semaphore(%arg9 : memref<!tpu.dma_semaphore, #tpu.memory_space<semaphore_mem>>)
      %dma_wait3A_1052 = arith.constant 64 : i32
      %dma_wait3A_1053 = arith.constant 0 : i32
      %dma_wait3A_1054 = tpu.memref_slice %arg7[%dma_wait3A_1052, %dma_wait3A_1053] : memref<512x128xf32, #tpu.memory_space<vmem>> -> memref<64x128xf32, #tpu.memory_space<vmem>>
      %dma_wait3A_1055 = arith.constant 0 : i32
      %dma_wait3A_1056 = arith.constant 0 : i32
      %dma_wait3A_1057 = tpu.memref_slice %arg4[%dma_wait3A_1055, %dma_wait3A_1056] : memref<3276800x128xf32, #tpu.memory_space<hbm>> -> memref<64x128xf32, #tpu.memory_space<hbm>>
      %dma_wait3A_1058 = arith.constant 64 : i32
      %dma_wait3A_1059 = arith.constant 0 : i32
      %dma_wait3A_1060 = tpu.memref_slice %arg7[%dma_wait3A_1058, %dma_wait3A_1059] : memref<512x128xf32, #tpu.memory_space<vmem>> -> memref<64x128xf32, #tpu.memory_space<vmem>>
      %dma_wait3A_1061 = arith.constant 0 : i32
      %dma_wait3A_1062 = arith.constant 0 : i32
      %dma_wait3A_1063 = tpu.memref_slice %arg4[%dma_wait3A_1061, %dma_wait3A_1062] : memref<3276800x128xf32, #tpu.memory_space<hbm>> -> memref<64x128xf32, #tpu.memory_space<hbm>>
      tpu.wait_dma2 semaphore(%arg9 : memref<!tpu.dma_semaphore, #tpu.memory_space<semaphore_mem>>) src(%dma_wait3A_1063 : memref<64x128xf32, #tpu.memory_space<hbm>>) dst(%dma_wait3A_1060 : memref<64x128xf32, #tpu.memory_space<vmem>>)
      %add3A_1064 = arith.constant 64 : i32
      %add3A_1065 = arith.addi %add3A_844, %add3A_1064 : i32
      %dma_start3A_1066 = arith.constant 64 : i32
      %dma_start3A_1067 = arith.constant 0 : i32
      %dma_start3A_1068 = tpu.memref_slice %arg7[%dma_start3A_1066, %dma_start3A_1067] : memref<512x128xf32, #tpu.memory_space<vmem>> -> memref<64x128xf32, #tpu.memory_space<vmem>>
      %dma_start3A_1069 = arith.constant 0 : i32
      %dma_start3A_1070 = tpu.memref_slice %arg4[%add3A_1065, %dma_start3A_1069] : memref<3276800x128xf32, #tpu.memory_space<hbm>> -> memref<64x128xf32, #tpu.memory_space<hbm>>
      %dma_start3A_1071 = arith.constant 0 : i32
      %dma_start3A_1072 = tpu.memref_slice %arg4[%add3A_1065, %dma_start3A_1071] : memref<3276800x128xf32, #tpu.memory_space<hbm>> -> memref<64x128xf32, #tpu.memory_space<hbm>>
      %dma_start3A_1073 = arith.constant 64 : i32
      %dma_start3A_1074 = arith.constant 0 : i32
      %dma_start3A_1075 = tpu.memref_slice %arg7[%dma_start3A_1073, %dma_start3A_1074] : memref<512x128xf32, #tpu.memory_space<vmem>> -> memref<64x128xf32, #tpu.memory_space<vmem>>
      tpu.enqueue_dma source(%dma_start3A_1075 : memref<64x128xf32, #tpu.memory_space<vmem>>) target(%dma_start3A_1072 : memref<64x128xf32, #tpu.memory_space<hbm>>) target_semaphore(%arg10 : memref<!tpu.dma_semaphore, #tpu.memory_space<semaphore_mem>>)
      %dma_wait3A_1076 = arith.constant 0 : i32
      %dma_wait3A_1077 = arith.constant 0 : i32
      %dma_wait3A_1078 = tpu.memref_slice %arg7[%dma_wait3A_1076, %dma_wait3A_1077] : memref<512x128xf32, #tpu.memory_space<vmem>> -> memref<64x128xf32, #tpu.memory_space<vmem>>
      %dma_wait3A_1079 = arith.constant 0 : i32
      %dma_wait3A_1080 = arith.constant 0 : i32
      %dma_wait3A_1081 = tpu.memref_slice %arg4[%dma_wait3A_1079, %dma_wait3A_1080] : memref<3276800x128xf32, #tpu.memory_space<hbm>> -> memref<64x128xf32, #tpu.memory_space<hbm>>
      %dma_wait3A_1082 = arith.constant 0 : i32
      %dma_wait3A_1083 = arith.constant 0 : i32
      %dma_wait3A_1084 = tpu.memref_slice %arg4[%dma_wait3A_1082, %dma_wait3A_1083] : memref<3276800x128xf32, #tpu.memory_space<hbm>> -> memref<64x128xf32, #tpu.memory_space<hbm>>
      %dma_wait3A_1085 = arith.constant 0 : i32
      %dma_wait3A_1086 = arith.constant 0 : i32
      %dma_wait3A_1087 = tpu.memref_slice %arg7[%dma_wait3A_1085, %dma_wait3A_1086] : memref<512x128xf32, #tpu.memory_space<vmem>> -> memref<64x128xf32, #tpu.memory_space<vmem>>
      tpu.wait_dma2 semaphore(%arg10 : memref<!tpu.dma_semaphore, #tpu.memory_space<semaphore_mem>>) src(%dma_wait3A_1087 : memref<64x128xf32, #tpu.memory_space<vmem>>) dst(%dma_wait3A_1084 : memref<64x128xf32, #tpu.memory_space<hbm>>)
      %dma_start3A_1088 = arith.constant 1 : i32
      %dma_start3A_1089 = arith.constant 256 : i32
      %dma_start3A_1090 = arith.constant 0 : i32
      %dma_start3A_1091 = tpu.memref_slice %arg7[%dma_start3A_1089, %dma_start3A_1090] : memref<512x128xf32, #tpu.memory_space<vmem>> -> memref<64x128xf32, #tpu.memory_space<vmem>>
      %dma_start3A_1092 = arith.constant 0 : i32
      %dma_start3A_1093 = tpu.memref_slice %arg6[%dma_start3A_1088, %dma_start3A_1092] : memref<2x512xi32, #tpu.memory_space<vmem>> -> memref<1x512xi32, #tpu.memory_space<vmem>>
      %dma_start3A_1094 = tpu.memref_squeeze %dma_start3A_1093 : memref<1x512xi32, #tpu.memory_space<vmem>> -> memref<512xi32, #tpu.memory_space<vmem>>
      %dma_start3A_1095 = arith.constant 256 : i32
      %dma_start3A_1096 = tpu.memref_slice %dma_start3A_1094[%dma_start3A_1095] : memref<512xi32, #tpu.memory_space<vmem>> -> memref<64xi32, #tpu.memory_space<vmem>>
      %dma_start3A_1097 = arith.constant 0 : i32
      %dma_start3A_1098 = arith.constant 0 : i32
      %dma_start3A_1099 = tpu.memref_slice %arg5[%dma_start3A_1097, %dma_start3A_1098] : memref<1000x128xf32, #tpu.memory_space<vmem_shared>> -> memref<1000x128xf32, #tpu.memory_space<vmem_shared>>
      tpu.enqueue_indirect_dma source(%dma_start3A_1099 : memref<1000x128xf32, #tpu.memory_space<vmem_shared>>) target(%dma_start3A_1091 : memref<64x128xf32, #tpu.memory_space<vmem>>) offsets(%dma_start3A_1096 : memref<64xi32, #tpu.memory_space<vmem>>) semaphore(%arg9 : memref<!tpu.dma_semaphore, #tpu.memory_space<semaphore_mem>>)
      %dma_wait3A_1100 = arith.constant 128 : i32
      %dma_wait3A_1101 = arith.constant 0 : i32
      %dma_wait3A_1102 = tpu.memref_slice %arg7[%dma_wait3A_1100, %dma_wait3A_1101] : memref<512x128xf32, #tpu.memory_space<vmem>> -> memref<64x128xf32, #tpu.memory_space<vmem>>
      %dma_wait3A_1103 = arith.constant 0 : i32
      %dma_wait3A_1104 = arith.constant 0 : i32
      %dma_wait3A_1105 = tpu.memref_slice %arg4[%dma_wait3A_1103, %dma_wait3A_1104] : memref<3276800x128xf32, #tpu.memory_space<hbm>> -> memref<64x128xf32, #tpu.memory_space<hbm>>
      %dma_wait3A_1106 = arith.constant 128 : i32
      %dma_wait3A_1107 = arith.constant 0 : i32
      %dma_wait3A_1108 = tpu.memref_slice %arg7[%dma_wait3A_1106, %dma_wait3A_1107] : memref<512x128xf32, #tpu.memory_space<vmem>> -> memref<64x128xf32, #tpu.memory_space<vmem>>
      %dma_wait3A_1109 = arith.constant 0 : i32
      %dma_wait3A_1110 = arith.constant 0 : i32
      %dma_wait3A_1111 = tpu.memref_slice %arg4[%dma_wait3A_1109, %dma_wait3A_1110] : memref<3276800x128xf32, #tpu.memory_space<hbm>> -> memref<64x128xf32, #tpu.memory_space<hbm>>
      tpu.wait_dma2 semaphore(%arg9 : memref<!tpu.dma_semaphore, #tpu.memory_space<semaphore_mem>>) src(%dma_wait3A_1111 : memref<64x128xf32, #tpu.memory_space<hbm>>) dst(%dma_wait3A_1108 : memref<64x128xf32, #tpu.memory_space<vmem>>)
      %add3A_1112 = arith.constant 128 : i32
      %add3A_1113 = arith.addi %add3A_844, %add3A_1112 : i32
      %dma_start3A_1114 = arith.constant 128 : i32
      %dma_start3A_1115 = arith.constant 0 : i32
      %dma_start3A_1116 = tpu.memref_slice %arg7[%dma_start3A_1114, %dma_start3A_1115] : memref<512x128xf32, #tpu.memory_space<vmem>> -> memref<64x128xf32, #tpu.memory_space<vmem>>
      %dma_start3A_1117 = arith.constant 0 : i32
      %dma_start3A_1118 = tpu.memref_slice %arg4[%add3A_1113, %dma_start3A_1117] : memref<3276800x128xf32, #tpu.memory_space<hbm>> -> memref<64x128xf32, #tpu.memory_space<hbm>>
      %dma_start3A_1119 = arith.constant 0 : i32
      %dma_start3A_1120 = tpu.memref_slice %arg4[%add3A_1113, %dma_start3A_1119] : memref<3276800x128xf32, #tpu.memory_space<hbm>> -> memref<64x128xf32, #tpu.memory_space<hbm>>
      %dma_start3A_1121 = arith.constant 128 : i32
      %dma_start3A_1122 = arith.constant 0 : i32
      %dma_start3A_1123 = tpu.memref_slice %arg7[%dma_start3A_1121, %dma_start3A_1122] : memref<512x128xf32, #tpu.memory_space<vmem>> -> memref<64x128xf32, #tpu.memory_space<vmem>>
      tpu.enqueue_dma source(%dma_start3A_1123 : memref<64x128xf32, #tpu.memory_space<vmem>>) target(%dma_start3A_1120 : memref<64x128xf32, #tpu.memory_space<hbm>>) target_semaphore(%arg10 : memref<!tpu.dma_semaphore, #tpu.memory_space<semaphore_mem>>)
      %dma_wait3A_1124 = arith.constant 0 : i32
      %dma_wait3A_1125 = arith.constant 0 : i32
      %dma_wait3A_1126 = tpu.memref_slice %arg7[%dma_wait3A_1124, %dma_wait3A_1125] : memref<512x128xf32, #tpu.memory_space<vmem>> -> memref<64x128xf32, #tpu.memory_space<vmem>>
      %dma_wait3A_1127 = arith.constant 0 : i32
      %dma_wait3A_1128 = arith.constant 0 : i32
      %dma_wait3A_1129 = tpu.memref_slice %arg4[%dma_wait3A_1127, %dma_wait3A_1128] : memref<3276800x128xf32, #tpu.memory_space<hbm>> -> memref<64x128xf32, #tpu.memory_space<hbm>>
      %dma_wait3A_1130 = arith.constant 0 : i32
      %dma_wait3A_1131 = arith.constant 0 : i32
      %dma_wait3A_1132 = tpu.memref_slice %arg4[%dma_wait3A_1130, %dma_wait3A_1131] : memref<3276800x128xf32, #tpu.memory_space<hbm>> -> memref<64x128xf32, #tpu.memory_space<hbm>>
      %dma_wait3A_1133 = arith.constant 0 : i32
      %dma_wait3A_1134 = arith.constant 0 : i32
      %dma_wait3A_1135 = tpu.memref_slice %arg7[%dma_wait3A_1133, %dma_wait3A_1134] : memref<512x128xf32, #tpu.memory_space<vmem>> -> memref<64x128xf32, #tpu.memory_space<vmem>>
      tpu.wait_dma2 semaphore(%arg10 : memref<!tpu.dma_semaphore, #tpu.memory_space<semaphore_mem>>) src(%dma_wait3A_1135 : memref<64x128xf32, #tpu.memory_space<vmem>>) dst(%dma_wait3A_1132 : memref<64x128xf32, #tpu.memory_space<hbm>>)
      %dma_start3A_1136 = arith.constant 1 : i32
      %dma_start3A_1137 = arith.constant 320 : i32
      %dma_start3A_1138 = arith.constant 0 : i32
      %dma_start3A_1139 = tpu.memref_slice %arg7[%dma_start3A_1137, %dma_start3A_1138] : memref<512x128xf32, #tpu.memory_space<vmem>> -> memref<64x128xf32, #tpu.memory_space<vmem>>
      %dma_start3A_1140 = arith.constant 0 : i32
      %dma_start3A_1141 = tpu.memref_slice %arg6[%dma_start3A_1136, %dma_start3A_1140] : memref<2x512xi32, #tpu.memory_space<vmem>> -> memref<1x512xi32, #tpu.memory_space<vmem>>
      %dma_start3A_1142 = tpu.memref_squeeze %dma_start3A_1141 : memref<1x512xi32, #tpu.memory_space<vmem>> -> memref<512xi32, #tpu.memory_space<vmem>>
      %dma_start3A_1143 = arith.constant 320 : i32
      %dma_start3A_1144 = tpu.memref_slice %dma_start3A_1142[%dma_start3A_1143] : memref<512xi32, #tpu.memory_space<vmem>> -> memref<64xi32, #tpu.memory_space<vmem>>
      %dma_start3A_1145 = arith.constant 0 : i32
      %dma_start3A_1146 = arith.constant 0 : i32
      %dma_start3A_1147 = tpu.memref_slice %arg5[%dma_start3A_1145, %dma_start3A_1146] : memref<1000x128xf32, #tpu.memory_space<vmem_shared>> -> memref<1000x128xf32, #tpu.memory_space<vmem_shared>>
      tpu.enqueue_indirect_dma source(%dma_start3A_1147 : memref<1000x128xf32, #tpu.memory_space<vmem_shared>>) target(%dma_start3A_1139 : memref<64x128xf32, #tpu.memory_space<vmem>>) offsets(%dma_start3A_1144 : memref<64xi32, #tpu.memory_space<vmem>>) semaphore(%arg9 : memref<!tpu.dma_semaphore, #tpu.memory_space<semaphore_mem>>)
      %dma_wait3A_1148 = arith.constant 192 : i32
      %dma_wait3A_1149 = arith.constant 0 : i32
      %dma_wait3A_1150 = tpu.memref_slice %arg7[%dma_wait3A_1148, %dma_wait3A_1149] : memref<512x128xf32, #tpu.memory_space<vmem>> -> memref<64x128xf32, #tpu.memory_space<vmem>>
      %dma_wait3A_1151 = arith.constant 0 : i32
      %dma_wait3A_1152 = arith.constant 0 : i32
      %dma_wait3A_1153 = tpu.memref_slice %arg4[%dma_wait3A_1151, %dma_wait3A_1152] : memref<3276800x128xf32, #tpu.memory_space<hbm>> -> memref<64x128xf32, #tpu.memory_space<hbm>>
      %dma_wait3A_1154 = arith.constant 192 : i32
      %dma_wait3A_1155 = arith.constant 0 : i32
      %dma_wait3A_1156 = tpu.memref_slice %arg7[%dma_wait3A_1154, %dma_wait3A_1155] : memref<512x128xf32, #tpu.memory_space<vmem>> -> memref<64x128xf32, #tpu.memory_space<vmem>>
      %dma_wait3A_1157 = arith.constant 0 : i32
      %dma_wait3A_1158 = arith.constant 0 : i32
      %dma_wait3A_1159 = tpu.memref_slice %arg4[%dma_wait3A_1157, %dma_wait3A_1158] : memref<3276800x128xf32, #tpu.memory_space<hbm>> -> memref<64x128xf32, #tpu.memory_space<hbm>>
      tpu.wait_dma2 semaphore(%arg9 : memref<!tpu.dma_semaphore, #tpu.memory_space<semaphore_mem>>) src(%dma_wait3A_1159 : memref<64x128xf32, #tpu.memory_space<hbm>>) dst(%dma_wait3A_1156 : memref<64x128xf32, #tpu.memory_space<vmem>>)
      %add3A_1160 = arith.constant 192 : i32
      %add3A_1161 = arith.addi %add3A_844, %add3A_1160 : i32
      %dma_start3A_1162 = arith.constant 192 : i32
      %dma_start3A_1163 = arith.constant 0 : i32
      %dma_start3A_1164 = tpu.memref_slice %arg7[%dma_start3A_1162, %dma_start3A_1163] : memref<512x128xf32, #tpu.memory_space<vmem>> -> memref<64x128xf32, #tpu.memory_space<vmem>>
      %dma_start3A_1165 = arith.constant 0 : i32
      %dma_start3A_1166 = tpu.memref_slice %arg4[%add3A_1161, %dma_start3A_1165] : memref<3276800x128xf32, #tpu.memory_space<hbm>> -> memref<64x128xf32, #tpu.memory_space<hbm>>
      %dma_start3A_1167 = arith.constant 0 : i32
      %dma_start3A_1168 = tpu.memref_slice %arg4[%add3A_1161, %dma_start3A_1167] : memref<3276800x128xf32, #tpu.memory_space<hbm>> -> memref<64x128xf32, #tpu.memory_space<hbm>>
      %dma_start3A_1169 = arith.constant 192 : i32
      %dma_start3A_1170 = arith.constant 0 : i32
      %dma_start3A_1171 = tpu.memref_slice %arg7[%dma_start3A_1169, %dma_start3A_1170] : memref<512x128xf32, #tpu.memory_space<vmem>> -> memref<64x128xf32, #tpu.memory_space<vmem>>
      tpu.enqueue_dma source(%dma_start3A_1171 : memref<64x128xf32, #tpu.memory_space<vmem>>) target(%dma_start3A_1168 : memref<64x128xf32, #tpu.memory_space<hbm>>) target_semaphore(%arg10 : memref<!tpu.dma_semaphore, #tpu.memory_space<semaphore_mem>>)
      %dma_wait3A_1172 = arith.constant 0 : i32
      %dma_wait3A_1173 = arith.constant 0 : i32
      %dma_wait3A_1174 = tpu.memref_slice %arg7[%dma_wait3A_1172, %dma_wait3A_1173] : memref<512x128xf32, #tpu.memory_space<vmem>> -> memref<64x128xf32, #tpu.memory_space<vmem>>
      %dma_wait3A_1175 = arith.constant 0 : i32
      %dma_wait3A_1176 = arith.constant 0 : i32
      %dma_wait3A_1177 = tpu.memref_slice %arg4[%dma_wait3A_1175, %dma_wait3A_1176] : memref<3276800x128xf32, #tpu.memory_space<hbm>> -> memref<64x128xf32, #tpu.memory_space<hbm>>
      %dma_wait3A_1178 = arith.constant 0 : i32
      %dma_wait3A_1179 = arith.constant 0 : i32
      %dma_wait3A_1180 = tpu.memref_slice %arg4[%dma_wait3A_1178, %dma_wait3A_1179] : memref<3276800x128xf32, #tpu.memory_space<hbm>> -> memref<64x128xf32, #tpu.memory_space<hbm>>
      %dma_wait3A_1181 = arith.constant 0 : i32
      %dma_wait3A_1182 = arith.constant 0 : i32
      %dma_wait3A_1183 = tpu.memref_slice %arg7[%dma_wait3A_1181, %dma_wait3A_1182] : memref<512x128xf32, #tpu.memory_space<vmem>> -> memref<64x128xf32, #tpu.memory_space<vmem>>
      tpu.wait_dma2 semaphore(%arg10 : memref<!tpu.dma_semaphore, #tpu.memory_space<semaphore_mem>>) src(%dma_wait3A_1183 : memref<64x128xf32, #tpu.memory_space<vmem>>) dst(%dma_wait3A_1180 : memref<64x128xf32, #tpu.memory_space<hbm>>)
      %dma_start3A_1184 = arith.constant 1 : i32
      %dma_start3A_1185 = arith.constant 384 : i32
      %dma_start3A_1186 = arith.constant 0 : i32
      %dma_start3A_1187 = tpu.memref_slice %arg7[%dma_start3A_1185, %dma_start3A_1186] : memref<512x128xf32, #tpu.memory_space<vmem>> -> memref<64x128xf32, #tpu.memory_space<vmem>>
      %dma_start3A_1188 = arith.constant 0 : i32
      %dma_start3A_1189 = tpu.memref_slice %arg6[%dma_start3A_1184, %dma_start3A_1188] : memref<2x512xi32, #tpu.memory_space<vmem>> -> memref<1x512xi32, #tpu.memory_space<vmem>>
      %dma_start3A_1190 = tpu.memref_squeeze %dma_start3A_1189 : memref<1x512xi32, #tpu.memory_space<vmem>> -> memref<512xi32, #tpu.memory_space<vmem>>
      %dma_start3A_1191 = arith.constant 384 : i32
      %dma_start3A_1192 = tpu.memref_slice %dma_start3A_1190[%dma_start3A_1191] : memref<512xi32, #tpu.memory_space<vmem>> -> memref<64xi32, #tpu.memory_space<vmem>>
      %dma_start3A_1193 = arith.constant 0 : i32
      %dma_start3A_1194 = arith.constant 0 : i32
      %dma_start3A_1195 = tpu.memref_slice %arg5[%dma_start3A_1193, %dma_start3A_1194] : memref<1000x128xf32, #tpu.memory_space<vmem_shared>> -> memref<1000x128xf32, #tpu.memory_space<vmem_shared>>
      tpu.enqueue_indirect_dma source(%dma_start3A_1195 : memref<1000x128xf32, #tpu.memory_space<vmem_shared>>) target(%dma_start3A_1187 : memref<64x128xf32, #tpu.memory_space<vmem>>) offsets(%dma_start3A_1192 : memref<64xi32, #tpu.memory_space<vmem>>) semaphore(%arg9 : memref<!tpu.dma_semaphore, #tpu.memory_space<semaphore_mem>>)
      %dma_wait3A_1196 = arith.constant 256 : i32
      %dma_wait3A_1197 = arith.constant 0 : i32
      %dma_wait3A_1198 = tpu.memref_slice %arg7[%dma_wait3A_1196, %dma_wait3A_1197] : memref<512x128xf32, #tpu.memory_space<vmem>> -> memref<64x128xf32, #tpu.memory_space<vmem>>
      %dma_wait3A_1199 = arith.constant 0 : i32
      %dma_wait3A_1200 = arith.constant 0 : i32
      %dma_wait3A_1201 = tpu.memref_slice %arg4[%dma_wait3A_1199, %dma_wait3A_1200] : memref<3276800x128xf32, #tpu.memory_space<hbm>> -> memref<64x128xf32, #tpu.memory_space<hbm>>
      %dma_wait3A_1202 = arith.constant 256 : i32
      %dma_wait3A_1203 = arith.constant 0 : i32
      %dma_wait3A_1204 = tpu.memref_slice %arg7[%dma_wait3A_1202, %dma_wait3A_1203] : memref<512x128xf32, #tpu.memory_space<vmem>> -> memref<64x128xf32, #tpu.memory_space<vmem>>
      %dma_wait3A_1205 = arith.constant 0 : i32
      %dma_wait3A_1206 = arith.constant 0 : i32
      %dma_wait3A_1207 = tpu.memref_slice %arg4[%dma_wait3A_1205, %dma_wait3A_1206] : memref<3276800x128xf32, #tpu.memory_space<hbm>> -> memref<64x128xf32, #tpu.memory_space<hbm>>
      tpu.wait_dma2 semaphore(%arg9 : memref<!tpu.dma_semaphore, #tpu.memory_space<semaphore_mem>>) src(%dma_wait3A_1207 : memref<64x128xf32, #tpu.memory_space<hbm>>) dst(%dma_wait3A_1204 : memref<64x128xf32, #tpu.memory_space<vmem>>)
      %add3A_1208 = arith.constant 256 : i32
      %add3A_1209 = arith.addi %add3A_844, %add3A_1208 : i32
      %dma_start3A_1210 = arith.constant 256 : i32
      %dma_start3A_1211 = arith.constant 0 : i32
      %dma_start3A_1212 = tpu.memref_slice %arg7[%dma_start3A_1210, %dma_start3A_1211] : memref<512x128xf32, #tpu.memory_space<vmem>> -> memref<64x128xf32, #tpu.memory_space<vmem>>
      %dma_start3A_1213 = arith.constant 0 : i32
      %dma_start3A_1214 = tpu.memref_slice %arg4[%add3A_1209, %dma_start3A_1213] : memref<3276800x128xf32, #tpu.memory_space<hbm>> -> memref<64x128xf32, #tpu.memory_space<hbm>>
      %dma_start3A_1215 = arith.constant 0 : i32
      %dma_start3A_1216 = tpu.memref_slice %arg4[%add3A_1209, %dma_start3A_1215] : memref<3276800x128xf32, #tpu.memory_space<hbm>> -> memref<64x128xf32, #tpu.memory_space<hbm>>
      %dma_start3A_1217 = arith.constant 256 : i32
      %dma_start3A_1218 = arith.constant 0 : i32
      %dma_start3A_1219 = tpu.memref_slice %arg7[%dma_start3A_1217, %dma_start3A_1218] : memref<512x128xf32, #tpu.memory_space<vmem>> -> memref<64x128xf32, #tpu.memory_space<vmem>>
      tpu.enqueue_dma source(%dma_start3A_1219 : memref<64x128xf32, #tpu.memory_space<vmem>>) target(%dma_start3A_1216 : memref<64x128xf32, #tpu.memory_space<hbm>>) target_semaphore(%arg10 : memref<!tpu.dma_semaphore, #tpu.memory_space<semaphore_mem>>)
      %dma_wait3A_1220 = arith.constant 0 : i32
      %dma_wait3A_1221 = arith.constant 0 : i32
      %dma_wait3A_1222 = tpu.memref_slice %arg7[%dma_wait3A_1220, %dma_wait3A_1221] : memref<512x128xf32, #tpu.memory_space<vmem>> -> memref<64x128xf32, #tpu.memory_space<vmem>>
      %dma_wait3A_1223 = arith.constant 0 : i32
      %dma_wait3A_1224 = arith.constant 0 : i32
      %dma_wait3A_1225 = tpu.memref_slice %arg4[%dma_wait3A_1223, %dma_wait3A_1224] : memref<3276800x128xf32, #tpu.memory_space<hbm>> -> memref<64x128xf32, #tpu.memory_space<hbm>>
      %dma_wait3A_1226 = arith.constant 0 : i32
      %dma_wait3A_1227 = arith.constant 0 : i32
      %dma_wait3A_1228 = tpu.memref_slice %arg4[%dma_wait3A_1226, %dma_wait3A_1227] : memref<3276800x128xf32, #tpu.memory_space<hbm>> -> memref<64x128xf32, #tpu.memory_space<hbm>>
      %dma_wait3A_1229 = arith.constant 0 : i32
      %dma_wait3A_1230 = arith.constant 0 : i32
      %dma_wait3A_1231 = tpu.memref_slice %arg7[%dma_wait3A_1229, %dma_wait3A_1230] : memref<512x128xf32, #tpu.memory_space<vmem>> -> memref<64x128xf32, #tpu.memory_space<vmem>>
      tpu.wait_dma2 semaphore(%arg10 : memref<!tpu.dma_semaphore, #tpu.memory_space<semaphore_mem>>) src(%dma_wait3A_1231 : memref<64x128xf32, #tpu.memory_space<vmem>>) dst(%dma_wait3A_1228 : memref<64x128xf32, #tpu.memory_space<hbm>>)
      %dma_start3A_1232 = arith.constant 1 : i32
      %dma_start3A_1233 = arith.constant 448 : i32
      %dma_start3A_1234 = arith.constant 0 : i32
      %dma_start3A_1235 = tpu.memref_slice %arg7[%dma_start3A_1233, %dma_start3A_1234] : memref<512x128xf32, #tpu.memory_space<vmem>> -> memref<64x128xf32, #tpu.memory_space<vmem>>
      %dma_start3A_1236 = arith.constant 0 : i32
      %dma_start3A_1237 = tpu.memref_slice %arg6[%dma_start3A_1232, %dma_start3A_1236] : memref<2x512xi32, #tpu.memory_space<vmem>> -> memref<1x512xi32, #tpu.memory_space<vmem>>
      %dma_start3A_1238 = tpu.memref_squeeze %dma_start3A_1237 : memref<1x512xi32, #tpu.memory_space<vmem>> -> memref<512xi32, #tpu.memory_space<vmem>>
      %dma_start3A_1239 = arith.constant 448 : i32
      %dma_start3A_1240 = tpu.memref_slice %dma_start3A_1238[%dma_start3A_1239] : memref<512xi32, #tpu.memory_space<vmem>> -> memref<64xi32, #tpu.memory_space<vmem>>
      %dma_start3A_1241 = arith.constant 0 : i32
      %dma_start3A_1242 = arith.constant 0 : i32
      %dma_start3A_1243 = tpu.memref_slice %arg5[%dma_start3A_1241, %dma_start3A_1242] : memref<1000x128xf32, #tpu.memory_space<vmem_shared>> -> memref<1000x128xf32, #tpu.memory_space<vmem_shared>>
      tpu.enqueue_indirect_dma source(%dma_start3A_1243 : memref<1000x128xf32, #tpu.memory_space<vmem_shared>>) target(%dma_start3A_1235 : memref<64x128xf32, #tpu.memory_space<vmem>>) offsets(%dma_start3A_1240 : memref<64xi32, #tpu.memory_space<vmem>>) semaphore(%arg9 : memref<!tpu.dma_semaphore, #tpu.memory_space<semaphore_mem>>)
      %mul3A_1244 = arith.constant 2 : i32
      %mul3A_1245 = arith.muli %mul3A_1244, %scan3A_828 : i32
      %add3A_1246 = arith.constant 2 : i32
      %add3A_1247 = arith.addi %mul3A_1245, %add3A_1246 : i32
      %dma_wait3A_1248 = arith.constant 0 : i32
      %dma_wait3A_1249 = arith.constant 0 : i32
      %dma_wait3A_1250 = tpu.memref_slice %arg6[%dma_wait3A_1248, %dma_wait3A_1249] : memref<2x512xi32, #tpu.memory_space<vmem>> -> memref<1x512xi32, #tpu.memory_space<vmem>>
      %dma_wait3A_1251 = tpu.memref_squeeze %dma_wait3A_1250 : memref<1x512xi32, #tpu.memory_space<vmem>> -> memref<512xi32, #tpu.memory_space<vmem>>
      %dma_wait3A_1252 = tpu.memref_slice %arg2[%mul3A_4] : memref<3276800xi32, #tpu.memory_space<hbm>> -> memref<512xi32, #tpu.memory_space<hbm>>
      %dma_wait3A_1253 = arith.constant 0 : i32
      %dma_wait3A_1254 = tpu.memref_slice %arg6[%dma_wait3A_1248, %dma_wait3A_1253] : memref<2x512xi32, #tpu.memory_space<vmem>> -> memref<1x512xi32, #tpu.memory_space<vmem>>
      %dma_wait3A_1255 = tpu.memref_squeeze %dma_wait3A_1254 : memref<1x512xi32, #tpu.memory_space<vmem>> -> memref<512xi32, #tpu.memory_space<vmem>>
      %dma_wait3A_1256 = tpu.memref_slice %arg2[%mul3A_4] : memref<3276800xi32, #tpu.memory_space<hbm>> -> memref<512xi32, #tpu.memory_space<hbm>>
      tpu.wait_dma2 semaphore(%arg8 : memref<!tpu.dma_semaphore, #tpu.memory_space<semaphore_mem>>) src(%dma_wait3A_1256 : memref<512xi32, #tpu.memory_space<hbm>>) dst(%dma_wait3A_1255 : memref<512xi32, #tpu.memory_space<vmem>>)
      %mul3A_1257 = arith.constant 512 : i32
      %mul3A_1258 = arith.muli %add3A_1247, %mul3A_1257 : i32
      %add3A_1259 = arith.addi %mul3A_4, %mul3A_1258 : i32
      %dma_wait3A_1260 = arith.constant 320 : i32
      %dma_wait3A_1261 = arith.constant 0 : i32
      %dma_wait3A_1262 = tpu.memref_slice %arg7[%dma_wait3A_1260, %dma_wait3A_1261] : memref<512x128xf32, #tpu.memory_space<vmem>> -> memref<64x128xf32, #tpu.memory_space<vmem>>
      %dma_wait3A_1263 = arith.constant 0 : i32
      %dma_wait3A_1264 = arith.constant 0 : i32
      %dma_wait3A_1265 = tpu.memref_slice %arg4[%dma_wait3A_1263, %dma_wait3A_1264] : memref<3276800x128xf32, #tpu.memory_space<hbm>> -> memref<64x128xf32, #tpu.memory_space<hbm>>
      %dma_wait3A_1266 = arith.constant 320 : i32
      %dma_wait3A_1267 = arith.constant 0 : i32
      %dma_wait3A_1268 = tpu.memref_slice %arg7[%dma_wait3A_1266, %dma_wait3A_1267] : memref<512x128xf32, #tpu.memory_space<vmem>> -> memref<64x128xf32, #tpu.memory_space<vmem>>
      %dma_wait3A_1269 = arith.constant 0 : i32
      %dma_wait3A_1270 = arith.constant 0 : i32
      %dma_wait3A_1271 = tpu.memref_slice %arg4[%dma_wait3A_1269, %dma_wait3A_1270] : memref<3276800x128xf32, #tpu.memory_space<hbm>> -> memref<64x128xf32, #tpu.memory_space<hbm>>
      tpu.wait_dma2 semaphore(%arg9 : memref<!tpu.dma_semaphore, #tpu.memory_space<semaphore_mem>>) src(%dma_wait3A_1271 : memref<64x128xf32, #tpu.memory_space<hbm>>) dst(%dma_wait3A_1268 : memref<64x128xf32, #tpu.memory_space<vmem>>)
      %add3A_1272 = arith.constant -192 : i32
      %add3A_1273 = arith.addi %add3A_1259, %add3A_1272 : i32
      %dma_start3A_1274 = arith.constant 320 : i32
      %dma_start3A_1275 = arith.constant 0 : i32
      %dma_start3A_1276 = tpu.memref_slice %arg7[%dma_start3A_1274, %dma_start3A_1275] : memref<512x128xf32, #tpu.memory_space<vmem>> -> memref<64x128xf32, #tpu.memory_space<vmem>>
      %dma_start3A_1277 = arith.constant 0 : i32
      %dma_start3A_1278 = tpu.memref_slice %arg4[%add3A_1273, %dma_start3A_1277] : memref<3276800x128xf32, #tpu.memory_space<hbm>> -> memref<64x128xf32, #tpu.memory_space<hbm>>
      %dma_start3A_1279 = arith.constant 0 : i32
      %dma_start3A_1280 = tpu.memref_slice %arg4[%add3A_1273, %dma_start3A_1279] : memref<3276800x128xf32, #tpu.memory_space<hbm>> -> memref<64x128xf32, #tpu.memory_space<hbm>>
      %dma_start3A_1281 = arith.constant 320 : i32
      %dma_start3A_1282 = arith.constant 0 : i32
      %dma_start3A_1283 = tpu.memref_slice %arg7[%dma_start3A_1281, %dma_start3A_1282] : memref<512x128xf32, #tpu.memory_space<vmem>> -> memref<64x128xf32, #tpu.memory_space<vmem>>
      tpu.enqueue_dma source(%dma_start3A_1283 : memref<64x128xf32, #tpu.memory_space<vmem>>) target(%dma_start3A_1280 : memref<64x128xf32, #tpu.memory_space<hbm>>) target_semaphore(%arg10 : memref<!tpu.dma_semaphore, #tpu.memory_space<semaphore_mem>>)
      %dma_wait3A_1284 = arith.constant 0 : i32
      %dma_wait3A_1285 = arith.constant 0 : i32
      %dma_wait3A_1286 = tpu.memref_slice %arg7[%dma_wait3A_1284, %dma_wait3A_1285] : memref<512x128xf32, #tpu.memory_space<vmem>> -> memref<64x128xf32, #tpu.memory_space<vmem>>
      %dma_wait3A_1287 = arith.constant 0 : i32
      %dma_wait3A_1288 = arith.constant 0 : i32
      %dma_wait3A_1289 = tpu.memref_slice %arg4[%dma_wait3A_1287, %dma_wait3A_1288] : memref<3276800x128xf32, #tpu.memory_space<hbm>> -> memref<64x128xf32, #tpu.memory_space<hbm>>
      %dma_wait3A_1290 = arith.constant 0 : i32
      %dma_wait3A_1291 = arith.constant 0 : i32
      %dma_wait3A_1292 = tpu.memref_slice %arg4[%dma_wait3A_1290, %dma_wait3A_1291] : memref<3276800x128xf32, #tpu.memory_space<hbm>> -> memref<64x128xf32, #tpu.memory_space<hbm>>
      %dma_wait3A_1293 = arith.constant 0 : i32
      %dma_wait3A_1294 = arith.constant 0 : i32
      %dma_wait3A_1295 = tpu.memref_slice %arg7[%dma_wait3A_1293, %dma_wait3A_1294] : memref<512x128xf32, #tpu.memory_space<vmem>> -> memref<64x128xf32, #tpu.memory_space<vmem>>
      tpu.wait_dma2 semaphore(%arg10 : memref<!tpu.dma_semaphore, #tpu.memory_space<semaphore_mem>>) src(%dma_wait3A_1295 : memref<64x128xf32, #tpu.memory_space<vmem>>) dst(%dma_wait3A_1292 : memref<64x128xf32, #tpu.memory_space<hbm>>)
      %dma_start3A_1296 = arith.constant 0 : i32
      %dma_start3A_1297 = arith.constant 0 : i32
      %dma_start3A_1298 = arith.constant 0 : i32
      %dma_start3A_1299 = tpu.memref_slice %arg7[%dma_start3A_1297, %dma_start3A_1298] : memref<512x128xf32, #tpu.memory_space<vmem>> -> memref<64x128xf32, #tpu.memory_space<vmem>>
      %dma_start3A_1300 = arith.constant 0 : i32
      %dma_start3A_1301 = tpu.memref_slice %arg6[%dma_start3A_1296, %dma_start3A_1300] : memref<2x512xi32, #tpu.memory_space<vmem>> -> memref<1x512xi32, #tpu.memory_space<vmem>>
      %dma_start3A_1302 = tpu.memref_squeeze %dma_start3A_1301 : memref<1x512xi32, #tpu.memory_space<vmem>> -> memref<512xi32, #tpu.memory_space<vmem>>
      %dma_start3A_1303 = arith.constant 0 : i32
      %dma_start3A_1304 = tpu.memref_slice %dma_start3A_1302[%dma_start3A_1303] : memref<512xi32, #tpu.memory_space<vmem>> -> memref<64xi32, #tpu.memory_space<vmem>>
      %dma_start3A_1305 = arith.constant 0 : i32
      %dma_start3A_1306 = arith.constant 0 : i32
      %dma_start3A_1307 = tpu.memref_slice %arg5[%dma_start3A_1305, %dma_start3A_1306] : memref<1000x128xf32, #tpu.memory_space<vmem_shared>> -> memref<1000x128xf32, #tpu.memory_space<vmem_shared>>
      tpu.enqueue_indirect_dma source(%dma_start3A_1307 : memref<1000x128xf32, #tpu.memory_space<vmem_shared>>) target(%dma_start3A_1299 : memref<64x128xf32, #tpu.memory_space<vmem>>) offsets(%dma_start3A_1304 : memref<64xi32, #tpu.memory_space<vmem>>) semaphore(%arg9 : memref<!tpu.dma_semaphore, #tpu.memory_space<semaphore_mem>>)
      %dma_wait3A_1308 = arith.constant 384 : i32
      %dma_wait3A_1309 = arith.constant 0 : i32
      %dma_wait3A_1310 = tpu.memref_slice %arg7[%dma_wait3A_1308, %dma_wait3A_1309] : memref<512x128xf32, #tpu.memory_space<vmem>> -> memref<64x128xf32, #tpu.memory_space<vmem>>
      %dma_wait3A_1311 = arith.constant 0 : i32
      %dma_wait3A_1312 = arith.constant 0 : i32
      %dma_wait3A_1313 = tpu.memref_slice %arg4[%dma_wait3A_1311, %dma_wait3A_1312] : memref<3276800x128xf32, #tpu.memory_space<hbm>> -> memref<64x128xf32, #tpu.memory_space<hbm>>
      %dma_wait3A_1314 = arith.constant 384 : i32
      %dma_wait3A_1315 = arith.constant 0 : i32
      %dma_wait3A_1316 = tpu.memref_slice %arg7[%dma_wait3A_1314, %dma_wait3A_1315] : memref<512x128xf32, #tpu.memory_space<vmem>> -> memref<64x128xf32, #tpu.memory_space<vmem>>
      %dma_wait3A_1317 = arith.constant 0 : i32
      %dma_wait3A_1318 = arith.constant 0 : i32
      %dma_wait3A_1319 = tpu.memref_slice %arg4[%dma_wait3A_1317, %dma_wait3A_1318] : memref<3276800x128xf32, #tpu.memory_space<hbm>> -> memref<64x128xf32, #tpu.memory_space<hbm>>
      tpu.wait_dma2 semaphore(%arg9 : memref<!tpu.dma_semaphore, #tpu.memory_space<semaphore_mem>>) src(%dma_wait3A_1319 : memref<64x128xf32, #tpu.memory_space<hbm>>) dst(%dma_wait3A_1316 : memref<64x128xf32, #tpu.memory_space<vmem>>)
      %add3A_1320 = arith.constant -128 : i32
      %add3A_1321 = arith.addi %add3A_1259, %add3A_1320 : i32
      %dma_start3A_1322 = arith.constant 384 : i32
      %dma_start3A_1323 = arith.constant 0 : i32
      %dma_start3A_1324 = tpu.memref_slice %arg7[%dma_start3A_1322, %dma_start3A_1323] : memref<512x128xf32, #tpu.memory_space<vmem>> -> memref<64x128xf32, #tpu.memory_space<vmem>>
      %dma_start3A_1325 = arith.constant 0 : i32
      %dma_start3A_1326 = tpu.memref_slice %arg4[%add3A_1321, %dma_start3A_1325] : memref<3276800x128xf32, #tpu.memory_space<hbm>> -> memref<64x128xf32, #tpu.memory_space<hbm>>
      %dma_start3A_1327 = arith.constant 0 : i32
      %dma_start3A_1328 = tpu.memref_slice %arg4[%add3A_1321, %dma_start3A_1327] : memref<3276800x128xf32, #tpu.memory_space<hbm>> -> memref<64x128xf32, #tpu.memory_space<hbm>>
      %dma_start3A_1329 = arith.constant 384 : i32
      %dma_start3A_1330 = arith.constant 0 : i32
      %dma_start3A_1331 = tpu.memref_slice %arg7[%dma_start3A_1329, %dma_start3A_1330] : memref<512x128xf32, #tpu.memory_space<vmem>> -> memref<64x128xf32, #tpu.memory_space<vmem>>
      tpu.enqueue_dma source(%dma_start3A_1331 : memref<64x128xf32, #tpu.memory_space<vmem>>) target(%dma_start3A_1328 : memref<64x128xf32, #tpu.memory_space<hbm>>) target_semaphore(%arg10 : memref<!tpu.dma_semaphore, #tpu.memory_space<semaphore_mem>>)
      %dma_wait3A_1332 = arith.constant 0 : i32
      %dma_wait3A_1333 = arith.constant 0 : i32
      %dma_wait3A_1334 = tpu.memref_slice %arg7[%dma_wait3A_1332, %dma_wait3A_1333] : memref<512x128xf32, #tpu.memory_space<vmem>> -> memref<64x128xf32, #tpu.memory_space<vmem>>
      %dma_wait3A_1335 = arith.constant 0 : i32
      %dma_wait3A_1336 = arith.constant 0 : i32
      %dma_wait3A_1337 = tpu.memref_slice %arg4[%dma_wait3A_1335, %dma_wait3A_1336] : memref<3276800x128xf32, #tpu.memory_space<hbm>> -> memref<64x128xf32, #tpu.memory_space<hbm>>
      %dma_wait3A_1338 = arith.constant 0 : i32
      %dma_wait3A_1339 = arith.constant 0 : i32
      %dma_wait3A_1340 = tpu.memref_slice %arg4[%dma_wait3A_1338, %dma_wait3A_1339] : memref<3276800x128xf32, #tpu.memory_space<hbm>> -> memref<64x128xf32, #tpu.memory_space<hbm>>
      %dma_wait3A_1341 = arith.constant 0 : i32
      %dma_wait3A_1342 = arith.constant 0 : i32
      %dma_wait3A_1343 = tpu.memref_slice %arg7[%dma_wait3A_1341, %dma_wait3A_1342] : memref<512x128xf32, #tpu.memory_space<vmem>> -> memref<64x128xf32, #tpu.memory_space<vmem>>
      tpu.wait_dma2 semaphore(%arg10 : memref<!tpu.dma_semaphore, #tpu.memory_space<semaphore_mem>>) src(%dma_wait3A_1343 : memref<64x128xf32, #tpu.memory_space<vmem>>) dst(%dma_wait3A_1340 : memref<64x128xf32, #tpu.memory_space<hbm>>)
      %dma_start3A_1344 = arith.constant 0 : i32
      %dma_start3A_1345 = arith.constant 64 : i32
      %dma_start3A_1346 = arith.constant 0 : i32
      %dma_start3A_1347 = tpu.memref_slice %arg7[%dma_start3A_1345, %dma_start3A_1346] : memref<512x128xf32, #tpu.memory_space<vmem>> -> memref<64x128xf32, #tpu.memory_space<vmem>>
      %dma_start3A_1348 = arith.constant 0 : i32
      %dma_start3A_1349 = tpu.memref_slice %arg6[%dma_start3A_1344, %dma_start3A_1348] : memref<2x512xi32, #tpu.memory_space<vmem>> -> memref<1x512xi32, #tpu.memory_space<vmem>>
      %dma_start3A_1350 = tpu.memref_squeeze %dma_start3A_1349 : memref<1x512xi32, #tpu.memory_space<vmem>> -> memref<512xi32, #tpu.memory_space<vmem>>
      %dma_start3A_1351 = arith.constant 64 : i32
      %dma_start3A_1352 = tpu.memref_slice %dma_start3A_1350[%dma_start3A_1351] : memref<512xi32, #tpu.memory_space<vmem>> -> memref<64xi32, #tpu.memory_space<vmem>>
      %dma_start3A_1353 = arith.constant 0 : i32
      %dma_start3A_1354 = arith.constant 0 : i32
      %dma_start3A_1355 = tpu.memref_slice %arg5[%dma_start3A_1353, %dma_start3A_1354] : memref<1000x128xf32, #tpu.memory_space<vmem_shared>> -> memref<1000x128xf32, #tpu.memory_space<vmem_shared>>
      tpu.enqueue_indirect_dma source(%dma_start3A_1355 : memref<1000x128xf32, #tpu.memory_space<vmem_shared>>) target(%dma_start3A_1347 : memref<64x128xf32, #tpu.memory_space<vmem>>) offsets(%dma_start3A_1352 : memref<64xi32, #tpu.memory_space<vmem>>) semaphore(%arg9 : memref<!tpu.dma_semaphore, #tpu.memory_space<semaphore_mem>>)
      %dma_wait3A_1356 = arith.constant 448 : i32
      %dma_wait3A_1357 = arith.constant 0 : i32
      %dma_wait3A_1358 = tpu.memref_slice %arg7[%dma_wait3A_1356, %dma_wait3A_1357] : memref<512x128xf32, #tpu.memory_space<vmem>> -> memref<64x128xf32, #tpu.memory_space<vmem>>
      %dma_wait3A_1359 = arith.constant 0 : i32
      %dma_wait3A_1360 = arith.constant 0 : i32
      %dma_wait3A_1361 = tpu.memref_slice %arg4[%dma_wait3A_1359, %dma_wait3A_1360] : memref<3276800x128xf32, #tpu.memory_space<hbm>> -> memref<64x128xf32, #tpu.memory_space<hbm>>
      %dma_wait3A_1362 = arith.constant 448 : i32
      %dma_wait3A_1363 = arith.constant 0 : i32
      %dma_wait3A_1364 = tpu.memref_slice %arg7[%dma_wait3A_1362, %dma_wait3A_1363] : memref<512x128xf32, #tpu.memory_space<vmem>> -> memref<64x128xf32, #tpu.memory_space<vmem>>
      %dma_wait3A_1365 = arith.constant 0 : i32
      %dma_wait3A_1366 = arith.constant 0 : i32
      %dma_wait3A_1367 = tpu.memref_slice %arg4[%dma_wait3A_1365, %dma_wait3A_1366] : memref<3276800x128xf32, #tpu.memory_space<hbm>> -> memref<64x128xf32, #tpu.memory_space<hbm>>
      tpu.wait_dma2 semaphore(%arg9 : memref<!tpu.dma_semaphore, #tpu.memory_space<semaphore_mem>>) src(%dma_wait3A_1367 : memref<64x128xf32, #tpu.memory_space<hbm>>) dst(%dma_wait3A_1364 : memref<64x128xf32, #tpu.memory_space<vmem>>)
      %add3A_1368 = arith.constant -64 : i32
      %add3A_1369 = arith.addi %add3A_1259, %add3A_1368 : i32
      %dma_start3A_1370 = arith.constant 448 : i32
      %dma_start3A_1371 = arith.constant 0 : i32
      %dma_start3A_1372 = tpu.memref_slice %arg7[%dma_start3A_1370, %dma_start3A_1371] : memref<512x128xf32, #tpu.memory_space<vmem>> -> memref<64x128xf32, #tpu.memory_space<vmem>>
      %dma_start3A_1373 = arith.constant 0 : i32
      %dma_start3A_1374 = tpu.memref_slice %arg4[%add3A_1369, %dma_start3A_1373] : memref<3276800x128xf32, #tpu.memory_space<hbm>> -> memref<64x128xf32, #tpu.memory_space<hbm>>
      %dma_start3A_1375 = arith.constant 0 : i32
      %dma_start3A_1376 = tpu.memref_slice %arg4[%add3A_1369, %dma_start3A_1375] : memref<3276800x128xf32, #tpu.memory_space<hbm>> -> memref<64x128xf32, #tpu.memory_space<hbm>>
      %dma_start3A_1377 = arith.constant 448 : i32
      %dma_start3A_1378 = arith.constant 0 : i32
      %dma_start3A_1379 = tpu.memref_slice %arg7[%dma_start3A_1377, %dma_start3A_1378] : memref<512x128xf32, #tpu.memory_space<vmem>> -> memref<64x128xf32, #tpu.memory_space<vmem>>
      tpu.enqueue_dma source(%dma_start3A_1379 : memref<64x128xf32, #tpu.memory_space<vmem>>) target(%dma_start3A_1376 : memref<64x128xf32, #tpu.memory_space<hbm>>) target_semaphore(%arg10 : memref<!tpu.dma_semaphore, #tpu.memory_space<semaphore_mem>>)
      %dma_wait3A_1380 = arith.constant 0 : i32
      %dma_wait3A_1381 = arith.constant 0 : i32
      %dma_wait3A_1382 = tpu.memref_slice %arg7[%dma_wait3A_1380, %dma_wait3A_1381] : memref<512x128xf32, #tpu.memory_space<vmem>> -> memref<64x128xf32, #tpu.memory_space<vmem>>
      %dma_wait3A_1383 = arith.constant 0 : i32
      %dma_wait3A_1384 = arith.constant 0 : i32
      %dma_wait3A_1385 = tpu.memref_slice %arg4[%dma_wait3A_1383, %dma_wait3A_1384] : memref<3276800x128xf32, #tpu.memory_space<hbm>> -> memref<64x128xf32, #tpu.memory_space<hbm>>
      %dma_wait3A_1386 = arith.constant 0 : i32
      %dma_wait3A_1387 = arith.constant 0 : i32
      %dma_wait3A_1388 = tpu.memref_slice %arg4[%dma_wait3A_1386, %dma_wait3A_1387] : memref<3276800x128xf32, #tpu.memory_space<hbm>> -> memref<64x128xf32, #tpu.memory_space<hbm>>
      %dma_wait3A_1389 = arith.constant 0 : i32
      %dma_wait3A_1390 = arith.constant 0 : i32
      %dma_wait3A_1391 = tpu.memref_slice %arg7[%dma_wait3A_1389, %dma_wait3A_1390] : memref<512x128xf32, #tpu.memory_space<vmem>> -> memref<64x128xf32, #tpu.memory_space<vmem>>
      tpu.wait_dma2 semaphore(%arg10 : memref<!tpu.dma_semaphore, #tpu.memory_space<semaphore_mem>>) src(%dma_wait3A_1391 : memref<64x128xf32, #tpu.memory_space<vmem>>) dst(%dma_wait3A_1388 : memref<64x128xf32, #tpu.memory_space<hbm>>)
      %dma_start3A_1392 = arith.constant 0 : i32
      %dma_start3A_1393 = arith.constant 128 : i32
      %dma_start3A_1394 = arith.constant 0 : i32
      %dma_start3A_1395 = tpu.memref_slice %arg7[%dma_start3A_1393, %dma_start3A_1394] : memref<512x128xf32, #tpu.memory_space<vmem>> -> memref<64x128xf32, #tpu.memory_space<vmem>>
      %dma_start3A_1396 = arith.constant 0 : i32
      %dma_start3A_1397 = tpu.memref_slice %arg6[%dma_start3A_1392, %dma_start3A_1396] : memref<2x512xi32, #tpu.memory_space<vmem>> -> memref<1x512xi32, #tpu.memory_space<vmem>>
      %dma_start3A_1398 = tpu.memref_squeeze %dma_start3A_1397 : memref<1x512xi32, #tpu.memory_space<vmem>> -> memref<512xi32, #tpu.memory_space<vmem>>
      %dma_start3A_1399 = arith.constant 128 : i32
      %dma_start3A_1400 = tpu.memref_slice %dma_start3A_1398[%dma_start3A_1399] : memref<512xi32, #tpu.memory_space<vmem>> -> memref<64xi32, #tpu.memory_space<vmem>>
      %dma_start3A_1401 = arith.constant 0 : i32
      %dma_start3A_1402 = arith.constant 0 : i32
      %dma_start3A_1403 = tpu.memref_slice %arg5[%dma_start3A_1401, %dma_start3A_1402] : memref<1000x128xf32, #tpu.memory_space<vmem_shared>> -> memref<1000x128xf32, #tpu.memory_space<vmem_shared>>
      tpu.enqueue_indirect_dma source(%dma_start3A_1403 : memref<1000x128xf32, #tpu.memory_space<vmem_shared>>) target(%dma_start3A_1395 : memref<64x128xf32, #tpu.memory_space<vmem>>) offsets(%dma_start3A_1400 : memref<64xi32, #tpu.memory_space<vmem>>) semaphore(%arg9 : memref<!tpu.dma_semaphore, #tpu.memory_space<semaphore_mem>>)
      %add3A_1404 = arith.constant 1 : i32
      %add3A_1405 = arith.addi %add3A_1247, %add3A_1404 : i32
      %mul3A_1406 = arith.constant 512 : i32
      %mul3A_1407 = arith.muli %add3A_1405, %mul3A_1406 : i32
      %add3A_1408 = arith.addi %mul3A_4, %mul3A_1407 : i32
      %min3A_1409 = arith.minsi %add3A_1408, %sub3A_7 : i32
      %dma_start3A_1410 = arith.constant 1 : i32
      %dma_start3A_1411 = arith.constant 0 : i32
      %dma_start3A_1412 = tpu.memref_slice %arg6[%dma_start3A_1410, %dma_start3A_1411] : memref<2x512xi32, #tpu.memory_space<vmem>> -> memref<1x512xi32, #tpu.memory_space<vmem>>
      %dma_start3A_1413 = tpu.memref_squeeze %dma_start3A_1412 : memref<1x512xi32, #tpu.memory_space<vmem>> -> memref<512xi32, #tpu.memory_space<vmem>>
      %dma_start3A_1414 = tpu.memref_slice %arg2[%min3A_1409] : memref<3276800xi32, #tpu.memory_space<hbm>> -> memref<512xi32, #tpu.memory_space<hbm>>
      %dma_start3A_1415 = arith.constant 0 : i32
      %dma_start3A_1416 = tpu.memref_slice %arg6[%dma_start3A_1410, %dma_start3A_1415] : memref<2x512xi32, #tpu.memory_space<vmem>> -> memref<1x512xi32, #tpu.memory_space<vmem>>
      %dma_start3A_1417 = tpu.memref_squeeze %dma_start3A_1416 : memref<1x512xi32, #tpu.memory_space<vmem>> -> memref<512xi32, #tpu.memory_space<vmem>>
      %dma_start3A_1418 = tpu.memref_slice %arg2[%min3A_1409] : memref<3276800xi32, #tpu.memory_space<hbm>> -> memref<512xi32, #tpu.memory_space<hbm>>
      tpu.enqueue_dma source(%dma_start3A_1418 : memref<512xi32, #tpu.memory_space<hbm>>) target(%dma_start3A_1417 : memref<512xi32, #tpu.memory_space<vmem>>) target_semaphore(%arg8 : memref<!tpu.dma_semaphore, #tpu.memory_space<semaphore_mem>>)
      %dma_wait3A_1419 = arith.constant 0 : i32
      %dma_wait3A_1420 = arith.constant 0 : i32
      %dma_wait3A_1421 = tpu.memref_slice %arg7[%dma_wait3A_1419, %dma_wait3A_1420] : memref<512x128xf32, #tpu.memory_space<vmem>> -> memref<64x128xf32, #tpu.memory_space<vmem>>
      %dma_wait3A_1422 = arith.constant 0 : i32
      %dma_wait3A_1423 = arith.constant 0 : i32
      %dma_wait3A_1424 = tpu.memref_slice %arg4[%dma_wait3A_1422, %dma_wait3A_1423] : memref<3276800x128xf32, #tpu.memory_space<hbm>> -> memref<64x128xf32, #tpu.memory_space<hbm>>
      %dma_wait3A_1425 = arith.constant 0 : i32
      %dma_wait3A_1426 = arith.constant 0 : i32
      %dma_wait3A_1427 = tpu.memref_slice %arg7[%dma_wait3A_1425, %dma_wait3A_1426] : memref<512x128xf32, #tpu.memory_space<vmem>> -> memref<64x128xf32, #tpu.memory_space<vmem>>
      %dma_wait3A_1428 = arith.constant 0 : i32
      %dma_wait3A_1429 = arith.constant 0 : i32
      %dma_wait3A_1430 = tpu.memref_slice %arg4[%dma_wait3A_1428, %dma_wait3A_1429] : memref<3276800x128xf32, #tpu.memory_space<hbm>> -> memref<64x128xf32, #tpu.memory_space<hbm>>
      tpu.wait_dma2 semaphore(%arg9 : memref<!tpu.dma_semaphore, #tpu.memory_space<semaphore_mem>>) src(%dma_wait3A_1430 : memref<64x128xf32, #tpu.memory_space<hbm>>) dst(%dma_wait3A_1427 : memref<64x128xf32, #tpu.memory_space<vmem>>)
      %add3A_1431 = arith.constant 0 : i32
      %add3A_1432 = arith.addi %add3A_1259, %add3A_1431 : i32
      %dma_start3A_1433 = arith.constant 0 : i32
      %dma_start3A_1434 = arith.constant 0 : i32
      %dma_start3A_1435 = tpu.memref_slice %arg7[%dma_start3A_1433, %dma_start3A_1434] : memref<512x128xf32, #tpu.memory_space<vmem>> -> memref<64x128xf32, #tpu.memory_space<vmem>>
      %dma_start3A_1436 = arith.constant 0 : i32
      %dma_start3A_1437 = tpu.memref_slice %arg4[%add3A_1432, %dma_start3A_1436] : memref<3276800x128xf32, #tpu.memory_space<hbm>> -> memref<64x128xf32, #tpu.memory_space<hbm>>
      %dma_start3A_1438 = arith.constant 0 : i32
      %dma_start3A_1439 = tpu.memref_slice %arg4[%add3A_1432, %dma_start3A_1438] : memref<3276800x128xf32, #tpu.memory_space<hbm>> -> memref<64x128xf32, #tpu.memory_space<hbm>>
      %dma_start3A_1440 = arith.constant 0 : i32
      %dma_start3A_1441 = arith.constant 0 : i32
      %dma_start3A_1442 = tpu.memref_slice %arg7[%dma_start3A_1440, %dma_start3A_1441] : memref<512x128xf32, #tpu.memory_space<vmem>> -> memref<64x128xf32, #tpu.memory_space<vmem>>
      tpu.enqueue_dma source(%dma_start3A_1442 : memref<64x128xf32, #tpu.memory_space<vmem>>) target(%dma_start3A_1439 : memref<64x128xf32, #tpu.memory_space<hbm>>) target_semaphore(%arg10 : memref<!tpu.dma_semaphore, #tpu.memory_space<semaphore_mem>>)
      %dma_wait3A_1443 = arith.constant 0 : i32
      %dma_wait3A_1444 = arith.constant 0 : i32
      %dma_wait3A_1445 = tpu.memref_slice %arg7[%dma_wait3A_1443, %dma_wait3A_1444] : memref<512x128xf32, #tpu.memory_space<vmem>> -> memref<64x128xf32, #tpu.memory_space<vmem>>
      %dma_wait3A_1446 = arith.constant 0 : i32
      %dma_wait3A_1447 = arith.constant 0 : i32
      %dma_wait3A_1448 = tpu.memref_slice %arg4[%dma_wait3A_1446, %dma_wait3A_1447] : memref<3276800x128xf32, #tpu.memory_space<hbm>> -> memref<64x128xf32, #tpu.memory_space<hbm>>
      %dma_wait3A_1449 = arith.constant 0 : i32
      %dma_wait3A_1450 = arith.constant 0 : i32
      %dma_wait3A_1451 = tpu.memref_slice %arg4[%dma_wait3A_1449, %dma_wait3A_1450] : memref<3276800x128xf32, #tpu.memory_space<hbm>> -> memref<64x128xf32, #tpu.memory_space<hbm>>
      %dma_wait3A_1452 = arith.constant 0 : i32
      %dma_wait3A_1453 = arith.constant 0 : i32
      %dma_wait3A_1454 = tpu.memref_slice %arg7[%dma_wait3A_1452, %dma_wait3A_1453] : memref<512x128xf32, #tpu.memory_space<vmem>> -> memref<64x128xf32, #tpu.memory_space<vmem>>
      tpu.wait_dma2 semaphore(%arg10 : memref<!tpu.dma_semaphore, #tpu.memory_space<semaphore_mem>>) src(%dma_wait3A_1454 : memref<64x128xf32, #tpu.memory_space<vmem>>) dst(%dma_wait3A_1451 : memref<64x128xf32, #tpu.memory_space<hbm>>)
      %dma_start3A_1455 = arith.constant 0 : i32
      %dma_start3A_1456 = arith.constant 192 : i32
      %dma_start3A_1457 = arith.constant 0 : i32
      %dma_start3A_1458 = tpu.memref_slice %arg7[%dma_start3A_1456, %dma_start3A_1457] : memref<512x128xf32, #tpu.memory_space<vmem>> -> memref<64x128xf32, #tpu.memory_space<vmem>>
      %dma_start3A_1459 = arith.constant 0 : i32
      %dma_start3A_1460 = tpu.memref_slice %arg6[%dma_start3A_1455, %dma_start3A_1459] : memref<2x512xi32, #tpu.memory_space<vmem>> -> memref<1x512xi32, #tpu.memory_space<vmem>>
      %dma_start3A_1461 = tpu.memref_squeeze %dma_start3A_1460 : memref<1x512xi32, #tpu.memory_space<vmem>> -> memref<512xi32, #tpu.memory_space<vmem>>
      %dma_start3A_1462 = arith.constant 192 : i32
      %dma_start3A_1463 = tpu.memref_slice %dma_start3A_1461[%dma_start3A_1462] : memref<512xi32, #tpu.memory_space<vmem>> -> memref<64xi32, #tpu.memory_space<vmem>>
      %dma_start3A_1464 = arith.constant 0 : i32
      %dma_start3A_1465 = arith.constant 0 : i32
      %dma_start3A_1466 = tpu.memref_slice %arg5[%dma_start3A_1464, %dma_start3A_1465] : memref<1000x128xf32, #tpu.memory_space<vmem_shared>> -> memref<1000x128xf32, #tpu.memory_space<vmem_shared>>
      tpu.enqueue_indirect_dma source(%dma_start3A_1466 : memref<1000x128xf32, #tpu.memory_space<vmem_shared>>) target(%dma_start3A_1458 : memref<64x128xf32, #tpu.memory_space<vmem>>) offsets(%dma_start3A_1463 : memref<64xi32, #tpu.memory_space<vmem>>) semaphore(%arg9 : memref<!tpu.dma_semaphore, #tpu.memory_space<semaphore_mem>>)
      %dma_wait3A_1467 = arith.constant 64 : i32
      %dma_wait3A_1468 = arith.constant 0 : i32
      %dma_wait3A_1469 = tpu.memref_slice %arg7[%dma_wait3A_1467, %dma_wait3A_1468] : memref<512x128xf32, #tpu.memory_space<vmem>> -> memref<64x128xf32, #tpu.memory_space<vmem>>
      %dma_wait3A_1470 = arith.constant 0 : i32
      %dma_wait3A_1471 = arith.constant 0 : i32
      %dma_wait3A_1472 = tpu.memref_slice %arg4[%dma_wait3A_1470, %dma_wait3A_1471] : memref<3276800x128xf32, #tpu.memory_space<hbm>> -> memref<64x128xf32, #tpu.memory_space<hbm>>
      %dma_wait3A_1473 = arith.constant 64 : i32
      %dma_wait3A_1474 = arith.constant 0 : i32
      %dma_wait3A_1475 = tpu.memref_slice %arg7[%dma_wait3A_1473, %dma_wait3A_1474] : memref<512x128xf32, #tpu.memory_space<vmem>> -> memref<64x128xf32, #tpu.memory_space<vmem>>
      %dma_wait3A_1476 = arith.constant 0 : i32
      %dma_wait3A_1477 = arith.constant 0 : i32
      %dma_wait3A_1478 = tpu.memref_slice %arg4[%dma_wait3A_1476, %dma_wait3A_1477] : memref<3276800x128xf32, #tpu.memory_space<hbm>> -> memref<64x128xf32, #tpu.memory_space<hbm>>
      tpu.wait_dma2 semaphore(%arg9 : memref<!tpu.dma_semaphore, #tpu.memory_space<semaphore_mem>>) src(%dma_wait3A_1478 : memref<64x128xf32, #tpu.memory_space<hbm>>) dst(%dma_wait3A_1475 : memref<64x128xf32, #tpu.memory_space<vmem>>)
      %add3A_1479 = arith.constant 64 : i32
      %add3A_1480 = arith.addi %add3A_1259, %add3A_1479 : i32
      %dma_start3A_1481 = arith.constant 64 : i32
      %dma_start3A_1482 = arith.constant 0 : i32
      %dma_start3A_1483 = tpu.memref_slice %arg7[%dma_start3A_1481, %dma_start3A_1482] : memref<512x128xf32, #tpu.memory_space<vmem>> -> memref<64x128xf32, #tpu.memory_space<vmem>>
      %dma_start3A_1484 = arith.constant 0 : i32
      %dma_start3A_1485 = tpu.memref_slice %arg4[%add3A_1480, %dma_start3A_1484] : memref<3276800x128xf32, #tpu.memory_space<hbm>> -> memref<64x128xf32, #tpu.memory_space<hbm>>
      %dma_start3A_1486 = arith.constant 0 : i32
      %dma_start3A_1487 = tpu.memref_slice %arg4[%add3A_1480, %dma_start3A_1486] : memref<3276800x128xf32, #tpu.memory_space<hbm>> -> memref<64x128xf32, #tpu.memory_space<hbm>>
      %dma_start3A_1488 = arith.constant 64 : i32
      %dma_start3A_1489 = arith.constant 0 : i32
      %dma_start3A_1490 = tpu.memref_slice %arg7[%dma_start3A_1488, %dma_start3A_1489] : memref<512x128xf32, #tpu.memory_space<vmem>> -> memref<64x128xf32, #tpu.memory_space<vmem>>
      tpu.enqueue_dma source(%dma_start3A_1490 : memref<64x128xf32, #tpu.memory_space<vmem>>) target(%dma_start3A_1487 : memref<64x128xf32, #tpu.memory_space<hbm>>) target_semaphore(%arg10 : memref<!tpu.dma_semaphore, #tpu.memory_space<semaphore_mem>>)
      %dma_wait3A_1491 = arith.constant 0 : i32
      %dma_wait3A_1492 = arith.constant 0 : i32
      %dma_wait3A_1493 = tpu.memref_slice %arg7[%dma_wait3A_1491, %dma_wait3A_1492] : memref<512x128xf32, #tpu.memory_space<vmem>> -> memref<64x128xf32, #tpu.memory_space<vmem>>
      %dma_wait3A_1494 = arith.constant 0 : i32
      %dma_wait3A_1495 = arith.constant 0 : i32
      %dma_wait3A_1496 = tpu.memref_slice %arg4[%dma_wait3A_1494, %dma_wait3A_1495] : memref<3276800x128xf32, #tpu.memory_space<hbm>> -> memref<64x128xf32, #tpu.memory_space<hbm>>
      %dma_wait3A_1497 = arith.constant 0 : i32
      %dma_wait3A_1498 = arith.constant 0 : i32
      %dma_wait3A_1499 = tpu.memref_slice %arg4[%dma_wait3A_1497, %dma_wait3A_1498] : memref<3276800x128xf32, #tpu.memory_space<hbm>> -> memref<64x128xf32, #tpu.memory_space<hbm>>
      %dma_wait3A_1500 = arith.constant 0 : i32
      %dma_wait3A_1501 = arith.constant 0 : i32
      %dma_wait3A_1502 = tpu.memref_slice %arg7[%dma_wait3A_1500, %dma_wait3A_1501] : memref<512x128xf32, #tpu.memory_space<vmem>> -> memref<64x128xf32, #tpu.memory_space<vmem>>
      tpu.wait_dma2 semaphore(%arg10 : memref<!tpu.dma_semaphore, #tpu.memory_space<semaphore_mem>>) src(%dma_wait3A_1502 : memref<64x128xf32, #tpu.memory_space<vmem>>) dst(%dma_wait3A_1499 : memref<64x128xf32, #tpu.memory_space<hbm>>)
      %dma_start3A_1503 = arith.constant 0 : i32
      %dma_start3A_1504 = arith.constant 256 : i32
      %dma_start3A_1505 = arith.constant 0 : i32
      %dma_start3A_1506 = tpu.memref_slice %arg7[%dma_start3A_1504, %dma_start3A_1505] : memref<512x128xf32, #tpu.memory_space<vmem>> -> memref<64x128xf32, #tpu.memory_space<vmem>>
      %dma_start3A_1507 = arith.constant 0 : i32
      %dma_start3A_1508 = tpu.memref_slice %arg6[%dma_start3A_1503, %dma_start3A_1507] : memref<2x512xi32, #tpu.memory_space<vmem>> -> memref<1x512xi32, #tpu.memory_space<vmem>>
      %dma_start3A_1509 = tpu.memref_squeeze %dma_start3A_1508 : memref<1x512xi32, #tpu.memory_space<vmem>> -> memref<512xi32, #tpu.memory_space<vmem>>
      %dma_start3A_1510 = arith.constant 256 : i32
      %dma_start3A_1511 = tpu.memref_slice %dma_start3A_1509[%dma_start3A_1510] : memref<512xi32, #tpu.memory_space<vmem>> -> memref<64xi32, #tpu.memory_space<vmem>>
      %dma_start3A_1512 = arith.constant 0 : i32
      %dma_start3A_1513 = arith.constant 0 : i32
      %dma_start3A_1514 = tpu.memref_slice %arg5[%dma_start3A_1512, %dma_start3A_1513] : memref<1000x128xf32, #tpu.memory_space<vmem_shared>> -> memref<1000x128xf32, #tpu.memory_space<vmem_shared>>
      tpu.enqueue_indirect_dma source(%dma_start3A_1514 : memref<1000x128xf32, #tpu.memory_space<vmem_shared>>) target(%dma_start3A_1506 : memref<64x128xf32, #tpu.memory_space<vmem>>) offsets(%dma_start3A_1511 : memref<64xi32, #tpu.memory_space<vmem>>) semaphore(%arg9 : memref<!tpu.dma_semaphore, #tpu.memory_space<semaphore_mem>>)
      %dma_wait3A_1515 = arith.constant 128 : i32
      %dma_wait3A_1516 = arith.constant 0 : i32
      %dma_wait3A_1517 = tpu.memref_slice %arg7[%dma_wait3A_1515, %dma_wait3A_1516] : memref<512x128xf32, #tpu.memory_space<vmem>> -> memref<64x128xf32, #tpu.memory_space<vmem>>
      %dma_wait3A_1518 = arith.constant 0 : i32
      %dma_wait3A_1519 = arith.constant 0 : i32
      %dma_wait3A_1520 = tpu.memref_slice %arg4[%dma_wait3A_1518, %dma_wait3A_1519] : memref<3276800x128xf32, #tpu.memory_space<hbm>> -> memref<64x128xf32, #tpu.memory_space<hbm>>
      %dma_wait3A_1521 = arith.constant 128 : i32
      %dma_wait3A_1522 = arith.constant 0 : i32
      %dma_wait3A_1523 = tpu.memref_slice %arg7[%dma_wait3A_1521, %dma_wait3A_1522] : memref<512x128xf32, #tpu.memory_space<vmem>> -> memref<64x128xf32, #tpu.memory_space<vmem>>
      %dma_wait3A_1524 = arith.constant 0 : i32
      %dma_wait3A_1525 = arith.constant 0 : i32
      %dma_wait3A_1526 = tpu.memref_slice %arg4[%dma_wait3A_1524, %dma_wait3A_1525] : memref<3276800x128xf32, #tpu.memory_space<hbm>> -> memref<64x128xf32, #tpu.memory_space<hbm>>
      tpu.wait_dma2 semaphore(%arg9 : memref<!tpu.dma_semaphore, #tpu.memory_space<semaphore_mem>>) src(%dma_wait3A_1526 : memref<64x128xf32, #tpu.memory_space<hbm>>) dst(%dma_wait3A_1523 : memref<64x128xf32, #tpu.memory_space<vmem>>)
      %add3A_1527 = arith.constant 128 : i32
      %add3A_1528 = arith.addi %add3A_1259, %add3A_1527 : i32
      %dma_start3A_1529 = arith.constant 128 : i32
      %dma_start3A_1530 = arith.constant 0 : i32
      %dma_start3A_1531 = tpu.memref_slice %arg7[%dma_start3A_1529, %dma_start3A_1530] : memref<512x128xf32, #tpu.memory_space<vmem>> -> memref<64x128xf32, #tpu.memory_space<vmem>>
      %dma_start3A_1532 = arith.constant 0 : i32
      %dma_start3A_1533 = tpu.memref_slice %arg4[%add3A_1528, %dma_start3A_1532] : memref<3276800x128xf32, #tpu.memory_space<hbm>> -> memref<64x128xf32, #tpu.memory_space<hbm>>
      %dma_start3A_1534 = arith.constant 0 : i32
      %dma_start3A_1535 = tpu.memref_slice %arg4[%add3A_1528, %dma_start3A_1534] : memref<3276800x128xf32, #tpu.memory_space<hbm>> -> memref<64x128xf32, #tpu.memory_space<hbm>>
      %dma_start3A_1536 = arith.constant 128 : i32
      %dma_start3A_1537 = arith.constant 0 : i32
      %dma_start3A_1538 = tpu.memref_slice %arg7[%dma_start3A_1536, %dma_start3A_1537] : memref<512x128xf32, #tpu.memory_space<vmem>> -> memref<64x128xf32, #tpu.memory_space<vmem>>
      tpu.enqueue_dma source(%dma_start3A_1538 : memref<64x128xf32, #tpu.memory_space<vmem>>) target(%dma_start3A_1535 : memref<64x128xf32, #tpu.memory_space<hbm>>) target_semaphore(%arg10 : memref<!tpu.dma_semaphore, #tpu.memory_space<semaphore_mem>>)
      %dma_wait3A_1539 = arith.constant 0 : i32
      %dma_wait3A_1540 = arith.constant 0 : i32
      %dma_wait3A_1541 = tpu.memref_slice %arg7[%dma_wait3A_1539, %dma_wait3A_1540] : memref<512x128xf32, #tpu.memory_space<vmem>> -> memref<64x128xf32, #tpu.memory_space<vmem>>
      %dma_wait3A_1542 = arith.constant 0 : i32
      %dma_wait3A_1543 = arith.constant 0 : i32
      %dma_wait3A_1544 = tpu.memref_slice %arg4[%dma_wait3A_1542, %dma_wait3A_1543] : memref<3276800x128xf32, #tpu.memory_space<hbm>> -> memref<64x128xf32, #tpu.memory_space<hbm>>
      %dma_wait3A_1545 = arith.constant 0 : i32
      %dma_wait3A_1546 = arith.constant 0 : i32
      %dma_wait3A_1547 = tpu.memref_slice %arg4[%dma_wait3A_1545, %dma_wait3A_1546] : memref<3276800x128xf32, #tpu.memory_space<hbm>> -> memref<64x128xf32, #tpu.memory_space<hbm>>
      %dma_wait3A_1548 = arith.constant 0 : i32
      %dma_wait3A_1549 = arith.constant 0 : i32
      %dma_wait3A_1550 = tpu.memref_slice %arg7[%dma_wait3A_1548, %dma_wait3A_1549] : memref<512x128xf32, #tpu.memory_space<vmem>> -> memref<64x128xf32, #tpu.memory_space<vmem>>
      tpu.wait_dma2 semaphore(%arg10 : memref<!tpu.dma_semaphore, #tpu.memory_space<semaphore_mem>>) src(%dma_wait3A_1550 : memref<64x128xf32, #tpu.memory_space<vmem>>) dst(%dma_wait3A_1547 : memref<64x128xf32, #tpu.memory_space<hbm>>)
      %dma_start3A_1551 = arith.constant 0 : i32
      %dma_start3A_1552 = arith.constant 320 : i32
      %dma_start3A_1553 = arith.constant 0 : i32
      %dma_start3A_1554 = tpu.memref_slice %arg7[%dma_start3A_1552, %dma_start3A_1553] : memref<512x128xf32, #tpu.memory_space<vmem>> -> memref<64x128xf32, #tpu.memory_space<vmem>>
      %dma_start3A_1555 = arith.constant 0 : i32
      %dma_start3A_1556 = tpu.memref_slice %arg6[%dma_start3A_1551, %dma_start3A_1555] : memref<2x512xi32, #tpu.memory_space<vmem>> -> memref<1x512xi32, #tpu.memory_space<vmem>>
      %dma_start3A_1557 = tpu.memref_squeeze %dma_start3A_1556 : memref<1x512xi32, #tpu.memory_space<vmem>> -> memref<512xi32, #tpu.memory_space<vmem>>
      %dma_start3A_1558 = arith.constant 320 : i32
      %dma_start3A_1559 = tpu.memref_slice %dma_start3A_1557[%dma_start3A_1558] : memref<512xi32, #tpu.memory_space<vmem>> -> memref<64xi32, #tpu.memory_space<vmem>>
      %dma_start3A_1560 = arith.constant 0 : i32
      %dma_start3A_1561 = arith.constant 0 : i32
      %dma_start3A_1562 = tpu.memref_slice %arg5[%dma_start3A_1560, %dma_start3A_1561] : memref<1000x128xf32, #tpu.memory_space<vmem_shared>> -> memref<1000x128xf32, #tpu.memory_space<vmem_shared>>
      tpu.enqueue_indirect_dma source(%dma_start3A_1562 : memref<1000x128xf32, #tpu.memory_space<vmem_shared>>) target(%dma_start3A_1554 : memref<64x128xf32, #tpu.memory_space<vmem>>) offsets(%dma_start3A_1559 : memref<64xi32, #tpu.memory_space<vmem>>) semaphore(%arg9 : memref<!tpu.dma_semaphore, #tpu.memory_space<semaphore_mem>>)
      %dma_wait3A_1563 = arith.constant 192 : i32
      %dma_wait3A_1564 = arith.constant 0 : i32
      %dma_wait3A_1565 = tpu.memref_slice %arg7[%dma_wait3A_1563, %dma_wait3A_1564] : memref<512x128xf32, #tpu.memory_space<vmem>> -> memref<64x128xf32, #tpu.memory_space<vmem>>
      %dma_wait3A_1566 = arith.constant 0 : i32
      %dma_wait3A_1567 = arith.constant 0 : i32
      %dma_wait3A_1568 = tpu.memref_slice %arg4[%dma_wait3A_1566, %dma_wait3A_1567] : memref<3276800x128xf32, #tpu.memory_space<hbm>> -> memref<64x128xf32, #tpu.memory_space<hbm>>
      %dma_wait3A_1569 = arith.constant 192 : i32
      %dma_wait3A_1570 = arith.constant 0 : i32
      %dma_wait3A_1571 = tpu.memref_slice %arg7[%dma_wait3A_1569, %dma_wait3A_1570] : memref<512x128xf32, #tpu.memory_space<vmem>> -> memref<64x128xf32, #tpu.memory_space<vmem>>
      %dma_wait3A_1572 = arith.constant 0 : i32
      %dma_wait3A_1573 = arith.constant 0 : i32
      %dma_wait3A_1574 = tpu.memref_slice %arg4[%dma_wait3A_1572, %dma_wait3A_1573] : memref<3276800x128xf32, #tpu.memory_space<hbm>> -> memref<64x128xf32, #tpu.memory_space<hbm>>
      tpu.wait_dma2 semaphore(%arg9 : memref<!tpu.dma_semaphore, #tpu.memory_space<semaphore_mem>>) src(%dma_wait3A_1574 : memref<64x128xf32, #tpu.memory_space<hbm>>) dst(%dma_wait3A_1571 : memref<64x128xf32, #tpu.memory_space<vmem>>)
      %add3A_1575 = arith.constant 192 : i32
      %add3A_1576 = arith.addi %add3A_1259, %add3A_1575 : i32
      %dma_start3A_1577 = arith.constant 192 : i32
      %dma_start3A_1578 = arith.constant 0 : i32
      %dma_start3A_1579 = tpu.memref_slice %arg7[%dma_start3A_1577, %dma_start3A_1578] : memref<512x128xf32, #tpu.memory_space<vmem>> -> memref<64x128xf32, #tpu.memory_space<vmem>>
      %dma_start3A_1580 = arith.constant 0 : i32
      %dma_start3A_1581 = tpu.memref_slice %arg4[%add3A_1576, %dma_start3A_1580] : memref<3276800x128xf32, #tpu.memory_space<hbm>> -> memref<64x128xf32, #tpu.memory_space<hbm>>
      %dma_start3A_1582 = arith.constant 0 : i32
      %dma_start3A_1583 = tpu.memref_slice %arg4[%add3A_1576, %dma_start3A_1582] : memref<3276800x128xf32, #tpu.memory_space<hbm>> -> memref<64x128xf32, #tpu.memory_space<hbm>>
      %dma_start3A_1584 = arith.constant 192 : i32
      %dma_start3A_1585 = arith.constant 0 : i32
      %dma_start3A_1586 = tpu.memref_slice %arg7[%dma_start3A_1584, %dma_start3A_1585] : memref<512x128xf32, #tpu.memory_space<vmem>> -> memref<64x128xf32, #tpu.memory_space<vmem>>
      tpu.enqueue_dma source(%dma_start3A_1586 : memref<64x128xf32, #tpu.memory_space<vmem>>) target(%dma_start3A_1583 : memref<64x128xf32, #tpu.memory_space<hbm>>) target_semaphore(%arg10 : memref<!tpu.dma_semaphore, #tpu.memory_space<semaphore_mem>>)
      %dma_wait3A_1587 = arith.constant 0 : i32
      %dma_wait3A_1588 = arith.constant 0 : i32
      %dma_wait3A_1589 = tpu.memref_slice %arg7[%dma_wait3A_1587, %dma_wait3A_1588] : memref<512x128xf32, #tpu.memory_space<vmem>> -> memref<64x128xf32, #tpu.memory_space<vmem>>
      %dma_wait3A_1590 = arith.constant 0 : i32
      %dma_wait3A_1591 = arith.constant 0 : i32
      %dma_wait3A_1592 = tpu.memref_slice %arg4[%dma_wait3A_1590, %dma_wait3A_1591] : memref<3276800x128xf32, #tpu.memory_space<hbm>> -> memref<64x128xf32, #tpu.memory_space<hbm>>
      %dma_wait3A_1593 = arith.constant 0 : i32
      %dma_wait3A_1594 = arith.constant 0 : i32
      %dma_wait3A_1595 = tpu.memref_slice %arg4[%dma_wait3A_1593, %dma_wait3A_1594] : memref<3276800x128xf32, #tpu.memory_space<hbm>> -> memref<64x128xf32, #tpu.memory_space<hbm>>
      %dma_wait3A_1596 = arith.constant 0 : i32
      %dma_wait3A_1597 = arith.constant 0 : i32
      %dma_wait3A_1598 = tpu.memref_slice %arg7[%dma_wait3A_1596, %dma_wait3A_1597] : memref<512x128xf32, #tpu.memory_space<vmem>> -> memref<64x128xf32, #tpu.memory_space<vmem>>
      tpu.wait_dma2 semaphore(%arg10 : memref<!tpu.dma_semaphore, #tpu.memory_space<semaphore_mem>>) src(%dma_wait3A_1598 : memref<64x128xf32, #tpu.memory_space<vmem>>) dst(%dma_wait3A_1595 : memref<64x128xf32, #tpu.memory_space<hbm>>)
      %dma_start3A_1599 = arith.constant 0 : i32
      %dma_start3A_1600 = arith.constant 384 : i32
      %dma_start3A_1601 = arith.constant 0 : i32
      %dma_start3A_1602 = tpu.memref_slice %arg7[%dma_start3A_1600, %dma_start3A_1601] : memref<512x128xf32, #tpu.memory_space<vmem>> -> memref<64x128xf32, #tpu.memory_space<vmem>>
      %dma_start3A_1603 = arith.constant 0 : i32
      %dma_start3A_1604 = tpu.memref_slice %arg6[%dma_start3A_1599, %dma_start3A_1603] : memref<2x512xi32, #tpu.memory_space<vmem>> -> memref<1x512xi32, #tpu.memory_space<vmem>>
      %dma_start3A_1605 = tpu.memref_squeeze %dma_start3A_1604 : memref<1x512xi32, #tpu.memory_space<vmem>> -> memref<512xi32, #tpu.memory_space<vmem>>
      %dma_start3A_1606 = arith.constant 384 : i32
      %dma_start3A_1607 = tpu.memref_slice %dma_start3A_1605[%dma_start3A_1606] : memref<512xi32, #tpu.memory_space<vmem>> -> memref<64xi32, #tpu.memory_space<vmem>>
      %dma_start3A_1608 = arith.constant 0 : i32
      %dma_start3A_1609 = arith.constant 0 : i32
      %dma_start3A_1610 = tpu.memref_slice %arg5[%dma_start3A_1608, %dma_start3A_1609] : memref<1000x128xf32, #tpu.memory_space<vmem_shared>> -> memref<1000x128xf32, #tpu.memory_space<vmem_shared>>
      tpu.enqueue_indirect_dma source(%dma_start3A_1610 : memref<1000x128xf32, #tpu.memory_space<vmem_shared>>) target(%dma_start3A_1602 : memref<64x128xf32, #tpu.memory_space<vmem>>) offsets(%dma_start3A_1607 : memref<64xi32, #tpu.memory_space<vmem>>) semaphore(%arg9 : memref<!tpu.dma_semaphore, #tpu.memory_space<semaphore_mem>>)
      %dma_wait3A_1611 = arith.constant 256 : i32
      %dma_wait3A_1612 = arith.constant 0 : i32
      %dma_wait3A_1613 = tpu.memref_slice %arg7[%dma_wait3A_1611, %dma_wait3A_1612] : memref<512x128xf32, #tpu.memory_space<vmem>> -> memref<64x128xf32, #tpu.memory_space<vmem>>
      %dma_wait3A_1614 = arith.constant 0 : i32
      %dma_wait3A_1615 = arith.constant 0 : i32
      %dma_wait3A_1616 = tpu.memref_slice %arg4[%dma_wait3A_1614, %dma_wait3A_1615] : memref<3276800x128xf32, #tpu.memory_space<hbm>> -> memref<64x128xf32, #tpu.memory_space<hbm>>
      %dma_wait3A_1617 = arith.constant 256 : i32
      %dma_wait3A_1618 = arith.constant 0 : i32
      %dma_wait3A_1619 = tpu.memref_slice %arg7[%dma_wait3A_1617, %dma_wait3A_1618] : memref<512x128xf32, #tpu.memory_space<vmem>> -> memref<64x128xf32, #tpu.memory_space<vmem>>
      %dma_wait3A_1620 = arith.constant 0 : i32
      %dma_wait3A_1621 = arith.constant 0 : i32
      %dma_wait3A_1622 = tpu.memref_slice %arg4[%dma_wait3A_1620, %dma_wait3A_1621] : memref<3276800x128xf32, #tpu.memory_space<hbm>> -> memref<64x128xf32, #tpu.memory_space<hbm>>
      tpu.wait_dma2 semaphore(%arg9 : memref<!tpu.dma_semaphore, #tpu.memory_space<semaphore_mem>>) src(%dma_wait3A_1622 : memref<64x128xf32, #tpu.memory_space<hbm>>) dst(%dma_wait3A_1619 : memref<64x128xf32, #tpu.memory_space<vmem>>)
      %add3A_1623 = arith.constant 256 : i32
      %add3A_1624 = arith.addi %add3A_1259, %add3A_1623 : i32
      %dma_start3A_1625 = arith.constant 256 : i32
      %dma_start3A_1626 = arith.constant 0 : i32
      %dma_start3A_1627 = tpu.memref_slice %arg7[%dma_start3A_1625, %dma_start3A_1626] : memref<512x128xf32, #tpu.memory_space<vmem>> -> memref<64x128xf32, #tpu.memory_space<vmem>>
      %dma_start3A_1628 = arith.constant 0 : i32
      %dma_start3A_1629 = tpu.memref_slice %arg4[%add3A_1624, %dma_start3A_1628] : memref<3276800x128xf32, #tpu.memory_space<hbm>> -> memref<64x128xf32, #tpu.memory_space<hbm>>
      %dma_start3A_1630 = arith.constant 0 : i32
      %dma_start3A_1631 = tpu.memref_slice %arg4[%add3A_1624, %dma_start3A_1630] : memref<3276800x128xf32, #tpu.memory_space<hbm>> -> memref<64x128xf32, #tpu.memory_space<hbm>>
      %dma_start3A_1632 = arith.constant 256 : i32
      %dma_start3A_1633 = arith.constant 0 : i32
      %dma_start3A_1634 = tpu.memref_slice %arg7[%dma_start3A_1632, %dma_start3A_1633] : memref<512x128xf32, #tpu.memory_space<vmem>> -> memref<64x128xf32, #tpu.memory_space<vmem>>
      tpu.enqueue_dma source(%dma_start3A_1634 : memref<64x128xf32, #tpu.memory_space<vmem>>) target(%dma_start3A_1631 : memref<64x128xf32, #tpu.memory_space<hbm>>) target_semaphore(%arg10 : memref<!tpu.dma_semaphore, #tpu.memory_space<semaphore_mem>>)
      %dma_wait3A_1635 = arith.constant 0 : i32
      %dma_wait3A_1636 = arith.constant 0 : i32
      %dma_wait3A_1637 = tpu.memref_slice %arg7[%dma_wait3A_1635, %dma_wait3A_1636] : memref<512x128xf32, #tpu.memory_space<vmem>> -> memref<64x128xf32, #tpu.memory_space<vmem>>
      %dma_wait3A_1638 = arith.constant 0 : i32
      %dma_wait3A_1639 = arith.constant 0 : i32
      %dma_wait3A_1640 = tpu.memref_slice %arg4[%dma_wait3A_1638, %dma_wait3A_1639] : memref<3276800x128xf32, #tpu.memory_space<hbm>> -> memref<64x128xf32, #tpu.memory_space<hbm>>
      %dma_wait3A_1641 = arith.constant 0 : i32
      %dma_wait3A_1642 = arith.constant 0 : i32
      %dma_wait3A_1643 = tpu.memref_slice %arg4[%dma_wait3A_1641, %dma_wait3A_1642] : memref<3276800x128xf32, #tpu.memory_space<hbm>> -> memref<64x128xf32, #tpu.memory_space<hbm>>
      %dma_wait3A_1644 = arith.constant 0 : i32
      %dma_wait3A_1645 = arith.constant 0 : i32
      %dma_wait3A_1646 = tpu.memref_slice %arg7[%dma_wait3A_1644, %dma_wait3A_1645] : memref<512x128xf32, #tpu.memory_space<vmem>> -> memref<64x128xf32, #tpu.memory_space<vmem>>
      tpu.wait_dma2 semaphore(%arg10 : memref<!tpu.dma_semaphore, #tpu.memory_space<semaphore_mem>>) src(%dma_wait3A_1646 : memref<64x128xf32, #tpu.memory_space<vmem>>) dst(%dma_wait3A_1643 : memref<64x128xf32, #tpu.memory_space<hbm>>)
      %dma_start3A_1647 = arith.constant 0 : i32
      %dma_start3A_1648 = arith.constant 448 : i32
      %dma_start3A_1649 = arith.constant 0 : i32
      %dma_start3A_1650 = tpu.memref_slice %arg7[%dma_start3A_1648, %dma_start3A_1649] : memref<512x128xf32, #tpu.memory_space<vmem>> -> memref<64x128xf32, #tpu.memory_space<vmem>>
      %dma_start3A_1651 = arith.constant 0 : i32
      %dma_start3A_1652 = tpu.memref_slice %arg6[%dma_start3A_1647, %dma_start3A_1651] : memref<2x512xi32, #tpu.memory_space<vmem>> -> memref<1x512xi32, #tpu.memory_space<vmem>>
      %dma_start3A_1653 = tpu.memref_squeeze %dma_start3A_1652 : memref<1x512xi32, #tpu.memory_space<vmem>> -> memref<512xi32, #tpu.memory_space<vmem>>
      %dma_start3A_1654 = arith.constant 448 : i32
      %dma_start3A_1655 = tpu.memref_slice %dma_start3A_1653[%dma_start3A_1654] : memref<512xi32, #tpu.memory_space<vmem>> -> memref<64xi32, #tpu.memory_space<vmem>>
      %dma_start3A_1656 = arith.constant 0 : i32
      %dma_start3A_1657 = arith.constant 0 : i32
      %dma_start3A_1658 = tpu.memref_slice %arg5[%dma_start3A_1656, %dma_start3A_1657] : memref<1000x128xf32, #tpu.memory_space<vmem_shared>> -> memref<1000x128xf32, #tpu.memory_space<vmem_shared>>
      tpu.enqueue_indirect_dma source(%dma_start3A_1658 : memref<1000x128xf32, #tpu.memory_space<vmem_shared>>) target(%dma_start3A_1650 : memref<64x128xf32, #tpu.memory_space<vmem>>) offsets(%dma_start3A_1655 : memref<64xi32, #tpu.memory_space<vmem>>) semaphore(%arg9 : memref<!tpu.dma_semaphore, #tpu.memory_space<semaphore_mem>>)
    }
    %scan3A_239 = arith.constant 99 : i32
    %dma_wait3A_240 = arith.constant 1 : i32
    %dma_wait3A_241 = arith.constant 0 : i32
    %dma_wait3A_242 = tpu.memref_slice %arg6[%dma_wait3A_240, %dma_wait3A_241] : memref<2x512xi32, #tpu.memory_space<vmem>> -> memref<1x512xi32, #tpu.memory_space<vmem>>
    %dma_wait3A_243 = tpu.memref_squeeze %dma_wait3A_242 : memref<1x512xi32, #tpu.memory_space<vmem>> -> memref<512xi32, #tpu.memory_space<vmem>>
    %dma_wait3A_244 = tpu.memref_slice %arg2[%mul3A_4] : memref<3276800xi32, #tpu.memory_space<hbm>> -> memref<512xi32, #tpu.memory_space<hbm>>
    %dma_wait3A_245 = arith.constant 0 : i32
    %dma_wait3A_246 = tpu.memref_slice %arg6[%dma_wait3A_240, %dma_wait3A_245] : memref<2x512xi32, #tpu.memory_space<vmem>> -> memref<1x512xi32, #tpu.memory_space<vmem>>
    %dma_wait3A_247 = tpu.memref_squeeze %dma_wait3A_246 : memref<1x512xi32, #tpu.memory_space<vmem>> -> memref<512xi32, #tpu.memory_space<vmem>>
    %dma_wait3A_248 = tpu.memref_slice %arg2[%mul3A_4] : memref<3276800xi32, #tpu.memory_space<hbm>> -> memref<512xi32, #tpu.memory_space<hbm>>
    tpu.wait_dma2 semaphore(%arg8 : memref<!tpu.dma_semaphore, #tpu.memory_space<semaphore_mem>>) src(%dma_wait3A_248 : memref<512xi32, #tpu.memory_space<hbm>>) dst(%dma_wait3A_247 : memref<512xi32, #tpu.memory_space<vmem>>)
    %add3A_249 = arith.constant 101888 : i32
    %add3A_250 = arith.addi %mul3A_4, %add3A_249 : i32
    %dma_wait3A_251 = arith.constant 320 : i32
    %dma_wait3A_252 = arith.constant 0 : i32
    %dma_wait3A_253 = tpu.memref_slice %arg7[%dma_wait3A_251, %dma_wait3A_252] : memref<512x128xf32, #tpu.memory_space<vmem>> -> memref<64x128xf32, #tpu.memory_space<vmem>>
    %dma_wait3A_254 = arith.constant 0 : i32
    %dma_wait3A_255 = arith.constant 0 : i32
    %dma_wait3A_256 = tpu.memref_slice %arg4[%dma_wait3A_254, %dma_wait3A_255] : memref<3276800x128xf32, #tpu.memory_space<hbm>> -> memref<64x128xf32, #tpu.memory_space<hbm>>
    %dma_wait3A_257 = arith.constant 320 : i32
    %dma_wait3A_258 = arith.constant 0 : i32
    %dma_wait3A_259 = tpu.memref_slice %arg7[%dma_wait3A_257, %dma_wait3A_258] : memref<512x128xf32, #tpu.memory_space<vmem>> -> memref<64x128xf32, #tpu.memory_space<vmem>>
    %dma_wait3A_260 = arith.constant 0 : i32
    %dma_wait3A_261 = arith.constant 0 : i32
    %dma_wait3A_262 = tpu.memref_slice %arg4[%dma_wait3A_260, %dma_wait3A_261] : memref<3276800x128xf32, #tpu.memory_space<hbm>> -> memref<64x128xf32, #tpu.memory_space<hbm>>
    tpu.wait_dma2 semaphore(%arg9 : memref<!tpu.dma_semaphore, #tpu.memory_space<semaphore_mem>>) src(%dma_wait3A_262 : memref<64x128xf32, #tpu.memory_space<hbm>>) dst(%dma_wait3A_259 : memref<64x128xf32, #tpu.memory_space<vmem>>)
    %add3A_263 = arith.constant -192 : i32
    %add3A_264 = arith.addi %add3A_250, %add3A_263 : i32
    %dma_start3A_265 = arith.constant 320 : i32
    %dma_start3A_266 = arith.constant 0 : i32
    %dma_start3A_267 = tpu.memref_slice %arg7[%dma_start3A_265, %dma_start3A_266] : memref<512x128xf32, #tpu.memory_space<vmem>> -> memref<64x128xf32, #tpu.memory_space<vmem>>
    %dma_start3A_268 = arith.constant 0 : i32
    %dma_start3A_269 = tpu.memref_slice %arg4[%add3A_264, %dma_start3A_268] : memref<3276800x128xf32, #tpu.memory_space<hbm>> -> memref<64x128xf32, #tpu.memory_space<hbm>>
    %dma_start3A_270 = arith.constant 0 : i32
    %dma_start3A_271 = tpu.memref_slice %arg4[%add3A_264, %dma_start3A_270] : memref<3276800x128xf32, #tpu.memory_space<hbm>> -> memref<64x128xf32, #tpu.memory_space<hbm>>
    %dma_start3A_272 = arith.constant 320 : i32
    %dma_start3A_273 = arith.constant 0 : i32
    %dma_start3A_274 = tpu.memref_slice %arg7[%dma_start3A_272, %dma_start3A_273] : memref<512x128xf32, #tpu.memory_space<vmem>> -> memref<64x128xf32, #tpu.memory_space<vmem>>
    tpu.enqueue_dma source(%dma_start3A_274 : memref<64x128xf32, #tpu.memory_space<vmem>>) target(%dma_start3A_271 : memref<64x128xf32, #tpu.memory_space<hbm>>) target_semaphore(%arg10 : memref<!tpu.dma_semaphore, #tpu.memory_space<semaphore_mem>>)
    %dma_wait3A_275 = arith.constant 0 : i32
    %dma_wait3A_276 = arith.constant 0 : i32
    %dma_wait3A_277 = tpu.memref_slice %arg7[%dma_wait3A_275, %dma_wait3A_276] : memref<512x128xf32, #tpu.memory_space<vmem>> -> memref<64x128xf32, #tpu.memory_space<vmem>>
    %dma_wait3A_278 = arith.constant 0 : i32
    %dma_wait3A_279 = arith.constant 0 : i32
    %dma_wait3A_280 = tpu.memref_slice %arg4[%dma_wait3A_278, %dma_wait3A_279] : memref<3276800x128xf32, #tpu.memory_space<hbm>> -> memref<64x128xf32, #tpu.memory_space<hbm>>
    %dma_wait3A_281 = arith.constant 0 : i32
    %dma_wait3A_282 = arith.constant 0 : i32
    %dma_wait3A_283 = tpu.memref_slice %arg4[%dma_wait3A_281, %dma_wait3A_282] : memref<3276800x128xf32, #tpu.memory_space<hbm>> -> memref<64x128xf32, #tpu.memory_space<hbm>>
    %dma_wait3A_284 = arith.constant 0 : i32
    %dma_wait3A_285 = arith.constant 0 : i32
    %dma_wait3A_286 = tpu.memref_slice %arg7[%dma_wait3A_284, %dma_wait3A_285] : memref<512x128xf32, #tpu.memory_space<vmem>> -> memref<64x128xf32, #tpu.memory_space<vmem>>
    tpu.wait_dma2 semaphore(%arg10 : memref<!tpu.dma_semaphore, #tpu.memory_space<semaphore_mem>>) src(%dma_wait3A_286 : memref<64x128xf32, #tpu.memory_space<vmem>>) dst(%dma_wait3A_283 : memref<64x128xf32, #tpu.memory_space<hbm>>)
    %dma_start3A_287 = arith.constant 1 : i32
    %dma_start3A_288 = arith.constant 0 : i32
    %dma_start3A_289 = arith.constant 0 : i32
    %dma_start3A_290 = tpu.memref_slice %arg7[%dma_start3A_288, %dma_start3A_289] : memref<512x128xf32, #tpu.memory_space<vmem>> -> memref<64x128xf32, #tpu.memory_space<vmem>>
    %dma_start3A_291 = arith.constant 0 : i32
    %dma_start3A_292 = tpu.memref_slice %arg6[%dma_start3A_287, %dma_start3A_291] : memref<2x512xi32, #tpu.memory_space<vmem>> -> memref<1x512xi32, #tpu.memory_space<vmem>>
    %dma_start3A_293 = tpu.memref_squeeze %dma_start3A_292 : memref<1x512xi32, #tpu.memory_space<vmem>> -> memref<512xi32, #tpu.memory_space<vmem>>
    %dma_start3A_294 = arith.constant 0 : i32
    %dma_start3A_295 = tpu.memref_slice %dma_start3A_293[%dma_start3A_294] : memref<512xi32, #tpu.memory_space<vmem>> -> memref<64xi32, #tpu.memory_space<vmem>>
    %dma_start3A_296 = arith.constant 0 : i32
    %dma_start3A_297 = arith.constant 0 : i32
    %dma_start3A_298 = tpu.memref_slice %arg5[%dma_start3A_296, %dma_start3A_297] : memref<1000x128xf32, #tpu.memory_space<vmem_shared>> -> memref<1000x128xf32, #tpu.memory_space<vmem_shared>>
    tpu.enqueue_indirect_dma source(%dma_start3A_298 : memref<1000x128xf32, #tpu.memory_space<vmem_shared>>) target(%dma_start3A_290 : memref<64x128xf32, #tpu.memory_space<vmem>>) offsets(%dma_start3A_295 : memref<64xi32, #tpu.memory_space<vmem>>) semaphore(%arg9 : memref<!tpu.dma_semaphore, #tpu.memory_space<semaphore_mem>>)
    %dma_wait3A_299 = arith.constant 384 : i32
    %dma_wait3A_300 = arith.constant 0 : i32
    %dma_wait3A_301 = tpu.memref_slice %arg7[%dma_wait3A_299, %dma_wait3A_300] : memref<512x128xf32, #tpu.memory_space<vmem>> -> memref<64x128xf32, #tpu.memory_space<vmem>>
    %dma_wait3A_302 = arith.constant 0 : i32
    %dma_wait3A_303 = arith.constant 0 : i32
    %dma_wait3A_304 = tpu.memref_slice %arg4[%dma_wait3A_302, %dma_wait3A_303] : memref<3276800x128xf32, #tpu.memory_space<hbm>> -> memref<64x128xf32, #tpu.memory_space<hbm>>
    %dma_wait3A_305 = arith.constant 384 : i32
    %dma_wait3A_306 = arith.constant 0 : i32
    %dma_wait3A_307 = tpu.memref_slice %arg7[%dma_wait3A_305, %dma_wait3A_306] : memref<512x128xf32, #tpu.memory_space<vmem>> -> memref<64x128xf32, #tpu.memory_space<vmem>>
    %dma_wait3A_308 = arith.constant 0 : i32
    %dma_wait3A_309 = arith.constant 0 : i32
    %dma_wait3A_310 = tpu.memref_slice %arg4[%dma_wait3A_308, %dma_wait3A_309] : memref<3276800x128xf32, #tpu.memory_space<hbm>> -> memref<64x128xf32, #tpu.memory_space<hbm>>
    tpu.wait_dma2 semaphore(%arg9 : memref<!tpu.dma_semaphore, #tpu.memory_space<semaphore_mem>>) src(%dma_wait3A_310 : memref<64x128xf32, #tpu.memory_space<hbm>>) dst(%dma_wait3A_307 : memref<64x128xf32, #tpu.memory_space<vmem>>)
    %add3A_311 = arith.constant -128 : i32
    %add3A_312 = arith.addi %add3A_250, %add3A_311 : i32
    %dma_start3A_313 = arith.constant 384 : i32
    %dma_start3A_314 = arith.constant 0 : i32
    %dma_start3A_315 = tpu.memref_slice %arg7[%dma_start3A_313, %dma_start3A_314] : memref<512x128xf32, #tpu.memory_space<vmem>> -> memref<64x128xf32, #tpu.memory_space<vmem>>
    %dma_start3A_316 = arith.constant 0 : i32
    %dma_start3A_317 = tpu.memref_slice %arg4[%add3A_312, %dma_start3A_316] : memref<3276800x128xf32, #tpu.memory_space<hbm>> -> memref<64x128xf32, #tpu.memory_space<hbm>>
    %dma_start3A_318 = arith.constant 0 : i32
    %dma_start3A_319 = tpu.memref_slice %arg4[%add3A_312, %dma_start3A_318] : memref<3276800x128xf32, #tpu.memory_space<hbm>> -> memref<64x128xf32, #tpu.memory_space<hbm>>
    %dma_start3A_320 = arith.constant 384 : i32
    %dma_start3A_321 = arith.constant 0 : i32
    %dma_start3A_322 = tpu.memref_slice %arg7[%dma_start3A_320, %dma_start3A_321] : memref<512x128xf32, #tpu.memory_space<vmem>> -> memref<64x128xf32, #tpu.memory_space<vmem>>
    tpu.enqueue_dma source(%dma_start3A_322 : memref<64x128xf32, #tpu.memory_space<vmem>>) target(%dma_start3A_319 : memref<64x128xf32, #tpu.memory_space<hbm>>) target_semaphore(%arg10 : memref<!tpu.dma_semaphore, #tpu.memory_space<semaphore_mem>>)
    %dma_wait3A_323 = arith.constant 0 : i32
    %dma_wait3A_324 = arith.constant 0 : i32
    %dma_wait3A_325 = tpu.memref_slice %arg7[%dma_wait3A_323, %dma_wait3A_324] : memref<512x128xf32, #tpu.memory_space<vmem>> -> memref<64x128xf32, #tpu.memory_space<vmem>>
    %dma_wait3A_326 = arith.constant 0 : i32
    %dma_wait3A_327 = arith.constant 0 : i32
    %dma_wait3A_328 = tpu.memref_slice %arg4[%dma_wait3A_326, %dma_wait3A_327] : memref<3276800x128xf32, #tpu.memory_space<hbm>> -> memref<64x128xf32, #tpu.memory_space<hbm>>
    %dma_wait3A_329 = arith.constant 0 : i32
    %dma_wait3A_330 = arith.constant 0 : i32
    %dma_wait3A_331 = tpu.memref_slice %arg4[%dma_wait3A_329, %dma_wait3A_330] : memref<3276800x128xf32, #tpu.memory_space<hbm>> -> memref<64x128xf32, #tpu.memory_space<hbm>>
    %dma_wait3A_332 = arith.constant 0 : i32
    %dma_wait3A_333 = arith.constant 0 : i32
    %dma_wait3A_334 = tpu.memref_slice %arg7[%dma_wait3A_332, %dma_wait3A_333] : memref<512x128xf32, #tpu.memory_space<vmem>> -> memref<64x128xf32, #tpu.memory_space<vmem>>
    tpu.wait_dma2 semaphore(%arg10 : memref<!tpu.dma_semaphore, #tpu.memory_space<semaphore_mem>>) src(%dma_wait3A_334 : memref<64x128xf32, #tpu.memory_space<vmem>>) dst(%dma_wait3A_331 : memref<64x128xf32, #tpu.memory_space<hbm>>)
    %dma_start3A_335 = arith.constant 1 : i32
    %dma_start3A_336 = arith.constant 64 : i32
    %dma_start3A_337 = arith.constant 0 : i32
    %dma_start3A_338 = tpu.memref_slice %arg7[%dma_start3A_336, %dma_start3A_337] : memref<512x128xf32, #tpu.memory_space<vmem>> -> memref<64x128xf32, #tpu.memory_space<vmem>>
    %dma_start3A_339 = arith.constant 0 : i32
    %dma_start3A_340 = tpu.memref_slice %arg6[%dma_start3A_335, %dma_start3A_339] : memref<2x512xi32, #tpu.memory_space<vmem>> -> memref<1x512xi32, #tpu.memory_space<vmem>>
    %dma_start3A_341 = tpu.memref_squeeze %dma_start3A_340 : memref<1x512xi32, #tpu.memory_space<vmem>> -> memref<512xi32, #tpu.memory_space<vmem>>
    %dma_start3A_342 = arith.constant 64 : i32
    %dma_start3A_343 = tpu.memref_slice %dma_start3A_341[%dma_start3A_342] : memref<512xi32, #tpu.memory_space<vmem>> -> memref<64xi32, #tpu.memory_space<vmem>>
    %dma_start3A_344 = arith.constant 0 : i32
    %dma_start3A_345 = arith.constant 0 : i32
    %dma_start3A_346 = tpu.memref_slice %arg5[%dma_start3A_344, %dma_start3A_345] : memref<1000x128xf32, #tpu.memory_space<vmem_shared>> -> memref<1000x128xf32, #tpu.memory_space<vmem_shared>>
    tpu.enqueue_indirect_dma source(%dma_start3A_346 : memref<1000x128xf32, #tpu.memory_space<vmem_shared>>) target(%dma_start3A_338 : memref<64x128xf32, #tpu.memory_space<vmem>>) offsets(%dma_start3A_343 : memref<64xi32, #tpu.memory_space<vmem>>) semaphore(%arg9 : memref<!tpu.dma_semaphore, #tpu.memory_space<semaphore_mem>>)
    %dma_wait3A_347 = arith.constant 448 : i32
    %dma_wait3A_348 = arith.constant 0 : i32
    %dma_wait3A_349 = tpu.memref_slice %arg7[%dma_wait3A_347, %dma_wait3A_348] : memref<512x128xf32, #tpu.memory_space<vmem>> -> memref<64x128xf32, #tpu.memory_space<vmem>>
    %dma_wait3A_350 = arith.constant 0 : i32
    %dma_wait3A_351 = arith.constant 0 : i32
    %dma_wait3A_352 = tpu.memref_slice %arg4[%dma_wait3A_350, %dma_wait3A_351] : memref<3276800x128xf32, #tpu.memory_space<hbm>> -> memref<64x128xf32, #tpu.memory_space<hbm>>
    %dma_wait3A_353 = arith.constant 448 : i32
    %dma_wait3A_354 = arith.constant 0 : i32
    %dma_wait3A_355 = tpu.memref_slice %arg7[%dma_wait3A_353, %dma_wait3A_354] : memref<512x128xf32, #tpu.memory_space<vmem>> -> memref<64x128xf32, #tpu.memory_space<vmem>>
    %dma_wait3A_356 = arith.constant 0 : i32
    %dma_wait3A_357 = arith.constant 0 : i32
    %dma_wait3A_358 = tpu.memref_slice %arg4[%dma_wait3A_356, %dma_wait3A_357] : memref<3276800x128xf32, #tpu.memory_space<hbm>> -> memref<64x128xf32, #tpu.memory_space<hbm>>
    tpu.wait_dma2 semaphore(%arg9 : memref<!tpu.dma_semaphore, #tpu.memory_space<semaphore_mem>>) src(%dma_wait3A_358 : memref<64x128xf32, #tpu.memory_space<hbm>>) dst(%dma_wait3A_355 : memref<64x128xf32, #tpu.memory_space<vmem>>)
    %add3A_359 = arith.constant -64 : i32
    %add3A_360 = arith.addi %add3A_250, %add3A_359 : i32
    %dma_start3A_361 = arith.constant 448 : i32
    %dma_start3A_362 = arith.constant 0 : i32
    %dma_start3A_363 = tpu.memref_slice %arg7[%dma_start3A_361, %dma_start3A_362] : memref<512x128xf32, #tpu.memory_space<vmem>> -> memref<64x128xf32, #tpu.memory_space<vmem>>
    %dma_start3A_364 = arith.constant 0 : i32
    %dma_start3A_365 = tpu.memref_slice %arg4[%add3A_360, %dma_start3A_364] : memref<3276800x128xf32, #tpu.memory_space<hbm>> -> memref<64x128xf32, #tpu.memory_space<hbm>>
    %dma_start3A_366 = arith.constant 0 : i32
    %dma_start3A_367 = tpu.memref_slice %arg4[%add3A_360, %dma_start3A_366] : memref<3276800x128xf32, #tpu.memory_space<hbm>> -> memref<64x128xf32, #tpu.memory_space<hbm>>
    %dma_start3A_368 = arith.constant 448 : i32
    %dma_start3A_369 = arith.constant 0 : i32
    %dma_start3A_370 = tpu.memref_slice %arg7[%dma_start3A_368, %dma_start3A_369] : memref<512x128xf32, #tpu.memory_space<vmem>> -> memref<64x128xf32, #tpu.memory_space<vmem>>
    tpu.enqueue_dma source(%dma_start3A_370 : memref<64x128xf32, #tpu.memory_space<vmem>>) target(%dma_start3A_367 : memref<64x128xf32, #tpu.memory_space<hbm>>) target_semaphore(%arg10 : memref<!tpu.dma_semaphore, #tpu.memory_space<semaphore_mem>>)
    %dma_wait3A_371 = arith.constant 0 : i32
    %dma_wait3A_372 = arith.constant 0 : i32
    %dma_wait3A_373 = tpu.memref_slice %arg7[%dma_wait3A_371, %dma_wait3A_372] : memref<512x128xf32, #tpu.memory_space<vmem>> -> memref<64x128xf32, #tpu.memory_space<vmem>>
    %dma_wait3A_374 = arith.constant 0 : i32
    %dma_wait3A_375 = arith.constant 0 : i32
    %dma_wait3A_376 = tpu.memref_slice %arg4[%dma_wait3A_374, %dma_wait3A_375] : memref<3276800x128xf32, #tpu.memory_space<hbm>> -> memref<64x128xf32, #tpu.memory_space<hbm>>
    %dma_wait3A_377 = arith.constant 0 : i32
    %dma_wait3A_378 = arith.constant 0 : i32
    %dma_wait3A_379 = tpu.memref_slice %arg4[%dma_wait3A_377, %dma_wait3A_378] : memref<3276800x128xf32, #tpu.memory_space<hbm>> -> memref<64x128xf32, #tpu.memory_space<hbm>>
    %dma_wait3A_380 = arith.constant 0 : i32
    %dma_wait3A_381 = arith.constant 0 : i32
    %dma_wait3A_382 = tpu.memref_slice %arg7[%dma_wait3A_380, %dma_wait3A_381] : memref<512x128xf32, #tpu.memory_space<vmem>> -> memref<64x128xf32, #tpu.memory_space<vmem>>
    tpu.wait_dma2 semaphore(%arg10 : memref<!tpu.dma_semaphore, #tpu.memory_space<semaphore_mem>>) src(%dma_wait3A_382 : memref<64x128xf32, #tpu.memory_space<vmem>>) dst(%dma_wait3A_379 : memref<64x128xf32, #tpu.memory_space<hbm>>)
    %dma_start3A_383 = arith.constant 1 : i32
    %dma_start3A_384 = arith.constant 128 : i32
    %dma_start3A_385 = arith.constant 0 : i32
    %dma_start3A_386 = tpu.memref_slice %arg7[%dma_start3A_384, %dma_start3A_385] : memref<512x128xf32, #tpu.memory_space<vmem>> -> memref<64x128xf32, #tpu.memory_space<vmem>>
    %dma_start3A_387 = arith.constant 0 : i32
    %dma_start3A_388 = tpu.memref_slice %arg6[%dma_start3A_383, %dma_start3A_387] : memref<2x512xi32, #tpu.memory_space<vmem>> -> memref<1x512xi32, #tpu.memory_space<vmem>>
    %dma_start3A_389 = tpu.memref_squeeze %dma_start3A_388 : memref<1x512xi32, #tpu.memory_space<vmem>> -> memref<512xi32, #tpu.memory_space<vmem>>
    %dma_start3A_390 = arith.constant 128 : i32
    %dma_start3A_391 = tpu.memref_slice %dma_start3A_389[%dma_start3A_390] : memref<512xi32, #tpu.memory_space<vmem>> -> memref<64xi32, #tpu.memory_space<vmem>>
    %dma_start3A_392 = arith.constant 0 : i32
    %dma_start3A_393 = arith.constant 0 : i32
    %dma_start3A_394 = tpu.memref_slice %arg5[%dma_start3A_392, %dma_start3A_393] : memref<1000x128xf32, #tpu.memory_space<vmem_shared>> -> memref<1000x128xf32, #tpu.memory_space<vmem_shared>>
    tpu.enqueue_indirect_dma source(%dma_start3A_394 : memref<1000x128xf32, #tpu.memory_space<vmem_shared>>) target(%dma_start3A_386 : memref<64x128xf32, #tpu.memory_space<vmem>>) offsets(%dma_start3A_391 : memref<64xi32, #tpu.memory_space<vmem>>) semaphore(%arg9 : memref<!tpu.dma_semaphore, #tpu.memory_space<semaphore_mem>>)
    %add3A_395 = arith.constant 102400 : i32
    %add3A_396 = arith.addi %mul3A_4, %add3A_395 : i32
    %min3A_397 = arith.minsi %add3A_396, %sub3A_7 : i32
    %dma_start3A_398 = arith.constant 0 : i32
    %dma_start3A_399 = arith.constant 0 : i32
    %dma_start3A_400 = tpu.memref_slice %arg6[%dma_start3A_398, %dma_start3A_399] : memref<2x512xi32, #tpu.memory_space<vmem>> -> memref<1x512xi32, #tpu.memory_space<vmem>>
    %dma_start3A_401 = tpu.memref_squeeze %dma_start3A_400 : memref<1x512xi32, #tpu.memory_space<vmem>> -> memref<512xi32, #tpu.memory_space<vmem>>
    %dma_start3A_402 = tpu.memref_slice %arg2[%min3A_397] : memref<3276800xi32, #tpu.memory_space<hbm>> -> memref<512xi32, #tpu.memory_space<hbm>>
    %dma_start3A_403 = arith.constant 0 : i32
    %dma_start3A_404 = tpu.memref_slice %arg6[%dma_start3A_398, %dma_start3A_403] : memref<2x512xi32, #tpu.memory_space<vmem>> -> memref<1x512xi32, #tpu.memory_space<vmem>>
    %dma_start3A_405 = tpu.memref_squeeze %dma_start3A_404 : memref<1x512xi32, #tpu.memory_space<vmem>> -> memref<512xi32, #tpu.memory_space<vmem>>
    %dma_start3A_406 = tpu.memref_slice %arg2[%min3A_397] : memref<3276800xi32, #tpu.memory_space<hbm>> -> memref<512xi32, #tpu.memory_space<hbm>>
    tpu.enqueue_dma source(%dma_start3A_406 : memref<512xi32, #tpu.memory_space<hbm>>) target(%dma_start3A_405 : memref<512xi32, #tpu.memory_space<vmem>>) target_semaphore(%arg8 : memref<!tpu.dma_semaphore, #tpu.memory_space<semaphore_mem>>)
    %dma_wait3A_407 = arith.constant 0 : i32
    %dma_wait3A_408 = arith.constant 0 : i32
    %dma_wait3A_409 = tpu.memref_slice %arg7[%dma_wait3A_407, %dma_wait3A_408] : memref<512x128xf32, #tpu.memory_space<vmem>> -> memref<64x128xf32, #tpu.memory_space<vmem>>
    %dma_wait3A_410 = arith.constant 0 : i32
    %dma_wait3A_411 = arith.constant 0 : i32
    %dma_wait3A_412 = tpu.memref_slice %arg4[%dma_wait3A_410, %dma_wait3A_411] : memref<3276800x128xf32, #tpu.memory_space<hbm>> -> memref<64x128xf32, #tpu.memory_space<hbm>>
    %dma_wait3A_413 = arith.constant 0 : i32
    %dma_wait3A_414 = arith.constant 0 : i32
    %dma_wait3A_415 = tpu.memref_slice %arg7[%dma_wait3A_413, %dma_wait3A_414] : memref<512x128xf32, #tpu.memory_space<vmem>> -> memref<64x128xf32, #tpu.memory_space<vmem>>
    %dma_wait3A_416 = arith.constant 0 : i32
    %dma_wait3A_417 = arith.constant 0 : i32
    %dma_wait3A_418 = tpu.memref_slice %arg4[%dma_wait3A_416, %dma_wait3A_417] : memref<3276800x128xf32, #tpu.memory_space<hbm>> -> memref<64x128xf32, #tpu.memory_space<hbm>>
    tpu.wait_dma2 semaphore(%arg9 : memref<!tpu.dma_semaphore, #tpu.memory_space<semaphore_mem>>) src(%dma_wait3A_418 : memref<64x128xf32, #tpu.memory_space<hbm>>) dst(%dma_wait3A_415 : memref<64x128xf32, #tpu.memory_space<vmem>>)
    %add3A_419 = arith.constant 0 : i32
    %add3A_420 = arith.addi %add3A_250, %add3A_419 : i32
    %dma_start3A_421 = arith.constant 0 : i32
    %dma_start3A_422 = arith.constant 0 : i32
    %dma_start3A_423 = tpu.memref_slice %arg7[%dma_start3A_421, %dma_start3A_422] : memref<512x128xf32, #tpu.memory_space<vmem>> -> memref<64x128xf32, #tpu.memory_space<vmem>>
    %dma_start3A_424 = arith.constant 0 : i32
    %dma_start3A_425 = tpu.memref_slice %arg4[%add3A_420, %dma_start3A_424] : memref<3276800x128xf32, #tpu.memory_space<hbm>> -> memref<64x128xf32, #tpu.memory_space<hbm>>
    %dma_start3A_426 = arith.constant 0 : i32
    %dma_start3A_427 = tpu.memref_slice %arg4[%add3A_420, %dma_start3A_426] : memref<3276800x128xf32, #tpu.memory_space<hbm>> -> memref<64x128xf32, #tpu.memory_space<hbm>>
    %dma_start3A_428 = arith.constant 0 : i32
    %dma_start3A_429 = arith.constant 0 : i32
    %dma_start3A_430 = tpu.memref_slice %arg7[%dma_start3A_428, %dma_start3A_429] : memref<512x128xf32, #tpu.memory_space<vmem>> -> memref<64x128xf32, #tpu.memory_space<vmem>>
    tpu.enqueue_dma source(%dma_start3A_430 : memref<64x128xf32, #tpu.memory_space<vmem>>) target(%dma_start3A_427 : memref<64x128xf32, #tpu.memory_space<hbm>>) target_semaphore(%arg10 : memref<!tpu.dma_semaphore, #tpu.memory_space<semaphore_mem>>)
    %dma_wait3A_431 = arith.constant 0 : i32
    %dma_wait3A_432 = arith.constant 0 : i32
    %dma_wait3A_433 = tpu.memref_slice %arg7[%dma_wait3A_431, %dma_wait3A_432] : memref<512x128xf32, #tpu.memory_space<vmem>> -> memref<64x128xf32, #tpu.memory_space<vmem>>
    %dma_wait3A_434 = arith.constant 0 : i32
    %dma_wait3A_435 = arith.constant 0 : i32
    %dma_wait3A_436 = tpu.memref_slice %arg4[%dma_wait3A_434, %dma_wait3A_435] : memref<3276800x128xf32, #tpu.memory_space<hbm>> -> memref<64x128xf32, #tpu.memory_space<hbm>>
    %dma_wait3A_437 = arith.constant 0 : i32
    %dma_wait3A_438 = arith.constant 0 : i32
    %dma_wait3A_439 = tpu.memref_slice %arg4[%dma_wait3A_437, %dma_wait3A_438] : memref<3276800x128xf32, #tpu.memory_space<hbm>> -> memref<64x128xf32, #tpu.memory_space<hbm>>
    %dma_wait3A_440 = arith.constant 0 : i32
    %dma_wait3A_441 = arith.constant 0 : i32
    %dma_wait3A_442 = tpu.memref_slice %arg7[%dma_wait3A_440, %dma_wait3A_441] : memref<512x128xf32, #tpu.memory_space<vmem>> -> memref<64x128xf32, #tpu.memory_space<vmem>>
    tpu.wait_dma2 semaphore(%arg10 : memref<!tpu.dma_semaphore, #tpu.memory_space<semaphore_mem>>) src(%dma_wait3A_442 : memref<64x128xf32, #tpu.memory_space<vmem>>) dst(%dma_wait3A_439 : memref<64x128xf32, #tpu.memory_space<hbm>>)
    %dma_start3A_443 = arith.constant 1 : i32
    %dma_start3A_444 = arith.constant 192 : i32
    %dma_start3A_445 = arith.constant 0 : i32
    %dma_start3A_446 = tpu.memref_slice %arg7[%dma_start3A_444, %dma_start3A_445] : memref<512x128xf32, #tpu.memory_space<vmem>> -> memref<64x128xf32, #tpu.memory_space<vmem>>
    %dma_start3A_447 = arith.constant 0 : i32
    %dma_start3A_448 = tpu.memref_slice %arg6[%dma_start3A_443, %dma_start3A_447] : memref<2x512xi32, #tpu.memory_space<vmem>> -> memref<1x512xi32, #tpu.memory_space<vmem>>
    %dma_start3A_449 = tpu.memref_squeeze %dma_start3A_448 : memref<1x512xi32, #tpu.memory_space<vmem>> -> memref<512xi32, #tpu.memory_space<vmem>>
    %dma_start3A_450 = arith.constant 192 : i32
    %dma_start3A_451 = tpu.memref_slice %dma_start3A_449[%dma_start3A_450] : memref<512xi32, #tpu.memory_space<vmem>> -> memref<64xi32, #tpu.memory_space<vmem>>
    %dma_start3A_452 = arith.constant 0 : i32
    %dma_start3A_453 = arith.constant 0 : i32
    %dma_start3A_454 = tpu.memref_slice %arg5[%dma_start3A_452, %dma_start3A_453] : memref<1000x128xf32, #tpu.memory_space<vmem_shared>> -> memref<1000x128xf32, #tpu.memory_space<vmem_shared>>
    tpu.enqueue_indirect_dma source(%dma_start3A_454 : memref<1000x128xf32, #tpu.memory_space<vmem_shared>>) target(%dma_start3A_446 : memref<64x128xf32, #tpu.memory_space<vmem>>) offsets(%dma_start3A_451 : memref<64xi32, #tpu.memory_space<vmem>>) semaphore(%arg9 : memref<!tpu.dma_semaphore, #tpu.memory_space<semaphore_mem>>)
    %dma_wait3A_455 = arith.constant 64 : i32
    %dma_wait3A_456 = arith.constant 0 : i32
    %dma_wait3A_457 = tpu.memref_slice %arg7[%dma_wait3A_455, %dma_wait3A_456] : memref<512x128xf32, #tpu.memory_space<vmem>> -> memref<64x128xf32, #tpu.memory_space<vmem>>
    %dma_wait3A_458 = arith.constant 0 : i32
    %dma_wait3A_459 = arith.constant 0 : i32
    %dma_wait3A_460 = tpu.memref_slice %arg4[%dma_wait3A_458, %dma_wait3A_459] : memref<3276800x128xf32, #tpu.memory_space<hbm>> -> memref<64x128xf32, #tpu.memory_space<hbm>>
    %dma_wait3A_461 = arith.constant 64 : i32
    %dma_wait3A_462 = arith.constant 0 : i32
    %dma_wait3A_463 = tpu.memref_slice %arg7[%dma_wait3A_461, %dma_wait3A_462] : memref<512x128xf32, #tpu.memory_space<vmem>> -> memref<64x128xf32, #tpu.memory_space<vmem>>
    %dma_wait3A_464 = arith.constant 0 : i32
    %dma_wait3A_465 = arith.constant 0 : i32
    %dma_wait3A_466 = tpu.memref_slice %arg4[%dma_wait3A_464, %dma_wait3A_465] : memref<3276800x128xf32, #tpu.memory_space<hbm>> -> memref<64x128xf32, #tpu.memory_space<hbm>>
    tpu.wait_dma2 semaphore(%arg9 : memref<!tpu.dma_semaphore, #tpu.memory_space<semaphore_mem>>) src(%dma_wait3A_466 : memref<64x128xf32, #tpu.memory_space<hbm>>) dst(%dma_wait3A_463 : memref<64x128xf32, #tpu.memory_space<vmem>>)
    %add3A_467 = arith.constant 64 : i32
    %add3A_468 = arith.addi %add3A_250, %add3A_467 : i32
    %dma_start3A_469 = arith.constant 64 : i32
    %dma_start3A_470 = arith.constant 0 : i32
    %dma_start3A_471 = tpu.memref_slice %arg7[%dma_start3A_469, %dma_start3A_470] : memref<512x128xf32, #tpu.memory_space<vmem>> -> memref<64x128xf32, #tpu.memory_space<vmem>>
    %dma_start3A_472 = arith.constant 0 : i32
    %dma_start3A_473 = tpu.memref_slice %arg4[%add3A_468, %dma_start3A_472] : memref<3276800x128xf32, #tpu.memory_space<hbm>> -> memref<64x128xf32, #tpu.memory_space<hbm>>
    %dma_start3A_474 = arith.constant 0 : i32
    %dma_start3A_475 = tpu.memref_slice %arg4[%add3A_468, %dma_start3A_474] : memref<3276800x128xf32, #tpu.memory_space<hbm>> -> memref<64x128xf32, #tpu.memory_space<hbm>>
    %dma_start3A_476 = arith.constant 64 : i32
    %dma_start3A_477 = arith.constant 0 : i32
    %dma_start3A_478 = tpu.memref_slice %arg7[%dma_start3A_476, %dma_start3A_477] : memref<512x128xf32, #tpu.memory_space<vmem>> -> memref<64x128xf32, #tpu.memory_space<vmem>>
    tpu.enqueue_dma source(%dma_start3A_478 : memref<64x128xf32, #tpu.memory_space<vmem>>) target(%dma_start3A_475 : memref<64x128xf32, #tpu.memory_space<hbm>>) target_semaphore(%arg10 : memref<!tpu.dma_semaphore, #tpu.memory_space<semaphore_mem>>)
    %dma_wait3A_479 = arith.constant 0 : i32
    %dma_wait3A_480 = arith.constant 0 : i32
    %dma_wait3A_481 = tpu.memref_slice %arg7[%dma_wait3A_479, %dma_wait3A_480] : memref<512x128xf32, #tpu.memory_space<vmem>> -> memref<64x128xf32, #tpu.memory_space<vmem>>
    %dma_wait3A_482 = arith.constant 0 : i32
    %dma_wait3A_483 = arith.constant 0 : i32
    %dma_wait3A_484 = tpu.memref_slice %arg4[%dma_wait3A_482, %dma_wait3A_483] : memref<3276800x128xf32, #tpu.memory_space<hbm>> -> memref<64x128xf32, #tpu.memory_space<hbm>>
    %dma_wait3A_485 = arith.constant 0 : i32
    %dma_wait3A_486 = arith.constant 0 : i32
    %dma_wait3A_487 = tpu.memref_slice %arg4[%dma_wait3A_485, %dma_wait3A_486] : memref<3276800x128xf32, #tpu.memory_space<hbm>> -> memref<64x128xf32, #tpu.memory_space<hbm>>
    %dma_wait3A_488 = arith.constant 0 : i32
    %dma_wait3A_489 = arith.constant 0 : i32
    %dma_wait3A_490 = tpu.memref_slice %arg7[%dma_wait3A_488, %dma_wait3A_489] : memref<512x128xf32, #tpu.memory_space<vmem>> -> memref<64x128xf32, #tpu.memory_space<vmem>>
    tpu.wait_dma2 semaphore(%arg10 : memref<!tpu.dma_semaphore, #tpu.memory_space<semaphore_mem>>) src(%dma_wait3A_490 : memref<64x128xf32, #tpu.memory_space<vmem>>) dst(%dma_wait3A_487 : memref<64x128xf32, #tpu.memory_space<hbm>>)
    %dma_start3A_491 = arith.constant 1 : i32
    %dma_start3A_492 = arith.constant 256 : i32
    %dma_start3A_493 = arith.constant 0 : i32
    %dma_start3A_494 = tpu.memref_slice %arg7[%dma_start3A_492, %dma_start3A_493] : memref<512x128xf32, #tpu.memory_space<vmem>> -> memref<64x128xf32, #tpu.memory_space<vmem>>
    %dma_start3A_495 = arith.constant 0 : i32
    %dma_start3A_496 = tpu.memref_slice %arg6[%dma_start3A_491, %dma_start3A_495] : memref<2x512xi32, #tpu.memory_space<vmem>> -> memref<1x512xi32, #tpu.memory_space<vmem>>
    %dma_start3A_497 = tpu.memref_squeeze %dma_start3A_496 : memref<1x512xi32, #tpu.memory_space<vmem>> -> memref<512xi32, #tpu.memory_space<vmem>>
    %dma_start3A_498 = arith.constant 256 : i32
    %dma_start3A_499 = tpu.memref_slice %dma_start3A_497[%dma_start3A_498] : memref<512xi32, #tpu.memory_space<vmem>> -> memref<64xi32, #tpu.memory_space<vmem>>
    %dma_start3A_500 = arith.constant 0 : i32
    %dma_start3A_501 = arith.constant 0 : i32
    %dma_start3A_502 = tpu.memref_slice %arg5[%dma_start3A_500, %dma_start3A_501] : memref<1000x128xf32, #tpu.memory_space<vmem_shared>> -> memref<1000x128xf32, #tpu.memory_space<vmem_shared>>
    tpu.enqueue_indirect_dma source(%dma_start3A_502 : memref<1000x128xf32, #tpu.memory_space<vmem_shared>>) target(%dma_start3A_494 : memref<64x128xf32, #tpu.memory_space<vmem>>) offsets(%dma_start3A_499 : memref<64xi32, #tpu.memory_space<vmem>>) semaphore(%arg9 : memref<!tpu.dma_semaphore, #tpu.memory_space<semaphore_mem>>)
    %dma_wait3A_503 = arith.constant 128 : i32
    %dma_wait3A_504 = arith.constant 0 : i32
    %dma_wait3A_505 = tpu.memref_slice %arg7[%dma_wait3A_503, %dma_wait3A_504] : memref<512x128xf32, #tpu.memory_space<vmem>> -> memref<64x128xf32, #tpu.memory_space<vmem>>
    %dma_wait3A_506 = arith.constant 0 : i32
    %dma_wait3A_507 = arith.constant 0 : i32
    %dma_wait3A_508 = tpu.memref_slice %arg4[%dma_wait3A_506, %dma_wait3A_507] : memref<3276800x128xf32, #tpu.memory_space<hbm>> -> memref<64x128xf32, #tpu.memory_space<hbm>>
    %dma_wait3A_509 = arith.constant 128 : i32
    %dma_wait3A_510 = arith.constant 0 : i32
    %dma_wait3A_511 = tpu.memref_slice %arg7[%dma_wait3A_509, %dma_wait3A_510] : memref<512x128xf32, #tpu.memory_space<vmem>> -> memref<64x128xf32, #tpu.memory_space<vmem>>
    %dma_wait3A_512 = arith.constant 0 : i32
    %dma_wait3A_513 = arith.constant 0 : i32
    %dma_wait3A_514 = tpu.memref_slice %arg4[%dma_wait3A_512, %dma_wait3A_513] : memref<3276800x128xf32, #tpu.memory_space<hbm>> -> memref<64x128xf32, #tpu.memory_space<hbm>>
    tpu.wait_dma2 semaphore(%arg9 : memref<!tpu.dma_semaphore, #tpu.memory_space<semaphore_mem>>) src(%dma_wait3A_514 : memref<64x128xf32, #tpu.memory_space<hbm>>) dst(%dma_wait3A_511 : memref<64x128xf32, #tpu.memory_space<vmem>>)
    %add3A_515 = arith.constant 128 : i32
    %add3A_516 = arith.addi %add3A_250, %add3A_515 : i32
    %dma_start3A_517 = arith.constant 128 : i32
    %dma_start3A_518 = arith.constant 0 : i32
    %dma_start3A_519 = tpu.memref_slice %arg7[%dma_start3A_517, %dma_start3A_518] : memref<512x128xf32, #tpu.memory_space<vmem>> -> memref<64x128xf32, #tpu.memory_space<vmem>>
    %dma_start3A_520 = arith.constant 0 : i32
    %dma_start3A_521 = tpu.memref_slice %arg4[%add3A_516, %dma_start3A_520] : memref<3276800x128xf32, #tpu.memory_space<hbm>> -> memref<64x128xf32, #tpu.memory_space<hbm>>
    %dma_start3A_522 = arith.constant 0 : i32
    %dma_start3A_523 = tpu.memref_slice %arg4[%add3A_516, %dma_start3A_522] : memref<3276800x128xf32, #tpu.memory_space<hbm>> -> memref<64x128xf32, #tpu.memory_space<hbm>>
    %dma_start3A_524 = arith.constant 128 : i32
    %dma_start3A_525 = arith.constant 0 : i32
    %dma_start3A_526 = tpu.memref_slice %arg7[%dma_start3A_524, %dma_start3A_525] : memref<512x128xf32, #tpu.memory_space<vmem>> -> memref<64x128xf32, #tpu.memory_space<vmem>>
    tpu.enqueue_dma source(%dma_start3A_526 : memref<64x128xf32, #tpu.memory_space<vmem>>) target(%dma_start3A_523 : memref<64x128xf32, #tpu.memory_space<hbm>>) target_semaphore(%arg10 : memref<!tpu.dma_semaphore, #tpu.memory_space<semaphore_mem>>)
    %dma_wait3A_527 = arith.constant 0 : i32
    %dma_wait3A_528 = arith.constant 0 : i32
    %dma_wait3A_529 = tpu.memref_slice %arg7[%dma_wait3A_527, %dma_wait3A_528] : memref<512x128xf32, #tpu.memory_space<vmem>> -> memref<64x128xf32, #tpu.memory_space<vmem>>
    %dma_wait3A_530 = arith.constant 0 : i32
    %dma_wait3A_531 = arith.constant 0 : i32
    %dma_wait3A_532 = tpu.memref_slice %arg4[%dma_wait3A_530, %dma_wait3A_531] : memref<3276800x128xf32, #tpu.memory_space<hbm>> -> memref<64x128xf32, #tpu.memory_space<hbm>>
    %dma_wait3A_533 = arith.constant 0 : i32
    %dma_wait3A_534 = arith.constant 0 : i32
    %dma_wait3A_535 = tpu.memref_slice %arg4[%dma_wait3A_533, %dma_wait3A_534] : memref<3276800x128xf32, #tpu.memory_space<hbm>> -> memref<64x128xf32, #tpu.memory_space<hbm>>
    %dma_wait3A_536 = arith.constant 0 : i32
    %dma_wait3A_537 = arith.constant 0 : i32
    %dma_wait3A_538 = tpu.memref_slice %arg7[%dma_wait3A_536, %dma_wait3A_537] : memref<512x128xf32, #tpu.memory_space<vmem>> -> memref<64x128xf32, #tpu.memory_space<vmem>>
    tpu.wait_dma2 semaphore(%arg10 : memref<!tpu.dma_semaphore, #tpu.memory_space<semaphore_mem>>) src(%dma_wait3A_538 : memref<64x128xf32, #tpu.memory_space<vmem>>) dst(%dma_wait3A_535 : memref<64x128xf32, #tpu.memory_space<hbm>>)
    %dma_start3A_539 = arith.constant 1 : i32
    %dma_start3A_540 = arith.constant 320 : i32
    %dma_start3A_541 = arith.constant 0 : i32
    %dma_start3A_542 = tpu.memref_slice %arg7[%dma_start3A_540, %dma_start3A_541] : memref<512x128xf32, #tpu.memory_space<vmem>> -> memref<64x128xf32, #tpu.memory_space<vmem>>
    %dma_start3A_543 = arith.constant 0 : i32
    %dma_start3A_544 = tpu.memref_slice %arg6[%dma_start3A_539, %dma_start3A_543] : memref<2x512xi32, #tpu.memory_space<vmem>> -> memref<1x512xi32, #tpu.memory_space<vmem>>
    %dma_start3A_545 = tpu.memref_squeeze %dma_start3A_544 : memref<1x512xi32, #tpu.memory_space<vmem>> -> memref<512xi32, #tpu.memory_space<vmem>>
    %dma_start3A_546 = arith.constant 320 : i32
    %dma_start3A_547 = tpu.memref_slice %dma_start3A_545[%dma_start3A_546] : memref<512xi32, #tpu.memory_space<vmem>> -> memref<64xi32, #tpu.memory_space<vmem>>
    %dma_start3A_548 = arith.constant 0 : i32
    %dma_start3A_549 = arith.constant 0 : i32
    %dma_start3A_550 = tpu.memref_slice %arg5[%dma_start3A_548, %dma_start3A_549] : memref<1000x128xf32, #tpu.memory_space<vmem_shared>> -> memref<1000x128xf32, #tpu.memory_space<vmem_shared>>
    tpu.enqueue_indirect_dma source(%dma_start3A_550 : memref<1000x128xf32, #tpu.memory_space<vmem_shared>>) target(%dma_start3A_542 : memref<64x128xf32, #tpu.memory_space<vmem>>) offsets(%dma_start3A_547 : memref<64xi32, #tpu.memory_space<vmem>>) semaphore(%arg9 : memref<!tpu.dma_semaphore, #tpu.memory_space<semaphore_mem>>)
    %dma_wait3A_551 = arith.constant 192 : i32
    %dma_wait3A_552 = arith.constant 0 : i32
    %dma_wait3A_553 = tpu.memref_slice %arg7[%dma_wait3A_551, %dma_wait3A_552] : memref<512x128xf32, #tpu.memory_space<vmem>> -> memref<64x128xf32, #tpu.memory_space<vmem>>
    %dma_wait3A_554 = arith.constant 0 : i32
    %dma_wait3A_555 = arith.constant 0 : i32
    %dma_wait3A_556 = tpu.memref_slice %arg4[%dma_wait3A_554, %dma_wait3A_555] : memref<3276800x128xf32, #tpu.memory_space<hbm>> -> memref<64x128xf32, #tpu.memory_space<hbm>>
    %dma_wait3A_557 = arith.constant 192 : i32
    %dma_wait3A_558 = arith.constant 0 : i32
    %dma_wait3A_559 = tpu.memref_slice %arg7[%dma_wait3A_557, %dma_wait3A_558] : memref<512x128xf32, #tpu.memory_space<vmem>> -> memref<64x128xf32, #tpu.memory_space<vmem>>
    %dma_wait3A_560 = arith.constant 0 : i32
    %dma_wait3A_561 = arith.constant 0 : i32
    %dma_wait3A_562 = tpu.memref_slice %arg4[%dma_wait3A_560, %dma_wait3A_561] : memref<3276800x128xf32, #tpu.memory_space<hbm>> -> memref<64x128xf32, #tpu.memory_space<hbm>>
    tpu.wait_dma2 semaphore(%arg9 : memref<!tpu.dma_semaphore, #tpu.memory_space<semaphore_mem>>) src(%dma_wait3A_562 : memref<64x128xf32, #tpu.memory_space<hbm>>) dst(%dma_wait3A_559 : memref<64x128xf32, #tpu.memory_space<vmem>>)
    %add3A_563 = arith.constant 192 : i32
    %add3A_564 = arith.addi %add3A_250, %add3A_563 : i32
    %dma_start3A_565 = arith.constant 192 : i32
    %dma_start3A_566 = arith.constant 0 : i32
    %dma_start3A_567 = tpu.memref_slice %arg7[%dma_start3A_565, %dma_start3A_566] : memref<512x128xf32, #tpu.memory_space<vmem>> -> memref<64x128xf32, #tpu.memory_space<vmem>>
    %dma_start3A_568 = arith.constant 0 : i32
    %dma_start3A_569 = tpu.memref_slice %arg4[%add3A_564, %dma_start3A_568] : memref<3276800x128xf32, #tpu.memory_space<hbm>> -> memref<64x128xf32, #tpu.memory_space<hbm>>
    %dma_start3A_570 = arith.constant 0 : i32
    %dma_start3A_571 = tpu.memref_slice %arg4[%add3A_564, %dma_start3A_570] : memref<3276800x128xf32, #tpu.memory_space<hbm>> -> memref<64x128xf32, #tpu.memory_space<hbm>>
    %dma_start3A_572 = arith.constant 192 : i32
    %dma_start3A_573 = arith.constant 0 : i32
    %dma_start3A_574 = tpu.memref_slice %arg7[%dma_start3A_572, %dma_start3A_573] : memref<512x128xf32, #tpu.memory_space<vmem>> -> memref<64x128xf32, #tpu.memory_space<vmem>>
    tpu.enqueue_dma source(%dma_start3A_574 : memref<64x128xf32, #tpu.memory_space<vmem>>) target(%dma_start3A_571 : memref<64x128xf32, #tpu.memory_space<hbm>>) target_semaphore(%arg10 : memref<!tpu.dma_semaphore, #tpu.memory_space<semaphore_mem>>)
    %dma_wait3A_575 = arith.constant 0 : i32
    %dma_wait3A_576 = arith.constant 0 : i32
    %dma_wait3A_577 = tpu.memref_slice %arg7[%dma_wait3A_575, %dma_wait3A_576] : memref<512x128xf32, #tpu.memory_space<vmem>> -> memref<64x128xf32, #tpu.memory_space<vmem>>
    %dma_wait3A_578 = arith.constant 0 : i32
    %dma_wait3A_579 = arith.constant 0 : i32
    %dma_wait3A_580 = tpu.memref_slice %arg4[%dma_wait3A_578, %dma_wait3A_579] : memref<3276800x128xf32, #tpu.memory_space<hbm>> -> memref<64x128xf32, #tpu.memory_space<hbm>>
    %dma_wait3A_581 = arith.constant 0 : i32
    %dma_wait3A_582 = arith.constant 0 : i32
    %dma_wait3A_583 = tpu.memref_slice %arg4[%dma_wait3A_581, %dma_wait3A_582] : memref<3276800x128xf32, #tpu.memory_space<hbm>> -> memref<64x128xf32, #tpu.memory_space<hbm>>
    %dma_wait3A_584 = arith.constant 0 : i32
    %dma_wait3A_585 = arith.constant 0 : i32
    %dma_wait3A_586 = tpu.memref_slice %arg7[%dma_wait3A_584, %dma_wait3A_585] : memref<512x128xf32, #tpu.memory_space<vmem>> -> memref<64x128xf32, #tpu.memory_space<vmem>>
    tpu.wait_dma2 semaphore(%arg10 : memref<!tpu.dma_semaphore, #tpu.memory_space<semaphore_mem>>) src(%dma_wait3A_586 : memref<64x128xf32, #tpu.memory_space<vmem>>) dst(%dma_wait3A_583 : memref<64x128xf32, #tpu.memory_space<hbm>>)
    %dma_start3A_587 = arith.constant 1 : i32
    %dma_start3A_588 = arith.constant 384 : i32
    %dma_start3A_589 = arith.constant 0 : i32
    %dma_start3A_590 = tpu.memref_slice %arg7[%dma_start3A_588, %dma_start3A_589] : memref<512x128xf32, #tpu.memory_space<vmem>> -> memref<64x128xf32, #tpu.memory_space<vmem>>
    %dma_start3A_591 = arith.constant 0 : i32
    %dma_start3A_592 = tpu.memref_slice %arg6[%dma_start3A_587, %dma_start3A_591] : memref<2x512xi32, #tpu.memory_space<vmem>> -> memref<1x512xi32, #tpu.memory_space<vmem>>
    %dma_start3A_593 = tpu.memref_squeeze %dma_start3A_592 : memref<1x512xi32, #tpu.memory_space<vmem>> -> memref<512xi32, #tpu.memory_space<vmem>>
    %dma_start3A_594 = arith.constant 384 : i32
    %dma_start3A_595 = tpu.memref_slice %dma_start3A_593[%dma_start3A_594] : memref<512xi32, #tpu.memory_space<vmem>> -> memref<64xi32, #tpu.memory_space<vmem>>
    %dma_start3A_596 = arith.constant 0 : i32
    %dma_start3A_597 = arith.constant 0 : i32
    %dma_start3A_598 = tpu.memref_slice %arg5[%dma_start3A_596, %dma_start3A_597] : memref<1000x128xf32, #tpu.memory_space<vmem_shared>> -> memref<1000x128xf32, #tpu.memory_space<vmem_shared>>
    tpu.enqueue_indirect_dma source(%dma_start3A_598 : memref<1000x128xf32, #tpu.memory_space<vmem_shared>>) target(%dma_start3A_590 : memref<64x128xf32, #tpu.memory_space<vmem>>) offsets(%dma_start3A_595 : memref<64xi32, #tpu.memory_space<vmem>>) semaphore(%arg9 : memref<!tpu.dma_semaphore, #tpu.memory_space<semaphore_mem>>)
    %dma_wait3A_599 = arith.constant 256 : i32
    %dma_wait3A_600 = arith.constant 0 : i32
    %dma_wait3A_601 = tpu.memref_slice %arg7[%dma_wait3A_599, %dma_wait3A_600] : memref<512x128xf32, #tpu.memory_space<vmem>> -> memref<64x128xf32, #tpu.memory_space<vmem>>
    %dma_wait3A_602 = arith.constant 0 : i32
    %dma_wait3A_603 = arith.constant 0 : i32
    %dma_wait3A_604 = tpu.memref_slice %arg4[%dma_wait3A_602, %dma_wait3A_603] : memref<3276800x128xf32, #tpu.memory_space<hbm>> -> memref<64x128xf32, #tpu.memory_space<hbm>>
    %dma_wait3A_605 = arith.constant 256 : i32
    %dma_wait3A_606 = arith.constant 0 : i32
    %dma_wait3A_607 = tpu.memref_slice %arg7[%dma_wait3A_605, %dma_wait3A_606] : memref<512x128xf32, #tpu.memory_space<vmem>> -> memref<64x128xf32, #tpu.memory_space<vmem>>
    %dma_wait3A_608 = arith.constant 0 : i32
    %dma_wait3A_609 = arith.constant 0 : i32
    %dma_wait3A_610 = tpu.memref_slice %arg4[%dma_wait3A_608, %dma_wait3A_609] : memref<3276800x128xf32, #tpu.memory_space<hbm>> -> memref<64x128xf32, #tpu.memory_space<hbm>>
    tpu.wait_dma2 semaphore(%arg9 : memref<!tpu.dma_semaphore, #tpu.memory_space<semaphore_mem>>) src(%dma_wait3A_610 : memref<64x128xf32, #tpu.memory_space<hbm>>) dst(%dma_wait3A_607 : memref<64x128xf32, #tpu.memory_space<vmem>>)
    %add3A_611 = arith.constant 256 : i32
    %add3A_612 = arith.addi %add3A_250, %add3A_611 : i32
    %dma_start3A_613 = arith.constant 256 : i32
    %dma_start3A_614 = arith.constant 0 : i32
    %dma_start3A_615 = tpu.memref_slice %arg7[%dma_start3A_613, %dma_start3A_614] : memref<512x128xf32, #tpu.memory_space<vmem>> -> memref<64x128xf32, #tpu.memory_space<vmem>>
    %dma_start3A_616 = arith.constant 0 : i32
    %dma_start3A_617 = tpu.memref_slice %arg4[%add3A_612, %dma_start3A_616] : memref<3276800x128xf32, #tpu.memory_space<hbm>> -> memref<64x128xf32, #tpu.memory_space<hbm>>
    %dma_start3A_618 = arith.constant 0 : i32
    %dma_start3A_619 = tpu.memref_slice %arg4[%add3A_612, %dma_start3A_618] : memref<3276800x128xf32, #tpu.memory_space<hbm>> -> memref<64x128xf32, #tpu.memory_space<hbm>>
    %dma_start3A_620 = arith.constant 256 : i32
    %dma_start3A_621 = arith.constant 0 : i32
    %dma_start3A_622 = tpu.memref_slice %arg7[%dma_start3A_620, %dma_start3A_621] : memref<512x128xf32, #tpu.memory_space<vmem>> -> memref<64x128xf32, #tpu.memory_space<vmem>>
    tpu.enqueue_dma source(%dma_start3A_622 : memref<64x128xf32, #tpu.memory_space<vmem>>) target(%dma_start3A_619 : memref<64x128xf32, #tpu.memory_space<hbm>>) target_semaphore(%arg10 : memref<!tpu.dma_semaphore, #tpu.memory_space<semaphore_mem>>)
    %dma_wait3A_623 = arith.constant 0 : i32
    %dma_wait3A_624 = arith.constant 0 : i32
    %dma_wait3A_625 = tpu.memref_slice %arg7[%dma_wait3A_623, %dma_wait3A_624] : memref<512x128xf32, #tpu.memory_space<vmem>> -> memref<64x128xf32, #tpu.memory_space<vmem>>
    %dma_wait3A_626 = arith.constant 0 : i32
    %dma_wait3A_627 = arith.constant 0 : i32
    %dma_wait3A_628 = tpu.memref_slice %arg4[%dma_wait3A_626, %dma_wait3A_627] : memref<3276800x128xf32, #tpu.memory_space<hbm>> -> memref<64x128xf32, #tpu.memory_space<hbm>>
    %dma_wait3A_629 = arith.constant 0 : i32
    %dma_wait3A_630 = arith.constant 0 : i32
    %dma_wait3A_631 = tpu.memref_slice %arg4[%dma_wait3A_629, %dma_wait3A_630] : memref<3276800x128xf32, #tpu.memory_space<hbm>> -> memref<64x128xf32, #tpu.memory_space<hbm>>
    %dma_wait3A_632 = arith.constant 0 : i32
    %dma_wait3A_633 = arith.constant 0 : i32
    %dma_wait3A_634 = tpu.memref_slice %arg7[%dma_wait3A_632, %dma_wait3A_633] : memref<512x128xf32, #tpu.memory_space<vmem>> -> memref<64x128xf32, #tpu.memory_space<vmem>>
    tpu.wait_dma2 semaphore(%arg10 : memref<!tpu.dma_semaphore, #tpu.memory_space<semaphore_mem>>) src(%dma_wait3A_634 : memref<64x128xf32, #tpu.memory_space<vmem>>) dst(%dma_wait3A_631 : memref<64x128xf32, #tpu.memory_space<hbm>>)
    %dma_start3A_635 = arith.constant 1 : i32
    %dma_start3A_636 = arith.constant 448 : i32
    %dma_start3A_637 = arith.constant 0 : i32
    %dma_start3A_638 = tpu.memref_slice %arg7[%dma_start3A_636, %dma_start3A_637] : memref<512x128xf32, #tpu.memory_space<vmem>> -> memref<64x128xf32, #tpu.memory_space<vmem>>
    %dma_start3A_639 = arith.constant 0 : i32
    %dma_start3A_640 = tpu.memref_slice %arg6[%dma_start3A_635, %dma_start3A_639] : memref<2x512xi32, #tpu.memory_space<vmem>> -> memref<1x512xi32, #tpu.memory_space<vmem>>
    %dma_start3A_641 = tpu.memref_squeeze %dma_start3A_640 : memref<1x512xi32, #tpu.memory_space<vmem>> -> memref<512xi32, #tpu.memory_space<vmem>>
    %dma_start3A_642 = arith.constant 448 : i32
    %dma_start3A_643 = tpu.memref_slice %dma_start3A_641[%dma_start3A_642] : memref<512xi32, #tpu.memory_space<vmem>> -> memref<64xi32, #tpu.memory_space<vmem>>
    %dma_start3A_644 = arith.constant 0 : i32
    %dma_start3A_645 = arith.constant 0 : i32
    %dma_start3A_646 = tpu.memref_slice %arg5[%dma_start3A_644, %dma_start3A_645] : memref<1000x128xf32, #tpu.memory_space<vmem_shared>> -> memref<1000x128xf32, #tpu.memory_space<vmem_shared>>
    tpu.enqueue_indirect_dma source(%dma_start3A_646 : memref<1000x128xf32, #tpu.memory_space<vmem_shared>>) target(%dma_start3A_638 : memref<64x128xf32, #tpu.memory_space<vmem>>) offsets(%dma_start3A_643 : memref<64xi32, #tpu.memory_space<vmem>>) semaphore(%arg9 : memref<!tpu.dma_semaphore, #tpu.memory_space<semaphore_mem>>)
    %dma_wait3A_647 = arith.constant 0 : i32
    %dma_wait3A_648 = arith.constant 0 : i32
    %dma_wait3A_649 = tpu.memref_slice %arg6[%dma_wait3A_647, %dma_wait3A_648] : memref<2x512xi32, #tpu.memory_space<vmem>> -> memref<1x512xi32, #tpu.memory_space<vmem>>
    %dma_wait3A_650 = tpu.memref_squeeze %dma_wait3A_649 : memref<1x512xi32, #tpu.memory_space<vmem>> -> memref<512xi32, #tpu.memory_space<vmem>>
    %dma_wait3A_651 = tpu.memref_slice %arg2[%mul3A_4] : memref<3276800xi32, #tpu.memory_space<hbm>> -> memref<512xi32, #tpu.memory_space<hbm>>
    %dma_wait3A_652 = arith.constant 0 : i32
    %dma_wait3A_653 = tpu.memref_slice %arg6[%dma_wait3A_647, %dma_wait3A_652] : memref<2x512xi32, #tpu.memory_space<vmem>> -> memref<1x512xi32, #tpu.memory_space<vmem>>
    %dma_wait3A_654 = tpu.memref_squeeze %dma_wait3A_653 : memref<1x512xi32, #tpu.memory_space<vmem>> -> memref<512xi32, #tpu.memory_space<vmem>>
    %dma_wait3A_655 = tpu.memref_slice %arg2[%mul3A_4] : memref<3276800xi32, #tpu.memory_space<hbm>> -> memref<512xi32, #tpu.memory_space<hbm>>
    tpu.wait_dma2 semaphore(%arg8 : memref<!tpu.dma_semaphore, #tpu.memory_space<semaphore_mem>>) src(%dma_wait3A_655 : memref<512xi32, #tpu.memory_space<hbm>>) dst(%dma_wait3A_654 : memref<512xi32, #tpu.memory_space<vmem>>)
    %add3A_656 = arith.constant 102400 : i32
    %add3A_657 = arith.addi %mul3A_4, %add3A_656 : i32
    %sub3A_658 = arith.constant 512 : i32
    %sub3A_659 = arith.subi %add3A_657, %sub3A_658 : i32
    %dma_wait3A_660 = arith.constant 320 : i32
    %dma_wait3A_661 = arith.constant 0 : i32
    %dma_wait3A_662 = tpu.memref_slice %arg7[%dma_wait3A_660, %dma_wait3A_661] : memref<512x128xf32, #tpu.memory_space<vmem>> -> memref<64x128xf32, #tpu.memory_space<vmem>>
    %dma_wait3A_663 = arith.constant 0 : i32
    %dma_wait3A_664 = arith.constant 0 : i32
    %dma_wait3A_665 = tpu.memref_slice %arg4[%dma_wait3A_663, %dma_wait3A_664] : memref<3276800x128xf32, #tpu.memory_space<hbm>> -> memref<64x128xf32, #tpu.memory_space<hbm>>
    %dma_wait3A_666 = arith.constant 320 : i32
    %dma_wait3A_667 = arith.constant 0 : i32
    %dma_wait3A_668 = tpu.memref_slice %arg7[%dma_wait3A_666, %dma_wait3A_667] : memref<512x128xf32, #tpu.memory_space<vmem>> -> memref<64x128xf32, #tpu.memory_space<vmem>>
    %dma_wait3A_669 = arith.constant 0 : i32
    %dma_wait3A_670 = arith.constant 0 : i32
    %dma_wait3A_671 = tpu.memref_slice %arg4[%dma_wait3A_669, %dma_wait3A_670] : memref<3276800x128xf32, #tpu.memory_space<hbm>> -> memref<64x128xf32, #tpu.memory_space<hbm>>
    tpu.wait_dma2 semaphore(%arg9 : memref<!tpu.dma_semaphore, #tpu.memory_space<semaphore_mem>>) src(%dma_wait3A_671 : memref<64x128xf32, #tpu.memory_space<hbm>>) dst(%dma_wait3A_668 : memref<64x128xf32, #tpu.memory_space<vmem>>)
    %add3A_672 = arith.constant 320 : i32
    %add3A_673 = arith.addi %sub3A_659, %add3A_672 : i32
    %dma_start3A_674 = arith.constant 320 : i32
    %dma_start3A_675 = arith.constant 0 : i32
    %dma_start3A_676 = tpu.memref_slice %arg7[%dma_start3A_674, %dma_start3A_675] : memref<512x128xf32, #tpu.memory_space<vmem>> -> memref<64x128xf32, #tpu.memory_space<vmem>>
    %dma_start3A_677 = arith.constant 0 : i32
    %dma_start3A_678 = tpu.memref_slice %arg4[%add3A_673, %dma_start3A_677] : memref<3276800x128xf32, #tpu.memory_space<hbm>> -> memref<64x128xf32, #tpu.memory_space<hbm>>
    %dma_start3A_679 = arith.constant 0 : i32
    %dma_start3A_680 = tpu.memref_slice %arg4[%add3A_673, %dma_start3A_679] : memref<3276800x128xf32, #tpu.memory_space<hbm>> -> memref<64x128xf32, #tpu.memory_space<hbm>>
    %dma_start3A_681 = arith.constant 320 : i32
    %dma_start3A_682 = arith.constant 0 : i32
    %dma_start3A_683 = tpu.memref_slice %arg7[%dma_start3A_681, %dma_start3A_682] : memref<512x128xf32, #tpu.memory_space<vmem>> -> memref<64x128xf32, #tpu.memory_space<vmem>>
    tpu.enqueue_dma source(%dma_start3A_683 : memref<64x128xf32, #tpu.memory_space<vmem>>) target(%dma_start3A_680 : memref<64x128xf32, #tpu.memory_space<hbm>>) target_semaphore(%arg10 : memref<!tpu.dma_semaphore, #tpu.memory_space<semaphore_mem>>)
    %dma_wait3A_684 = arith.constant 384 : i32
    %dma_wait3A_685 = arith.constant 0 : i32
    %dma_wait3A_686 = tpu.memref_slice %arg7[%dma_wait3A_684, %dma_wait3A_685] : memref<512x128xf32, #tpu.memory_space<vmem>> -> memref<64x128xf32, #tpu.memory_space<vmem>>
    %dma_wait3A_687 = arith.constant 0 : i32
    %dma_wait3A_688 = arith.constant 0 : i32
    %dma_wait3A_689 = tpu.memref_slice %arg4[%dma_wait3A_687, %dma_wait3A_688] : memref<3276800x128xf32, #tpu.memory_space<hbm>> -> memref<64x128xf32, #tpu.memory_space<hbm>>
    %dma_wait3A_690 = arith.constant 384 : i32
    %dma_wait3A_691 = arith.constant 0 : i32
    %dma_wait3A_692 = tpu.memref_slice %arg7[%dma_wait3A_690, %dma_wait3A_691] : memref<512x128xf32, #tpu.memory_space<vmem>> -> memref<64x128xf32, #tpu.memory_space<vmem>>
    %dma_wait3A_693 = arith.constant 0 : i32
    %dma_wait3A_694 = arith.constant 0 : i32
    %dma_wait3A_695 = tpu.memref_slice %arg4[%dma_wait3A_693, %dma_wait3A_694] : memref<3276800x128xf32, #tpu.memory_space<hbm>> -> memref<64x128xf32, #tpu.memory_space<hbm>>
    tpu.wait_dma2 semaphore(%arg9 : memref<!tpu.dma_semaphore, #tpu.memory_space<semaphore_mem>>) src(%dma_wait3A_695 : memref<64x128xf32, #tpu.memory_space<hbm>>) dst(%dma_wait3A_692 : memref<64x128xf32, #tpu.memory_space<vmem>>)
    %add3A_696 = arith.constant 384 : i32
    %add3A_697 = arith.addi %sub3A_659, %add3A_696 : i32
    %dma_start3A_698 = arith.constant 384 : i32
    %dma_start3A_699 = arith.constant 0 : i32
    %dma_start3A_700 = tpu.memref_slice %arg7[%dma_start3A_698, %dma_start3A_699] : memref<512x128xf32, #tpu.memory_space<vmem>> -> memref<64x128xf32, #tpu.memory_space<vmem>>
    %dma_start3A_701 = arith.constant 0 : i32
    %dma_start3A_702 = tpu.memref_slice %arg4[%add3A_697, %dma_start3A_701] : memref<3276800x128xf32, #tpu.memory_space<hbm>> -> memref<64x128xf32, #tpu.memory_space<hbm>>
    %dma_start3A_703 = arith.constant 0 : i32
    %dma_start3A_704 = tpu.memref_slice %arg4[%add3A_697, %dma_start3A_703] : memref<3276800x128xf32, #tpu.memory_space<hbm>> -> memref<64x128xf32, #tpu.memory_space<hbm>>
    %dma_start3A_705 = arith.constant 384 : i32
    %dma_start3A_706 = arith.constant 0 : i32
    %dma_start3A_707 = tpu.memref_slice %arg7[%dma_start3A_705, %dma_start3A_706] : memref<512x128xf32, #tpu.memory_space<vmem>> -> memref<64x128xf32, #tpu.memory_space<vmem>>
    tpu.enqueue_dma source(%dma_start3A_707 : memref<64x128xf32, #tpu.memory_space<vmem>>) target(%dma_start3A_704 : memref<64x128xf32, #tpu.memory_space<hbm>>) target_semaphore(%arg10 : memref<!tpu.dma_semaphore, #tpu.memory_space<semaphore_mem>>)
    %dma_wait3A_708 = arith.constant 448 : i32
    %dma_wait3A_709 = arith.constant 0 : i32
    %dma_wait3A_710 = tpu.memref_slice %arg7[%dma_wait3A_708, %dma_wait3A_709] : memref<512x128xf32, #tpu.memory_space<vmem>> -> memref<64x128xf32, #tpu.memory_space<vmem>>
    %dma_wait3A_711 = arith.constant 0 : i32
    %dma_wait3A_712 = arith.constant 0 : i32
    %dma_wait3A_713 = tpu.memref_slice %arg4[%dma_wait3A_711, %dma_wait3A_712] : memref<3276800x128xf32, #tpu.memory_space<hbm>> -> memref<64x128xf32, #tpu.memory_space<hbm>>
    %dma_wait3A_714 = arith.constant 448 : i32
    %dma_wait3A_715 = arith.constant 0 : i32
    %dma_wait3A_716 = tpu.memref_slice %arg7[%dma_wait3A_714, %dma_wait3A_715] : memref<512x128xf32, #tpu.memory_space<vmem>> -> memref<64x128xf32, #tpu.memory_space<vmem>>
    %dma_wait3A_717 = arith.constant 0 : i32
    %dma_wait3A_718 = arith.constant 0 : i32
    %dma_wait3A_719 = tpu.memref_slice %arg4[%dma_wait3A_717, %dma_wait3A_718] : memref<3276800x128xf32, #tpu.memory_space<hbm>> -> memref<64x128xf32, #tpu.memory_space<hbm>>
    tpu.wait_dma2 semaphore(%arg9 : memref<!tpu.dma_semaphore, #tpu.memory_space<semaphore_mem>>) src(%dma_wait3A_719 : memref<64x128xf32, #tpu.memory_space<hbm>>) dst(%dma_wait3A_716 : memref<64x128xf32, #tpu.memory_space<vmem>>)
    %add3A_720 = arith.constant 448 : i32
    %add3A_721 = arith.addi %sub3A_659, %add3A_720 : i32
    %dma_start3A_722 = arith.constant 448 : i32
    %dma_start3A_723 = arith.constant 0 : i32
    %dma_start3A_724 = tpu.memref_slice %arg7[%dma_start3A_722, %dma_start3A_723] : memref<512x128xf32, #tpu.memory_space<vmem>> -> memref<64x128xf32, #tpu.memory_space<vmem>>
    %dma_start3A_725 = arith.constant 0 : i32
    %dma_start3A_726 = tpu.memref_slice %arg4[%add3A_721, %dma_start3A_725] : memref<3276800x128xf32, #tpu.memory_space<hbm>> -> memref<64x128xf32, #tpu.memory_space<hbm>>
    %dma_start3A_727 = arith.constant 0 : i32
    %dma_start3A_728 = tpu.memref_slice %arg4[%add3A_721, %dma_start3A_727] : memref<3276800x128xf32, #tpu.memory_space<hbm>> -> memref<64x128xf32, #tpu.memory_space<hbm>>
    %dma_start3A_729 = arith.constant 448 : i32
    %dma_start3A_730 = arith.constant 0 : i32
    %dma_start3A_731 = tpu.memref_slice %arg7[%dma_start3A_729, %dma_start3A_730] : memref<512x128xf32, #tpu.memory_space<vmem>> -> memref<64x128xf32, #tpu.memory_space<vmem>>
    tpu.enqueue_dma source(%dma_start3A_731 : memref<64x128xf32, #tpu.memory_space<vmem>>) target(%dma_start3A_728 : memref<64x128xf32, #tpu.memory_space<hbm>>) target_semaphore(%arg10 : memref<!tpu.dma_semaphore, #tpu.memory_space<semaphore_mem>>)
    %dma_wait3A_732 = arith.constant 0 : i32
    %dma_wait3A_733 = arith.constant 0 : i32
    %dma_wait3A_734 = tpu.memref_slice %arg7[%dma_wait3A_732, %dma_wait3A_733] : memref<512x128xf32, #tpu.memory_space<vmem>> -> memref<64x128xf32, #tpu.memory_space<vmem>>
    %dma_wait3A_735 = arith.constant 0 : i32
    %dma_wait3A_736 = arith.constant 0 : i32
    %dma_wait3A_737 = tpu.memref_slice %arg4[%dma_wait3A_735, %dma_wait3A_736] : memref<3276800x128xf32, #tpu.memory_space<hbm>> -> memref<64x128xf32, #tpu.memory_space<hbm>>
    %dma_wait3A_738 = arith.constant 0 : i32
    %dma_wait3A_739 = arith.constant 0 : i32
    %dma_wait3A_740 = tpu.memref_slice %arg4[%dma_wait3A_738, %dma_wait3A_739] : memref<3276800x128xf32, #tpu.memory_space<hbm>> -> memref<64x128xf32, #tpu.memory_space<hbm>>
    %dma_wait3A_741 = arith.constant 0 : i32
    %dma_wait3A_742 = arith.constant 0 : i32
    %dma_wait3A_743 = tpu.memref_slice %arg7[%dma_wait3A_741, %dma_wait3A_742] : memref<512x128xf32, #tpu.memory_space<vmem>> -> memref<64x128xf32, #tpu.memory_space<vmem>>
    tpu.wait_dma2 semaphore(%arg10 : memref<!tpu.dma_semaphore, #tpu.memory_space<semaphore_mem>>) src(%dma_wait3A_743 : memref<64x128xf32, #tpu.memory_space<vmem>>) dst(%dma_wait3A_740 : memref<64x128xf32, #tpu.memory_space<hbm>>)
    %dma_wait3A_744 = arith.constant 0 : i32
    %dma_wait3A_745 = arith.constant 0 : i32
    %dma_wait3A_746 = tpu.memref_slice %arg7[%dma_wait3A_744, %dma_wait3A_745] : memref<512x128xf32, #tpu.memory_space<vmem>> -> memref<64x128xf32, #tpu.memory_space<vmem>>
    %dma_wait3A_747 = arith.constant 0 : i32
    %dma_wait3A_748 = arith.constant 0 : i32
    %dma_wait3A_749 = tpu.memref_slice %arg4[%dma_wait3A_747, %dma_wait3A_748] : memref<3276800x128xf32, #tpu.memory_space<hbm>> -> memref<64x128xf32, #tpu.memory_space<hbm>>
    %dma_wait3A_750 = arith.constant 0 : i32
    %dma_wait3A_751 = arith.constant 0 : i32
    %dma_wait3A_752 = tpu.memref_slice %arg4[%dma_wait3A_750, %dma_wait3A_751] : memref<3276800x128xf32, #tpu.memory_space<hbm>> -> memref<64x128xf32, #tpu.memory_space<hbm>>
    %dma_wait3A_753 = arith.constant 0 : i32
    %dma_wait3A_754 = arith.constant 0 : i32
    %dma_wait3A_755 = tpu.memref_slice %arg7[%dma_wait3A_753, %dma_wait3A_754] : memref<512x128xf32, #tpu.memory_space<vmem>> -> memref<64x128xf32, #tpu.memory_space<vmem>>
    tpu.wait_dma2 semaphore(%arg10 : memref<!tpu.dma_semaphore, #tpu.memory_space<semaphore_mem>>) src(%dma_wait3A_755 : memref<64x128xf32, #tpu.memory_space<vmem>>) dst(%dma_wait3A_752 : memref<64x128xf32, #tpu.memory_space<hbm>>)
    %dma_wait3A_756 = arith.constant 0 : i32
    %dma_wait3A_757 = arith.constant 0 : i32
    %dma_wait3A_758 = tpu.memref_slice %arg7[%dma_wait3A_756, %dma_wait3A_757] : memref<512x128xf32, #tpu.memory_space<vmem>> -> memref<64x128xf32, #tpu.memory_space<vmem>>
    %dma_wait3A_759 = arith.constant 0 : i32
    %dma_wait3A_760 = arith.constant 0 : i32
    %dma_wait3A_761 = tpu.memref_slice %arg4[%dma_wait3A_759, %dma_wait3A_760] : memref<3276800x128xf32, #tpu.memory_space<hbm>> -> memref<64x128xf32, #tpu.memory_space<hbm>>
    %dma_wait3A_762 = arith.constant 0 : i32
    %dma_wait3A_763 = arith.constant 0 : i32
    %dma_wait3A_764 = tpu.memref_slice %arg4[%dma_wait3A_762, %dma_wait3A_763] : memref<3276800x128xf32, #tpu.memory_space<hbm>> -> memref<64x128xf32, #tpu.memory_space<hbm>>
    %dma_wait3A_765 = arith.constant 0 : i32
    %dma_wait3A_766 = arith.constant 0 : i32
    %dma_wait3A_767 = tpu.memref_slice %arg7[%dma_wait3A_765, %dma_wait3A_766] : memref<512x128xf32, #tpu.memory_space<vmem>> -> memref<64x128xf32, #tpu.memory_space<vmem>>
    tpu.wait_dma2 semaphore(%arg10 : memref<!tpu.dma_semaphore, #tpu.memory_space<semaphore_mem>>) src(%dma_wait3A_767 : memref<64x128xf32, #tpu.memory_space<vmem>>) dst(%dma_wait3A_764 : memref<64x128xf32, #tpu.memory_space<hbm>>)
    %dma_wait3A_768 = arith.constant 0 : i32
    %dma_wait3A_769 = arith.constant 0 : i32
    %dma_wait3A_770 = tpu.memref_slice %arg7[%dma_wait3A_768, %dma_wait3A_769] : memref<512x128xf32, #tpu.memory_space<vmem>> -> memref<64x128xf32, #tpu.memory_space<vmem>>
    %dma_wait3A_771 = arith.constant 0 : i32
    %dma_wait3A_772 = arith.constant 0 : i32
    %dma_wait3A_773 = tpu.memref_slice %arg4[%dma_wait3A_771, %dma_wait3A_772] : memref<3276800x128xf32, #tpu.memory_space<hbm>> -> memref<64x128xf32, #tpu.memory_space<hbm>>
    %dma_wait3A_774 = arith.constant 0 : i32
    %dma_wait3A_775 = arith.constant 0 : i32
    %dma_wait3A_776 = tpu.memref_slice %arg4[%dma_wait3A_774, %dma_wait3A_775] : memref<3276800x128xf32, #tpu.memory_space<hbm>> -> memref<64x128xf32, #tpu.memory_space<hbm>>
    %dma_wait3A_777 = arith.constant 0 : i32
    %dma_wait3A_778 = arith.constant 0 : i32
    %dma_wait3A_779 = tpu.memref_slice %arg7[%dma_wait3A_777, %dma_wait3A_778] : memref<512x128xf32, #tpu.memory_space<vmem>> -> memref<64x128xf32, #tpu.memory_space<vmem>>
    tpu.wait_dma2 semaphore(%arg10 : memref<!tpu.dma_semaphore, #tpu.memory_space<semaphore_mem>>) src(%dma_wait3A_779 : memref<64x128xf32, #tpu.memory_space<vmem>>) dst(%dma_wait3A_776 : memref<64x128xf32, #tpu.memory_space<hbm>>)
    %dma_wait3A_780 = arith.constant 0 : i32
    %dma_wait3A_781 = arith.constant 0 : i32
    %dma_wait3A_782 = tpu.memref_slice %arg7[%dma_wait3A_780, %dma_wait3A_781] : memref<512x128xf32, #tpu.memory_space<vmem>> -> memref<64x128xf32, #tpu.memory_space<vmem>>
    %dma_wait3A_783 = arith.constant 0 : i32
    %dma_wait3A_784 = arith.constant 0 : i32
    %dma_wait3A_785 = tpu.memref_slice %arg4[%dma_wait3A_783, %dma_wait3A_784] : memref<3276800x128xf32, #tpu.memory_space<hbm>> -> memref<64x128xf32, #tpu.memory_space<hbm>>
    %dma_wait3A_786 = arith.constant 0 : i32
    %dma_wait3A_787 = arith.constant 0 : i32
    %dma_wait3A_788 = tpu.memref_slice %arg4[%dma_wait3A_786, %dma_wait3A_787] : memref<3276800x128xf32, #tpu.memory_space<hbm>> -> memref<64x128xf32, #tpu.memory_space<hbm>>
    %dma_wait3A_789 = arith.constant 0 : i32
    %dma_wait3A_790 = arith.constant 0 : i32
    %dma_wait3A_791 = tpu.memref_slice %arg7[%dma_wait3A_789, %dma_wait3A_790] : memref<512x128xf32, #tpu.memory_space<vmem>> -> memref<64x128xf32, #tpu.memory_space<vmem>>
    tpu.wait_dma2 semaphore(%arg10 : memref<!tpu.dma_semaphore, #tpu.memory_space<semaphore_mem>>) src(%dma_wait3A_791 : memref<64x128xf32, #tpu.memory_space<vmem>>) dst(%dma_wait3A_788 : memref<64x128xf32, #tpu.memory_space<hbm>>)
    %dma_wait3A_792 = arith.constant 0 : i32
    %dma_wait3A_793 = arith.constant 0 : i32
    %dma_wait3A_794 = tpu.memref_slice %arg7[%dma_wait3A_792, %dma_wait3A_793] : memref<512x128xf32, #tpu.memory_space<vmem>> -> memref<64x128xf32, #tpu.memory_space<vmem>>
    %dma_wait3A_795 = arith.constant 0 : i32
    %dma_wait3A_796 = arith.constant 0 : i32
    %dma_wait3A_797 = tpu.memref_slice %arg4[%dma_wait3A_795, %dma_wait3A_796] : memref<3276800x128xf32, #tpu.memory_space<hbm>> -> memref<64x128xf32, #tpu.memory_space<hbm>>
    %dma_wait3A_798 = arith.constant 0 : i32
    %dma_wait3A_799 = arith.constant 0 : i32
    %dma_wait3A_800 = tpu.memref_slice %arg4[%dma_wait3A_798, %dma_wait3A_799] : memref<3276800x128xf32, #tpu.memory_space<hbm>> -> memref<64x128xf32, #tpu.memory_space<hbm>>
    %dma_wait3A_801 = arith.constant 0 : i32
    %dma_wait3A_802 = arith.constant 0 : i32
    %dma_wait3A_803 = tpu.memref_slice %arg7[%dma_wait3A_801, %dma_wait3A_802] : memref<512x128xf32, #tpu.memory_space<vmem>> -> memref<64x128xf32, #tpu.memory_space<vmem>>
    tpu.wait_dma2 semaphore(%arg10 : memref<!tpu.dma_semaphore, #tpu.memory_space<semaphore_mem>>) src(%dma_wait3A_803 : memref<64x128xf32, #tpu.memory_space<vmem>>) dst(%dma_wait3A_800 : memref<64x128xf32, #tpu.memory_space<hbm>>)
    %dma_wait3A_804 = arith.constant 0 : i32
    %dma_wait3A_805 = arith.constant 0 : i32
    %dma_wait3A_806 = tpu.memref_slice %arg7[%dma_wait3A_804, %dma_wait3A_805] : memref<512x128xf32, #tpu.memory_space<vmem>> -> memref<64x128xf32, #tpu.memory_space<vmem>>
    %dma_wait3A_807 = arith.constant 0 : i32
    %dma_wait3A_808 = arith.constant 0 : i32
    %dma_wait3A_809 = tpu.memref_slice %arg4[%dma_wait3A_807, %dma_wait3A_808] : memref<3276800x128xf32, #tpu.memory_space<hbm>> -> memref<64x128xf32, #tpu.memory_space<hbm>>
    %dma_wait3A_810 = arith.constant 0 : i32
    %dma_wait3A_811 = arith.constant 0 : i32
    %dma_wait3A_812 = tpu.memref_slice %arg4[%dma_wait3A_810, %dma_wait3A_811] : memref<3276800x128xf32, #tpu.memory_space<hbm>> -> memref<64x128xf32, #tpu.memory_space<hbm>>
    %dma_wait3A_813 = arith.constant 0 : i32
    %dma_wait3A_814 = arith.constant 0 : i32
    %dma_wait3A_815 = tpu.memref_slice %arg7[%dma_wait3A_813, %dma_wait3A_814] : memref<512x128xf32, #tpu.memory_space<vmem>> -> memref<64x128xf32, #tpu.memory_space<vmem>>
    tpu.wait_dma2 semaphore(%arg10 : memref<!tpu.dma_semaphore, #tpu.memory_space<semaphore_mem>>) src(%dma_wait3A_815 : memref<64x128xf32, #tpu.memory_space<vmem>>) dst(%dma_wait3A_812 : memref<64x128xf32, #tpu.memory_space<hbm>>)
    %dma_wait3A_816 = arith.constant 0 : i32
    %dma_wait3A_817 = arith.constant 0 : i32
    %dma_wait3A_818 = tpu.memref_slice %arg7[%dma_wait3A_816, %dma_wait3A_817] : memref<512x128xf32, #tpu.memory_space<vmem>> -> memref<64x128xf32, #tpu.memory_space<vmem>>
    %dma_wait3A_819 = arith.constant 0 : i32
    %dma_wait3A_820 = arith.constant 0 : i32
    %dma_wait3A_821 = tpu.memref_slice %arg4[%dma_wait3A_819, %dma_wait3A_820] : memref<3276800x128xf32, #tpu.memory_space<hbm>> -> memref<64x128xf32, #tpu.memory_space<hbm>>
    %dma_wait3A_822 = arith.constant 0 : i32
    %dma_wait3A_823 = arith.constant 0 : i32
    %dma_wait3A_824 = tpu.memref_slice %arg4[%dma_wait3A_822, %dma_wait3A_823] : memref<3276800x128xf32, #tpu.memory_space<hbm>> -> memref<64x128xf32, #tpu.memory_space<hbm>>
    %dma_wait3A_825 = arith.constant 0 : i32
    %dma_wait3A_826 = arith.constant 0 : i32
    %dma_wait3A_827 = tpu.memref_slice %arg7[%dma_wait3A_825, %dma_wait3A_826] : memref<512x128xf32, #tpu.memory_space<vmem>> -> memref<64x128xf32, #tpu.memory_space<vmem>>
    tpu.wait_dma2 semaphore(%arg10 : memref<!tpu.dma_semaphore, #tpu.memory_space<semaphore_mem>>) src(%dma_wait3A_827 : memref<64x128xf32, #tpu.memory_space<vmem>>) dst(%dma_wait3A_824 : memref<64x128xf32, #tpu.memory_space<hbm>>)
    return
  }
}

</mosaic_0001>

<sc_bundles>
// kernel: _emb_lookup.3.cloned.1.call-start
scs
__scs_entry_jumppad:
0x0: {  	(pc) =	sbr.rel $0x88, $3  }
0x1: {  	(tag) =	ssettag $0x0;
	lr =	simm.s32 $0x1  }
0x2: {  	[smem:$0x3F9F] =	sst lr;
	_ =	strace $0xD0000000  }
0x3: {  	_ = 	snop  }
0x4: {  	_ = 	snop  }
0x5: {  	_ = 	snop  }
0x6: {  	_ = 	snop  }
0x7: {  	_ = 	snop  }
__scs_overlays_trampoline_lowered:
0x8: {  	[smem:$0x3FAE] =	sst s0  }
0x9: {  	[smem:$0x3FAF] =	sst s1  }
0xa: {  	[smem:$0x3FB0] =	sst s2  }
0xb: {  	[smem:$0x3FB1] =	sst s3  }
0xc: {  	[smem:$0x3FB2] =	sst s4  }
0xd: {  	[smem:$0x3FB3] =	sst s5  }
0xe: {  	[smem:$0x3FB4] =	sst s6  }
0xf: {  	[smem:$0x3FB5] =	sst s7  }
0x10: {  	[smem:$0x3FB6] =	sst s8  }
0x11: {  	[smem:$0x3FB7] =	sst s9;
	s0 =	simm.s32 @!p0 $0x0  }
0x12: {  	s1 =	sld [smem:$0x3F9D];
	s0 =	simm.s32 @p0 $0x1  }
0x13: {  	[smem:$0x3FB8] =	sst s0;
	s0 =	simm.s32 @!p1 $0x0  }
0x14: {  	s2 =	sld [smem:$0x3F9C];
	s0 =	simm.s32 @p1 $0x1  }
0x15: {  	[smem:$0x3FB9] =	sst s0;
	s0 =	simm.s32 @!p2 $0x0  }
0x16: {  	s3 =	sld [smem:$0x3FDB];
	s0 =	simm.s32 @p2 $0x1  }
0x17: {  	s4 =	simm.s32 $0x1BF5;
	[smem:$0x3FBB] =	sst s0  }
0x18: {  	s0 =	sld [smem:$0x3F9E];
	_ =	swait.ge [sflag:s4], $0x0  }
0x19: {  	s7 =	sld [smem:$0x3F9F]  }
0x1a: {  	s8 =	sadd.s32 $0xFFFFE003, lr  }
0x1b: {  	s9 =	sadd.s32 $0xFFFFFEF7, lr;
	s5 =	simm.s32 $0xFFFFFFFF;
	p2 =	slt.u32 s8, $0xFFFFF086  }
0x1c: {  	p1 =	slt.u32 s9, $0xF7A;
	s5 =	simm.s32 @!p2 $0x0  }
0x1d: {  	s5 =	simm.s32 @p1 $0x1;
	p0 =	seq.s32 s7, s2  }
0x1e: {  	s7 =	smul.u32 @!p0 $0xF7A, s2;
	p2 =	seq.s32 @!p0 s5, $0x0  }
0x1f: {  	s9 =	smul.u32 $0xF7A, s1;
	s8 =	simm.s32 @!p0 $0x1BF5;
	p2 =	por !p2, p0  }
0x20: {  	[sflag:s8] =	ssyncset.s32 @!p0 $0xFFFFF086;
	s6 =	sadd.s32 @!p0 s3, s7;
	s7 =	simm.s32 @!p0 $0x108  }
0x21: {  	s3 =	sadd.s32 s3, s9;
	s6 =	sadd.s32 @!p0 $0x88, s6;
	s7 =	simm.s32 @p2 $0x1082  }
0x22: {  	[simem:s7], [sflag:s8] =	dma.local @!p0 [hbm:s6], $0xF7A  }
0x23: {  	s9 =	sor.u32 $0xD0000000, s2;
	s6 =	simm.s32 $0x108;
	_ =	swait.ge @!p0 [sflag:s8], $0x0  }
0x24: {  	s3 =	sadd.s32 $0x88, s3;
	s6 =	simm.s32 @!p1 $0x1082;
	[sflag:s4] =	ssyncset.s32 $0xFFFFF086  }
0x25: {  	[simem:s6], [sflag:s4] =	dma.local [hbm:s3], $0xF7A  }
0x26: {  	[smem:$0x3F9F] =	sst s1;
	(tag) =	ssettag s2;
	_ =	strace s9  }
0x27: {  	s1 =	sld [smem:$0x3FAF]  }
0x28: {  	s2 =	sld [smem:$0x3FB0]  }
0x29: {  	s4 =	sld [smem:$0x3FB2]  }
0x2a: {  	p0 =	seq.s32 s5, $0x0;
	s5 =	sld [smem:$0x3FB3]  }
0x2b: {  	s6 =	sld [smem:$0x3FB4]  }
0x2c: {  	s7 =	sld [smem:$0x3FB5]  }
0x2d: {  	s3 =	simm.s32 $0x108;
	s8 =	sld [smem:$0x3FB6]  }
0x2e: {  	s3 =	simm.s32 @!p0 $0x1082;
	s9 =	sld [smem:$0x3FB7]  }
0x2f: {  	lr =	sadd.s32 s0, s3;
	s0 =	sld [smem:$0x3FAE]  }
0x30: {  	s3 =	sld [smem:$0x3FB1]  }
0x31: {  	[smem:$0x3FBA] =	sst s10  }
0x32: {  	s10 =	sld [smem:$0x3FB8];
	_ =	sdelay $0x3  }
0x33: {  	p0 =	seq.s32 s10, $0x1;
	s10 =	sld [smem:$0x3FBA];
	_ =	sdelay $0x3  }
0x34: {  	[smem:$0x3FBA] =	sst s10  }
0x35: {  	s10 =	sld [smem:$0x3FB9];
	_ =	sdelay $0x3  }
0x36: {  	p1 =	seq.s32 s10, $0x1;
	s10 =	sld [smem:$0x3FBA];
	_ =	sdelay $0x3  }
0x37: {  	[smem:$0x3FBA] =	sst s10  }
0x38: {  	s10 =	sld [smem:$0x3FBB]  }
0x39: {  	_ = 	snop;
	(pc) =	sbr.ind lr, $3  }
0x3a: {  	_ = 	snop  }
0x3b: {  	_ = 	snop  }
0x3c: {  	p2 =	seq.s32 s10, $0x1;
	s10 =	sld [smem:$0x3FBA]  }
0x3d: {  	_ =	shalt  }
0x3e: {  	_ =	shalt  }
0x3f: {  	_ =	shalt  }
0x40: {  	_ =	shalt  }
0x41: {  	_ =	shalt  }
0x42: {  	_ =	shalt  }
0x43: {  	_ =	shalt  }
0x44: {  	_ =	shalt  }
0x45: {  	_ =	shalt  }
0x46: {  	_ =	shalt  }
0x47: {  	_ =	shalt  }
0x48: {  	_ =	shalt  }
0x49: {  	_ =	shalt  }
0x4a: {  	_ =	shalt  }
0x4b: {  	_ =	shalt  }
0x4c: {  	_ =	shalt  }
0x4d: {  	_ =	shalt  }
0x4e: {  	_ =	shalt  }
0x4f: {  	_ =	shalt  }
0x50: {  	_ =	shalt  }
0x51: {  	_ =	shalt  }
0x52: {  	_ =	shalt  }
0x53: {  	_ =	shalt  }
0x54: {  	_ =	shalt  }
0x55: {  	_ =	shalt  }
0x56: {  	_ =	shalt  }
0x57: {  	_ =	shalt  }
0x58: {  	_ =	shalt  }
0x59: {  	_ =	shalt  }
0x5a: {  	_ =	shalt  }
0x5b: {  	_ =	shalt  }
0x5c: {  	_ =	shalt  }
0x5d: {  	_ =	shalt  }
0x5e: {  	_ =	shalt  }
0x5f: {  	_ =	shalt  }
0x60: {  	_ =	shalt  }
0x61: {  	_ =	shalt  }
0x62: {  	_ =	shalt  }
0x63: {  	_ =	shalt  }
0x64: {  	_ =	shalt  }
0x65: {  	_ =	shalt  }
0x66: {  	_ =	shalt  }
0x67: {  	_ =	shalt  }
0x68: {  	_ =	shalt  }
0x69: {  	_ =	shalt  }
0x6a: {  	_ =	shalt  }
0x6b: {  	_ =	shalt  }
0x6c: {  	_ =	shalt  }
0x6d: {  	_ =	shalt  }
0x6e: {  	_ =	shalt  }
0x6f: {  	_ =	shalt  }
0x70: {  	_ =	shalt  }
0x71: {  	_ =	shalt  }
0x72: {  	_ =	shalt  }
0x73: {  	_ =	shalt  }
0x74: {  	_ =	shalt  }
0x75: {  	_ =	shalt  }
0x76: {  	_ =	shalt  }
0x77: {  	_ =	shalt  }
0x78: {  	_ =	shalt  }
0x79: {  	_ =	shalt  }
0x7a: {  	_ =	shalt  }
0x7b: {  	_ =	shalt  }
0x7c: {  	_ =	shalt  }
0x7d: {  	_ =	shalt  }
0x7e: {  	_ =	shalt  }
0x7f: {  	_ =	shalt  }
0x80: {  	_ =	shalt  }
0x81: {  	_ =	shalt  }
0x82: {  	_ =	shalt  }
0x83: {  	_ =	shalt  }
0x84: {  	_ =	shalt  }
0x85: {  	_ =	shalt  }
0x86: {  	_ =	shalt  }
0x87: {  	_ =	shalt  }
.Lfunc_end0:
.L_simem_size_0:
called_computation_lowered:
.L_overlay_start_0:
0x88: {  	s2 =	sld [smem:$0x3FD9]  }
0x89: {  	s3 =	sld [smem:$0x3FFE];
	_ =	sdelay $0x1  }
0x8a: {  	s1 =	srdreg.scid  }
0x8b: {  	s0 =	sand.u32 $0x1, s1  }
0x8c: {  	s18 =	sshll.u32 s0, $0xA;
	s2 =	sadd.s32 s3, s2  }
0x8d: {  	s2 =	sadd.s32 s2, s18  }
0x8e: {  	[smem:$0x3FC6] =	sst s2  }
0x8f: {  	_ = 	snop  }
0x90: {  	s2 =	sld [smem:$0x3FC9]  }
0x91: {  	s19 =	sld [smem:$0x3FC8]  }
0x92: {  	s4 =	sld [smem:$0x3FD0];
	(tm) =	ssettm $0x1  }
0x93: {  	s5 =	sld [smem:$0x3FFB];
	_ =	sdelay $0x3  }
0x94: {  	_ =	strace s5  }
0x95: {  	s5 =	sld [smem:$0x3FFC];
	_ =	sdelay $0x3  }
0x96: {  	_ =	strace s5  }
0x97: {  	s5 =	sld [smem:$0x3FFD];
	_ =	sdelay $0x3  }
0x98: {  	_ =	strace s5  }
0x99: {  	_ =	strace $0x8FFFFFFF  }
0x9a: {  	s20 =	sld [smem:$0x3FDB];
	_ =	sdelay $0x1  }
0x9b: {  	s6 =	simm.s32 $_scs_section_size  }
0x9c: {  	s7 =	simm.s32 $_size__tile_overlayer_lowered;
	s8 =	simm.s32 $_tile_overlayer_lowered  }
0x9d: {  	s23 =	simm.s32 $0x1BFF;
	s22 =	sshll.u32 s8, $0x1;
	s5 =	sadd.s32 s6, s20  }
0x9e: {  	s9 =	simm.s32 $0x0;
	s21 =	sshll.u32 s7, $0x1;
	s7 =	sadd.s32 s22, s5  }
0x9f: {  	[timem:s9], [sflag:s23] =	dma.local [hbm:s7], s21  }
0xa0: {  	_ =	swait.ge [sflag:s23], s21  }
0xa1: {  	s6 =	ssub.s32 $0x0, s21;
	[sflag:s23] =	ssyncset.done $0x0  }
0xa2: {  	[sflag:s23] =	ssyncadd.s32 s6;
	_ =	sdelay $0x1  }
0xa3: {  	s24 =	simm.s32 $0x1B8B  }
0xa4: {  	_ =	swait.ge [sflag:s24], $0x1  }
0xa5: {  	[sflag:s24] =	ssyncset.done $0x0  }
0xa6: {  	s25 =	simm.s32 $0x1B8E;
	[sflag:s24] =	ssyncadd.s32 $0xFFFFFFFF  }
0xa7: {  	s26 =	simm.s32 $execute0_lowered;
	[smem:$0x3FD2] =	sst s25  }
0xa8: {  	s6 =	sshll.u32 s26, $0x1;
	_ =	strace $0x80000046;
	[dreg:$0x1] =	wrdreg $0xFFFFFFFF  }
0xa9: {  	s28 =	simm.s32 $_size_execute0_lowered;
	s5 =	sadd.s32 s5, s6;
	[dreg:$0x0] =	wrdreg $0x0  }
0xaa: {  	s6 =	sshll.u32 s28, $0x1;
	[dreg:$0x2] =	wrdreg s5  }
0xab: {  	[dreg:$0x3] =	wrdreg s6  }
0xac: {  	[dreg:$0x4] =	wrdreg $0xC0  }
0xad: {  	_ =	task [dreg:s9], $0x5FFFF  }
0xae: {  	[dreg:$0x1] =	wrdreg $0xFFFFFFFF  }
0xaf: {  	[dreg:$0x0] =	wrdreg $0x60  }
0xb0: {  	[dreg:$0x2] =	wrdreg s2  }
0xb1: {  	[dreg:$0x3] =	wrdreg s19  }
0xb2: {  	[dreg:$0x4] =	wrdreg s4  }
0xb3: {  	[dreg:$0x5] =	wrdreg $0x0  }
0xb4: {  	[dreg:$0x6] =	wrdreg $0x9  }
0xb5: {  	_ =	task.clear_ibuf [dreg:s9], $0x7FFFF;
	_ =	strace $0x90000046  }
0xb6: {  	s29 =	simm.s32 $0x9;
	_ =	strace $0x80000048  }
0xb7: {  	_ =	swait.ge [sflag:s29], $0x1  }
0xb8: {  	[sflag:s29] =	ssyncadd.s32 $0xFFFFFFFF  }
0xb9: {  	_ =	strace $0x90000048  }
0xba: {  	_ =	sfence  }
0xbb: {  	s30 =	sld [smem:$0x0];
	_ =	sdelay $0x2  }
0xbc: {  	s31 =	sshll.u32 s1, $0xD;
	s1 =	sshrl.u32 s1, $0x2  }
0xbd: {  	s3 =	sand.u32 $0x4000, s31;
	s1 =	sadd.s32 s1, s30  }
0xbe: {  	s0 =	sor.u32 s3, s0;
	s1 =	sshll.u32 s1, $0x11  }
0xbf: {  	s0 =	sor.u32 s1, s0  }
0xc0: {  	s0 =	sadd.s32 $0x8F2B, s0  }
0xc1: {  	[sflag:s0] =	ssyncadd.remote.s32 $0x1  }
0xc2: {  	_ =	sfence.sel $0xFFFF  }
0xc3: {  	[dreg:$0x0] =	wrdreg $0xFFFFFFFF;
	(pc) =	sbr.abs _section_cstart, $3  }
0xc4: {  	[dreg:$0x1] =	wrdreg $0xFFFFFFFF  }
0xc5: {  	_ =	task.clear_ibuf [dreg:s9], $0x2FFFF;
	_ =	strace $0x9FFFFFFF  }
0xc6: {  	(tm) =	ssettm $0x7FFFFFFF  }
0xc7: {  	_ =	shalt  }
tec
execute0_lowered:
.L_overlay_start_1:
0x0: {  	(tag) =	ssettag $0x1  }
0x1: {  	s5 =	rddreg [dreg:$0x0]  }
0x2: {  	s1 =	rddreg [dreg:$0x2]  }
0x3: {  	s3 =	srdreg.scid;
	s0 =	stileid.u32  }
0x4: {  	s2 =	rddreg [dreg:$0x3];
	s28 =	simm.s32 $0x2040;
	s19 =	smul.u32 $0x32000, s0  }
0x5: {  	s29 =	simm.s32 $0x2140;
	s6 =	sand.u32 $0x1, s3;
	s26 =	smul.u32 $0x1900000, s0  }
0x6: {  	s30 =	simm.s32 $0x2240;
	s31 =	simm.s32 $0x3;
	s21 =	smul.u32 $0x19000, s6  }
0x7: {  	s4 =	sshll.u32 s0, $0x1;
	s3 =	simm.s32 $0x0;
	s14 =	smul.u32 $0xC80000, s6  }
0x8: {  	s7 =	sor.u32 s6, s4;
	s17 =	ssub.s32 $0x2, s6;
	s6 =	smul.u32 $0x190000, s6  }
0x9: {  	p0 =	sne.s32 s0, $0x0;
	[smem:$0x7FF] =	sst s3;
	s8 =	smul.u32 $0x19000, s7  }
0xa: {  	_ =	strace $0x80000047;
	s9 =	sshrl.u32 s17, $0x1;
	s11 =	smul.u32 $0x190000, s7  }
0xb: {  	s7 =	smul.u32 $0xC80000, s7;
	s4 =	ssub.s32 s17, s9;
	s9 =	sadd.s32 $0x18E00, s8  }
0xc: {  	s10 =	sor.u32 $0x200, s8;
	s8 =	sshrl.u32 s8, $0x3;
	s11 =	sadd.s32 s1, s11  }
0xd: {  	s17 =	smul.u32 $0x320000, s0;
	s8 =	sadd.s32 s5, s8;
	[dreg:$0x10] =	wrdreg s11  }
0xe: {  	s0 =	simm.s32 $0x2340;
	s20 =	sadd.s32 $0x400, s11;
	[dreg:$0xe] =	wrdreg s8  }
0xf: {  	s7 =	sshrl.u32 s7, $0x3;
	s12 =	sadd.s32 $0x800, s11;
	[dreg:$0x11] =	wrdreg s20  }
0x10: {  	s10 =	smin.u32 s10, s9;
	s22 =	sadd.s32 $0xC00, s11;
	[dreg:$0x12] =	wrdreg s12  }
0x11: {  	s7 =	sadd.s32 s1, s7;
	s11 =	sadd.s32 $0x1000, s11;
	[dreg:$0x13] =	wrdreg s22  }
0x12: {  	s24 =	sshrl.u32 s9, $0x3;
	[dreg:$0x14] =	wrdreg s11;
	s23 =	sadd.s32 $0x18D400, s7  }
0x13: {  	s18 =	sshrl.u32 s10, $0x3;
	s10 =	sadd.s32 s5, s24;
	[dreg:$0x15] =	wrdreg s23  }
0x14: {  	s9 =	sshll.u32 s9, $0x4;
	s22 =	sadd.s32 $0x18DC00, s7;
	[dreg:$0x16] =	wrdreg s10  }
0x15: {  	s9 =	sadd.s32 s1, s9;
	s8 =	sadd.s32 s5, s18;
	[dreg:$0x1a] =	wrdreg s22  }
0x16: {  	s18 =	sadd.s32 s14, s26;
	[dreg:$0x1b] =	wrdreg s9;
	s22 =	sadd.s32 $0x18F000, s7  }
0x17: {  	s10 =	simm.s32 $0x1FC0;
	[dreg:$0xf] =	wrdreg s8;
	s8 =	sadd.s32 s21, s19  }
0x18: {  	s19 =	sadd.s32 $0x18D800, s7;
	s21 =	sor.u32 $0x1E000, s18;
	s24 =	sor.u32 $0x1C000, s18  }
0x19: {  	s26 =	sor.u32 $0x1A000, s18;
	[dreg:$0x1f] =	wrdreg s22;
	s22 =	simm.s32 $0xC340  }
0x1a: {  	s25 =	sor.u32 $0x600, s8;
	s13 =	sor.u32 $0x400, s8;
	[dreg:$0x19] =	wrdreg s19  }
0x1b: {  	s8 =	sshll.u32 s8, $0x4;
	s19 =	sadd.s32 $0x18E800, s7;
	s11 =	sshrl.u32 s25, $0x3  }
0x1c: {  	s16 =	sshrl.u32 s13, $0x3;
	s20 =	sshll.u32 s13, $0x4;
	s25 =	sshrl.u32 s24, $0x3  }
0x1d: {  	s13 =	sor.u32 $0xE000, s18;
	[dreg:$0x1d] =	wrdreg s19;
	s24 =	sadd.s32 $0x18F800, s7  }
0x1e: {  	s19 =	simm.s32 $0x8340;
	s15 =	sadd.s32 s11, s5;
	s5 =	sadd.s32 s16, s5  }
0x1f: {  	s11 =	sadd.s32 s20, s1;
	s14 =	sshrl.u32 s13, $0x3;
	[smem:$0x7FB] =	sst s24  }
0x20: {  	s16 =	sadd.s32 $0x18E400, s7;
	s24 =	simm.s32 $0x2080;
	[dreg:$0x17] =	wrdreg s15  }
0x21: {  	s13 =	simm.s32 $0x2300;
	[dreg:$0x18] =	wrdreg s5;
	s5 =	sadd.s32 s17, s1  }
0x22: {  	[dreg:$0x5] =	wrdreg s11;
	s11 =	sadd.s32 s8, s1;
	s15 =	sor.u32 $0xC000, s18  }
0x23: {  	[dreg:$0x1c] =	wrdreg s16;
	s18 =	sor.u32 $0xA000, s18;
	s8 =	simm.s32 $0x4340  }
0x24: {  	s16 =	simm.s32 $0x22C0;
	s5 =	sadd.s32 s6, s5;
	s6 =	sshrl.u32 s21, $0x3  }
0x25: {  	s12 =	sadd.s32 $0x2000, s11;
	s20 =	sshrl.u32 s18, $0x3;
	[dreg:$0x6] =	wrdreg s5  }
0x26: {  	s21 =	sadd.s32 $0x18EC00, s7;
	s11 =	simm.s32 $0x20C0;
	[dreg:$0xa] =	wrdreg s12  }
0x27: {  	s23 =	sadd.s32 s6, s1;
	s5 =	sadd.s32 s25, s1;
	[dreg:$0x1e] =	wrdreg s21  }
0x28: {  	s6 =	sshrl.u32 s26, $0x3;
	s25 =	sadd.s32 $0x18FC00, s7;
	[dreg:$0x7] =	wrdreg s23  }
0x29: {  	s26 =	smax.u32 s4, $0x1;
	s12 =	simm.s32 $0x1F80;
	[dreg:$0x8] =	wrdreg s5  }
0x2a: {  	s21 =	simm.s32 $0x2180;
	s9 =	sadd.s32 s6, s1;
	[smem:$0x7FC] =	sst s25  }
0x2b: {  	s5 =	sadd.s32 s14, s1;
	s6 =	sshrl.u32 s15, $0x3;
	[smem:$0x7FD] =	sst s26  }
0x2c: {  	s23 =	sadd.s32 $0x18F400, s7;
	s26 =	simm.s32 $0x1F40;
	[dreg:$0x9] =	wrdreg s9  }
0x2d: {  	s15 =	simm.s32 $0x21C0;
	s25 =	simm.s32 $0x10340;
	[dreg:$0xb] =	wrdreg s5  }
0x2e: {  	s17 =	sadd.s32 s6, s1;
	s1 =	sadd.s32 s20, s1;
	[smem:$0x7FA] =	sst s23  }
0x2f: {  	s9 =	simm.s32 $0x6340;
	s20 =	simm.s32 $0xA340;
	s23 =	simm.s32 $0xE340  }
0x30: {  	s6 =	simm.s32 $0x1;
	s5 =	simm.s32 $0x0;
	[dreg:$0xc] =	wrdreg s17  }
0x31: {  	[dreg:$0xd] =	wrdreg s1;
	s1 =	simm.s32 $0x40;
	s17 =	simm.s32 $0x2  }
.LBB2_1:
0x32: {  	[smem:$0x7F9] =	sst s5  }
0x33: {  	s7 =	sshrl.u32 @!p0 s2, $0x3;
	s14 =	simm.s32 @!p0 $0x1C04;
	s4 =	rddreg [dreg:$0x1]  }
0x34: {  	[spmem:s7], [sflag:s14] =	dma.local @!p0 [hbm:s4], $0x3E80  }
0x35: {  	s7 =	simm.s32 @!p0 $0x4  }
0x36: {  	_ =	swait.ge @!p0 [sflag:s7], $0x3E80  }
0x37: {  	[sflag:s7] =	ssyncset.done @!p0 $0x0  }
0x38: {  	[sflag:s7] =	ssyncadd.s32 @!p0 $0xFFFFC180  }
0x39: {  	[bflag:$0x0] =	sbarrier.arrive $0xFFFF  }
0x3a: {  	s14 =	rddreg [dreg:$0xe]  }
0x3b: {  	[tilespmem:s26], [sflag:$0x4] =	stream.linear.gather [hbm4b:s14+s3], $0x80, $0x38;
	[tilespmem:$0x12340] =	vst v63  }
0x3c: {  	s18 =	sadd.s32 $0x10, s14  }
0x3d: {  	[tilespmem:s28], [sflag:$0x4] =	stream.linear.gather [hbm4b:s18+s3], $0x80, $0x38;
	[tilespmem:$0x12340] =	vst v63  }
0x3e: {  	s5 =	sadd.s32 $0x20, s14  }
0x3f: {  	[tilespmem:s29], [sflag:$0x4] =	stream.linear.gather [hbm4b:s5+s3], $0x80, $0x38;
	[tilespmem:$0x12340] =	vst v63  }
0x40: {  	s14 =	sadd.s32 $0x30, s14;
	s18 =	simm.s32 $0x4  }
0x41: {  	[tilespmem:s30], [sflag:$0x4] =	stream.linear.gather [hbm4b:s14+s3], $0x80, $0x38;
	[tilespmem:$0x12340] =	vst v63  }
0x42: {  	_ =	swait.ge [sflag:s18], $0x200  }
0x43: {  	[sflag:s18] =	ssyncset.done $0x0  }
0x44: {  	[sflag:s18] =	ssyncadd.s32 $0xFFFFFE00  }
0x45: {  	[tilespmem:s0], [sflag:$0x2] =	stream.indirect.gather [spmem:s2], $0x80, s26, s1, $0xb8;
	[tilespmem:$0x12340] =	vst v63  }
0x46: {  	_ = 	snop  }
0x47: {  	[tilespmem:s8], [sflag:$0x2] =	stream.indirect.gather [spmem:s2], $0x80, s12, s1, $0xb8;
	[tilespmem:$0x12340] =	vst v63  }
0x48: {  	_ = 	snop  }
0x49: {  	[tilespmem:s9], [sflag:$0x2] =	stream.indirect.gather [spmem:s2], $0x80, s28, s1, $0xb8;
	[tilespmem:$0x12340] =	vst v63  }
0x4a: {  	s5 =	rddreg [dreg:$0xf]  }
0x4b: {  	[tilespmem:s10], [sflag:$0x1] =	stream.linear.gather [hbm4b:s5+s3], $0x80, $0x38;
	[tilespmem:$0x12340] =	vst v63  }
0x4c: {  	s14 =	sadd.s32 $0x10, s5  }
0x4d: {  	[tilespmem:s11], [sflag:$0x1] =	stream.linear.gather [hbm4b:s14+s3], $0x80, $0x38;
	[tilespmem:$0x12340] =	vst v63  }
0x4e: {  	s18 =	sadd.s32 $0x20, s5  }
0x4f: {  	[tilespmem:s15], [sflag:$0x1] =	stream.linear.gather [hbm4b:s18+s3], $0x80, $0x38;
	[tilespmem:$0x12340] =	vst v63  }
0x50: {  	s5 =	sadd.s32 $0x30, s5  }
0x51: {  	[tilespmem:s16], [sflag:$0x1] =	stream.linear.gather [hbm4b:s5+s3], $0x80, $0x38;
	[tilespmem:$0x12340] =	vst v63  }
0x52: {  	_ =	swait.ge [sflag:s17], $0x2000  }
0x53: {  	[sflag:s17] =	ssyncset.done $0x0  }
0x54: {  	s14 =	rddreg [dreg:$0x10];
	[sflag:s17] =	ssyncadd.s32 $0xFFFFE000  }
0x55: {  	[hbm4b:s14+s3] =	stream.linear.scatter [tilespmem:s0], [sflag:$0x3], $0x2000, $0x38;
	[tilespmem:$0x12340] =	vst v63  }
0x56: {  	_ = 	snop  }
0x57: {  	[tilespmem:s19], [sflag:$0x2] =	stream.indirect.gather [spmem:s2], $0x80, s24, s1, $0xb8;
	[tilespmem:$0x12340] =	vst v63  }
0x58: {  	_ =	swait.ge [sflag:s17], $0x2000  }
0x59: {  	[sflag:s17] =	ssyncset.done $0x0  }
0x5a: {  	s18 =	rddreg [dreg:$0x11];
	[sflag:s17] =	ssyncadd.s32 $0xFFFFE000  }
0x5b: {  	[hbm4b:s18+s3] =	stream.linear.scatter [tilespmem:s8], [sflag:$0x3], $0x2000, $0x38;
	[tilespmem:$0x12340] =	vst v63  }
0x5c: {  	_ = 	snop  }
0x5d: {  	[tilespmem:s20], [sflag:$0x2] =	stream.indirect.gather [spmem:s2], $0x80, s29, s1, $0xb8;
	[tilespmem:$0x12340] =	vst v63  }
0x5e: {  	_ =	swait.ge [sflag:s17], $0x2000  }
0x5f: {  	[sflag:s17] =	ssyncset.done $0x0  }
0x60: {  	s5 =	rddreg [dreg:$0x12];
	[sflag:s17] =	ssyncadd.s32 $0xFFFFE000  }
0x61: {  	[hbm4b:s5+s3] =	stream.linear.scatter [tilespmem:s9], [sflag:$0x3], $0x2000, $0x38;
	[tilespmem:$0x12340] =	vst v63  }
0x62: {  	_ = 	snop  }
0x63: {  	[tilespmem:s22], [sflag:$0x2] =	stream.indirect.gather [spmem:s2], $0x80, s21, s1, $0xb8;
	[tilespmem:$0x12340] =	vst v63  }
0x64: {  	_ =	swait.ge [sflag:s17], $0x2000  }
0x65: {  	[sflag:s17] =	ssyncset.done $0x0  }
0x66: {  	s7 =	rddreg [dreg:$0x13];
	[sflag:s17] =	ssyncadd.s32 $0xFFFFE000  }
0x67: {  	[hbm4b:s7+s3] =	stream.linear.scatter [tilespmem:s19], [sflag:$0x3], $0x2000, $0x38;
	[tilespmem:$0x12340] =	vst v63  }
0x68: {  	_ = 	snop  }
0x69: {  	[tilespmem:s23], [sflag:$0x2] =	stream.indirect.gather [spmem:s2], $0x80, s30, s1, $0xb8;
	[tilespmem:$0x12340] =	vst v63  }
0x6a: {  	_ =	swait.ge [sflag:s17], $0x2000  }
0x6b: {  	[sflag:s17] =	ssyncset.done $0x0  }
0x6c: {  	s14 =	rddreg [dreg:$0x14];
	[sflag:s17] =	ssyncadd.s32 $0xFFFFE000  }
0x6d: {  	[hbm4b:s14+s3] =	stream.linear.scatter [tilespmem:s20], [sflag:$0x3], $0x2000, $0x38;
	[tilespmem:$0x12340] =	vst v63  }
0x6e: {  	s18 =	simm.s32 $0x2280  }
0x6f: {  	[tilespmem:s25], [sflag:$0x2] =	stream.indirect.gather [spmem:s2], $0x80, s18, s1, $0xb8;
	[tilespmem:$0x12340] =	vst v63  }
0x70: {  	_ =	swait.ge [sflag:s6], $0x200  }
0x71: {  	[sflag:s6] =	ssyncset.done $0x0  }
0x72: {  	[sflag:s6] =	ssyncadd.s32 $0xFFFFFE00  }
0x73: {  	_ =	swait.ge [sflag:s17], $0x2000  }
0x74: {  	s4 =	rddreg [dreg:$0xd];
	[sflag:s17] =	ssyncset.done $0x0  }
0x75: {  	[sflag:s17] =	ssyncadd.s32 $0xFFFFE000;
	s7 =	sadd.s32 $0x0, s4  }
0x76: {  	[hbm4b:s7+s3] =	stream.linear.scatter [tilespmem:s22], [sflag:$0x3], $0x2000, $0x38;
	[tilespmem:$0x12340] =	vst v63  }
0x77: {  	_ =	swait.ge [sflag:s31], $0x2000  }
0x78: {  	[sflag:s31] =	ssyncset.done $0x0  }
0x79: {  	[sflag:s31] =	ssyncadd.s32 $0xFFFFE000  }
0x7a: {  	[tilespmem:s0], [sflag:$0x2] =	stream.indirect.gather [spmem:s2], $0x80, s10, s1, $0xb8;
	[tilespmem:$0x12340] =	vst v63  }
0x7b: {  	_ =	swait.ge [sflag:s17], $0x2000  }
0x7c: {  	s5 =	rddreg [dreg:$0xc];
	[sflag:s17] =	ssyncset.done $0x0  }
0x7d: {  	[sflag:s17] =	ssyncadd.s32 $0xFFFFE000;
	s7 =	sadd.s32 $0x0, s5  }
0x7e: {  	[hbm4b:s7+s3] =	stream.linear.scatter [tilespmem:s23], [sflag:$0x3], $0x2000, $0x38;
	[tilespmem:$0x12340] =	vst v63  }
0x7f: {  	_ =	swait.ge [sflag:s31], $0x2000  }
0x80: {  	[sflag:s31] =	ssyncset.done $0x0  }
0x81: {  	s7 =	simm.s32 $0x2000;
	[sflag:s31] =	ssyncadd.s32 $0xFFFFE000  }
0x82: {  	[tilespmem:s8], [sflag:$0x2] =	stream.indirect.gather [spmem:s2], $0x80, s7, s1, $0xb8;
	[tilespmem:$0x12340] =	vst v63  }
0x83: {  	_ =	swait.ge [sflag:s17], $0x2000  }
0x84: {  	s14 =	rddreg [dreg:$0xb];
	[sflag:s17] =	ssyncset.done $0x0  }
0x85: {  	[sflag:s17] =	ssyncadd.s32 $0xFFFFE000;
	s7 =	sadd.s32 $0x0, s14  }
0x86: {  	[hbm4b:s7+s3] =	stream.linear.scatter [tilespmem:s25], [sflag:$0x3], $0x2000, $0x38;
	[tilespmem:$0x12340] =	vst v63  }
0x87: {  	_ =	swait.ge [sflag:s31], $0x2000  }
0x88: {  	[sflag:s31] =	ssyncset.done $0x0  }
0x89: {  	[sflag:s31] =	ssyncadd.s32 $0xFFFFE000  }
0x8a: {  	[tilespmem:s9], [sflag:$0x2] =	stream.indirect.gather [spmem:s2], $0x80, s11, s1, $0xb8;
	[tilespmem:$0x12340] =	vst v63  }
0x8b: {  	s5 =	rddreg [dreg:$0x18]  }
0x8c: {  	[tilespmem:s26], [sflag:$0x1] =	stream.linear.gather [hbm4b:s5+s3], $0x80, $0x38;
	[tilespmem:$0x12340] =	vst v63  }
0x8d: {  	s18 =	sadd.s32 $0x10, s5  }
0x8e: {  	[tilespmem:s28], [sflag:$0x1] =	stream.linear.gather [hbm4b:s18+s3], $0x80, $0x38;
	[tilespmem:$0x12340] =	vst v63  }
0x8f: {  	s4 =	sadd.s32 $0x20, s5  }
0x90: {  	[tilespmem:s29], [sflag:$0x1] =	stream.linear.gather [hbm4b:s4+s3], $0x80, $0x38;
	[tilespmem:$0x12340] =	vst v63  }
0x91: {  	s14 =	sadd.s32 $0x30, s5  }
0x92: {  	[tilespmem:s30], [sflag:$0x1] =	stream.linear.gather [hbm4b:s14+s3], $0x80, $0x38;
	[tilespmem:$0x12340] =	vst v63  }
0x93: {  	_ =	swait.ge [sflag:s17], $0x2000  }
0x94: {  	s18 =	rddreg [dreg:$0x6]  }
0x95: {  	[sflag:s17] =	ssyncset.done $0x0;
	s7 =	sadd.s32 $0x0, s18  }
0x96: {  	[sflag:s17] =	ssyncadd.s32 $0xFFFFE000;
	s4 =	sadd.s32 $0x2000, s7  }
0x97: {  	[hbm4b:s4+s3] =	stream.linear.scatter [tilespmem:s0], [sflag:$0x3], $0x2000, $0x38;
	[tilespmem:$0x12340] =	vst v63  }
0x98: {  	_ =	swait.ge [sflag:s31], $0x2000  }
0x99: {  	[sflag:s31] =	ssyncset.done $0x0  }
0x9a: {  	s14 =	simm.s32 $0x2100;
	[sflag:s31] =	ssyncadd.s32 $0xFFFFE000  }
0x9b: {  	[tilespmem:s19], [sflag:$0x2] =	stream.indirect.gather [spmem:s2], $0x80, s14, s1, $0xb8;
	[tilespmem:$0x12340] =	vst v63  }
0x9c: {  	_ =	swait.ge [sflag:s17], $0x2000  }
0x9d: {  	s18 =	rddreg [dreg:$0xa]  }
0x9e: {  	[sflag:s17] =	ssyncset.done $0x0;
	s14 =	sadd.s32 $0x0, s18  }
0x9f: {  	[sflag:s17] =	ssyncadd.s32 $0xFFFFE000;
	s18 =	sadd.s32 $0x400, s14  }
0xa0: {  	[hbm4b:s18+s3] =	stream.linear.scatter [tilespmem:s8], [sflag:$0x3], $0x2000, $0x38;
	[tilespmem:$0x12340] =	vst v63  }
0xa1: {  	_ =	swait.ge [sflag:s31], $0x2000  }
0xa2: {  	[sflag:s31] =	ssyncset.done $0x0  }
0xa3: {  	[sflag:s31] =	ssyncadd.s32 $0xFFFFE000  }
0xa4: {  	[tilespmem:s20], [sflag:$0x2] =	stream.indirect.gather [spmem:s2], $0x80, s15, s1, $0xb8;
	[tilespmem:$0x12340] =	vst v63  }
0xa5: {  	_ =	swait.ge [sflag:s17], $0x2000  }
0xa6: {  	[sflag:s17] =	ssyncset.done $0x0  }
0xa7: {  	s4 =	sadd.s32 $0x800, s14;
	[sflag:s17] =	ssyncadd.s32 $0xFFFFE000  }
0xa8: {  	[hbm4b:s4+s3] =	stream.linear.scatter [tilespmem:s9], [sflag:$0x3], $0x2000, $0x38;
	[tilespmem:$0x12340] =	vst v63  }
0xa9: {  	_ =	swait.ge [sflag:s31], $0x2000  }
0xaa: {  	[sflag:s31] =	ssyncset.done $0x0  }
0xab: {  	s18 =	simm.s32 $0x2200;
	[sflag:s31] =	ssyncadd.s32 $0xFFFFE000  }
0xac: {  	[tilespmem:s22], [sflag:$0x2] =	stream.indirect.gather [spmem:s2], $0x80, s18, s1, $0xb8;
	[tilespmem:$0x12340] =	vst v63  }
0xad: {  	_ =	swait.ge [sflag:s17], $0x2000  }
0xae: {  	[sflag:s17] =	ssyncset.done $0x0  }
0xaf: {  	s4 =	sadd.s32 $0xC00, s14;
	[sflag:s17] =	ssyncadd.s32 $0xFFFFE000  }
0xb0: {  	[hbm4b:s4+s3] =	stream.linear.scatter [tilespmem:s19], [sflag:$0x3], $0x2000, $0x38;
	[tilespmem:$0x12340] =	vst v63  }
0xb1: {  	_ =	swait.ge [sflag:s31], $0x2000  }
0xb2: {  	[sflag:s31] =	ssyncset.done $0x0  }
0xb3: {  	[sflag:s31] =	ssyncadd.s32 $0xFFFFE000  }
0xb4: {  	[tilespmem:s23], [sflag:$0x2] =	stream.indirect.gather [spmem:s2], $0x80, s16, s1, $0xb8;
	[tilespmem:$0x12340] =	vst v63  }
0xb5: {  	_ =	swait.ge [sflag:s17], $0x2000  }
0xb6: {  	[sflag:s17] =	ssyncset.done $0x0  }
0xb7: {  	s14 =	sadd.s32 $0x1000, s14;
	[sflag:s17] =	ssyncadd.s32 $0xFFFFE000  }
0xb8: {  	[hbm4b:s14+s3] =	stream.linear.scatter [tilespmem:s20], [sflag:$0x3], $0x2000, $0x38;
	[tilespmem:$0x12340] =	vst v63  }
0xb9: {  	_ =	swait.ge [sflag:s31], $0x2000  }
0xba: {  	[sflag:s31] =	ssyncset.done $0x0  }
0xbb: {  	[sflag:s31] =	ssyncadd.s32 $0xFFFFE000  }
0xbc: {  	[tilespmem:s25], [sflag:$0x2] =	stream.indirect.gather [spmem:s2], $0x80, s13, s1, $0xb8;
	[tilespmem:$0x12340] =	vst v63  }
0xbd: {  	_ =	swait.ge [sflag:s6], $0x200  }
0xbe: {  	[sflag:s6] =	ssyncset.done $0x0  }
0xbf: {  	[sflag:s6] =	ssyncadd.s32 $0xFFFFFE00  }
0xc0: {  	_ =	swait.ge [sflag:s17], $0x2000  }
0xc1: {  	s18 =	rddreg [dreg:$0x9];
	[sflag:s17] =	ssyncset.done $0x0  }
0xc2: {  	[sflag:s17] =	ssyncadd.s32 $0xFFFFE000;
	s14 =	sadd.s32 $0x0, s18  }
0xc3: {  	[hbm4b:s14+s3] =	stream.linear.scatter [tilespmem:s22], [sflag:$0x3], $0x2000, $0x38;
	[tilespmem:$0x12340] =	vst v63  }
0xc4: {  	_ =	swait.ge [sflag:s31], $0x2000  }
0xc5: {  	[sflag:s31] =	ssyncset.done $0x0  }
0xc6: {  	[sflag:s31] =	ssyncadd.s32 $0xFFFFE000  }
0xc7: {  	[tilespmem:s0], [sflag:$0x2] =	stream.indirect.gather [spmem:s2], $0x80, s26, s1, $0xb8;
	[tilespmem:$0x12340] =	vst v63  }
0xc8: {  	_ =	swait.ge [sflag:s17], $0x2000  }
0xc9: {  	s4 =	rddreg [dreg:$0x8];
	[sflag:s17] =	ssyncset.done $0x0  }
0xca: {  	[sflag:s17] =	ssyncadd.s32 $0xFFFFE000;
	s14 =	sadd.s32 $0x0, s4  }
0xcb: {  	[hbm4b:s14+s3] =	stream.linear.scatter [tilespmem:s23], [sflag:$0x3], $0x2000, $0x38;
	[tilespmem:$0x12340] =	vst v63  }
0xcc: {  	_ =	swait.ge [sflag:s31], $0x2000  }
0xcd: {  	[sflag:s31] =	ssyncset.done $0x0  }
0xce: {  	[sflag:s31] =	ssyncadd.s32 $0xFFFFE000  }
0xcf: {  	[tilespmem:s8], [sflag:$0x2] =	stream.indirect.gather [spmem:s2], $0x80, s12, s1, $0xb8;
	[tilespmem:$0x12340] =	vst v63  }
0xd0: {  	_ =	swait.ge [sflag:s17], $0x2000  }
0xd1: {  	s12 =	rddreg [dreg:$0x7];
	[sflag:s17] =	ssyncset.done $0x0  }
0xd2: {  	[sflag:s17] =	ssyncadd.s32 $0xFFFFE000;
	s14 =	sadd.s32 $0x0, s12  }
0xd3: {  	[hbm4b:s14+s3] =	stream.linear.scatter [tilespmem:s25], [sflag:$0x3], $0x2000, $0x38;
	[tilespmem:$0x12340] =	vst v63  }
0xd4: {  	_ =	swait.ge [sflag:s31], $0x2000  }
0xd5: {  	[sflag:s31] =	ssyncset.done $0x0  }
0xd6: {  	[sflag:s31] =	ssyncadd.s32 $0xFFFFE000  }
0xd7: {  	[tilespmem:s9], [sflag:$0x2] =	stream.indirect.gather [spmem:s2], $0x80, s28, s1, $0xb8;
	[tilespmem:$0x12340] =	vst v63  }
0xd8: {  	s4 =	rddreg [dreg:$0x17]  }
0xd9: {  	[tilespmem:s10], [sflag:$0x1] =	stream.linear.gather [hbm4b:s4+s3], $0x80, $0x38;
	[tilespmem:$0x12340] =	vst v63  }
0xda: {  	s18 =	sadd.s32 $0x10, s4  }
0xdb: {  	[tilespmem:s11], [sflag:$0x1] =	stream.linear.gather [hbm4b:s18+s3], $0x80, $0x38;
	[tilespmem:$0x12340] =	vst v63  }
0xdc: {  	s12 =	sadd.s32 $0x20, s4  }
0xdd: {  	[tilespmem:s15], [sflag:$0x1] =	stream.linear.gather [hbm4b:s12+s3], $0x80, $0x38;
	[tilespmem:$0x12340] =	vst v63  }
0xde: {  	s18 =	sadd.s32 $0x30, s4  }
0xdf: {  	[tilespmem:s16], [sflag:$0x1] =	stream.linear.gather [hbm4b:s18+s3], $0x80, $0x38;
	[tilespmem:$0x12340] =	vst v63  }
0xe0: {  	_ =	swait.ge [sflag:s17], $0x2000  }
0xe1: {  	[sflag:s17] =	ssyncset.done $0x0  }
0xe2: {  	s7 =	sadd.s32 $0x4000, s7;
	[sflag:s17] =	ssyncadd.s32 $0xFFFFE000  }
0xe3: {  	[hbm4b:s7+s3] =	stream.linear.scatter [tilespmem:s0], [sflag:$0x3], $0x2000, $0x38;
	[tilespmem:$0x12340] =	vst v63  }
0xe4: {  	_ =	swait.ge [sflag:s31], $0x2000  }
0xe5: {  	[sflag:s31] =	ssyncset.done $0x0  }
0xe6: {  	[sflag:s31] =	ssyncadd.s32 $0xFFFFE000  }
0xe7: {  	[tilespmem:s19], [sflag:$0x2] =	stream.indirect.gather [spmem:s2], $0x80, s24, s1, $0xb8;
	[tilespmem:$0x12340] =	vst v63  }
0xe8: {  	_ =	swait.ge [sflag:s17], $0x2000  }
0xe9: {  	s24 =	rddreg [dreg:$0x5]  }
0xea: {  	[sflag:s17] =	ssyncset.done $0x0;
	s7 =	sadd.s32 $0x0, s24  }
0xeb: {  	[sflag:s17] =	ssyncadd.s32 $0xFFFFE000;
	s12 =	sadd.s32 $0x400, s7  }
0xec: {  	[hbm4b:s12+s3] =	stream.linear.scatter [tilespmem:s8], [sflag:$0x3], $0x2000, $0x38;
	[tilespmem:$0x12340] =	vst v63  }
0xed: {  	_ =	swait.ge [sflag:s31], $0x2000  }
0xee: {  	[sflag:s31] =	ssyncset.done $0x0  }
0xef: {  	[sflag:s31] =	ssyncadd.s32 $0xFFFFE000  }
0xf0: {  	[tilespmem:s20], [sflag:$0x2] =	stream.indirect.gather [spmem:s2], $0x80, s29, s1, $0xb8;
	[tilespmem:$0x12340] =	vst v63  }
0xf1: {  	_ =	swait.ge [sflag:s17], $0x2000  }
0xf2: {  	[sflag:s17] =	ssyncset.done $0x0  }
0xf3: {  	s18 =	sadd.s32 $0x800, s7;
	[sflag:s17] =	ssyncadd.s32 $0xFFFFE000  }
0xf4: {  	[hbm4b:s18+s3] =	stream.linear.scatter [tilespmem:s9], [sflag:$0x3], $0x2000, $0x38;
	[tilespmem:$0x12340] =	vst v63  }
0xf5: {  	_ =	swait.ge [sflag:s31], $0x2000  }
0xf6: {  	[sflag:s31] =	ssyncset.done $0x0  }
0xf7: {  	[sflag:s31] =	ssyncadd.s32 $0xFFFFE000  }
0xf8: {  	[tilespmem:s22], [sflag:$0x2] =	stream.indirect.gather [spmem:s2], $0x80, s21, s1, $0xb8;
	[tilespmem:$0x12340] =	vst v63  }
0xf9: {  	_ =	swait.ge [sflag:s17], $0x2000  }
0xfa: {  	[sflag:s17] =	ssyncset.done $0x0  }
0xfb: {  	s24 =	sadd.s32 $0xC00, s7;
	[sflag:s17] =	ssyncadd.s32 $0xFFFFE000  }
0xfc: {  	[hbm4b:s24+s3] =	stream.linear.scatter [tilespmem:s19], [sflag:$0x3], $0x2000, $0x38;
	[tilespmem:$0x12340] =	vst v63  }
0xfd: {  	_ =	swait.ge [sflag:s31], $0x2000  }
0xfe: {  	[sflag:s31] =	ssyncset.done $0x0  }
0xff: {  	[sflag:s31] =	ssyncadd.s32 $0xFFFFE000  }
0x100: {  	[tilespmem:s23], [sflag:$0x2] =	stream.indirect.gather [spmem:s2], $0x80, s30, s1, $0xb8;
	[tilespmem:$0x12340] =	vst v63  }
0x101: {  	_ =	swait.ge [sflag:s17], $0x2000  }
0x102: {  	[sflag:s17] =	ssyncset.done $0x0  }
0x103: {  	s7 =	sadd.s32 $0x1000, s7;
	[sflag:s17] =	ssyncadd.s32 $0xFFFFE000  }
0x104: {  	[hbm4b:s7+s3] =	stream.linear.scatter [tilespmem:s20], [sflag:$0x3], $0x2000, $0x38;
	[tilespmem:$0x12340] =	vst v63  }
0x105: {  	_ =	swait.ge [sflag:s31], $0x2000  }
0x106: {  	s14 =	simm.s32 $0x4000;
	s12 =	simm.s32 $0x1F80;
	[sflag:s31] =	ssyncset.done $0x0  }
0x107: {  	s18 =	sadd.s32 $0x80, s5;
	s7 =	sadd.s32 $0x80, s4;
	[sflag:s31] =	ssyncadd.s32 $0xFFFFE000  }
.LBB2_2:
0x108: {  	s4 =	simm.s32 $0x2280  }
0x109: {  	[tilespmem:s25], [sflag:$0x2] =	stream.indirect.gather [spmem:s2], $0x80, s4, s1, $0xb8;
	[tilespmem:$0x12340] =	vst v63  }
0x10a: {  	_ =	swait.ge [sflag:s6], $0x200  }
0x10b: {  	[sflag:s6] =	ssyncset.done $0x0  }
0x10c: {  	[sflag:s6] =	ssyncadd.s32 $0xFFFFFE00  }
0x10d: {  	_ =	swait.ge [sflag:s17], $0x2000  }
0x10e: {  	s21 =	smov.u32 s14;
	s24 =	rddreg [dreg:$0xd];
	[sflag:s17] =	ssyncset.done $0x0  }
0x10f: {  	[sflag:s17] =	ssyncadd.s32 $0xFFFFE000;
	s24 =	sadd.s32 s21, s24  }
0x110: {  	[hbm4b:s24+s3] =	stream.linear.scatter [tilespmem:s22], [sflag:$0x3], $0x2000, $0x38;
	[tilespmem:$0x12340] =	vst v63  }
0x111: {  	_ =	swait.ge [sflag:s31], $0x2000  }
0x112: {  	[sflag:s31] =	ssyncset.done $0x0  }
0x113: {  	[sflag:s31] =	ssyncadd.s32 $0xFFFFE000  }
0x114: {  	[tilespmem:s0], [sflag:$0x2] =	stream.indirect.gather [spmem:s2], $0x80, s10, s1, $0xb8;
	[tilespmem:$0x12340] =	vst v63  }
0x115: {  	_ =	swait.ge [sflag:s17], $0x2000  }
0x116: {  	s5 =	rddreg [dreg:$0xc];
	[sflag:s17] =	ssyncset.done $0x0  }
0x117: {  	[sflag:s17] =	ssyncadd.s32 $0xFFFFE000;
	s24 =	sadd.s32 s21, s5  }
0x118: {  	[hbm4b:s24+s3] =	stream.linear.scatter [tilespmem:s23], [sflag:$0x3], $0x2000, $0x38;
	[tilespmem:$0x12340] =	vst v63  }
0x119: {  	_ =	swait.ge [sflag:s31], $0x2000  }
0x11a: {  	[sflag:s31] =	ssyncset.done $0x0  }
0x11b: {  	s24 =	simm.s32 $0x2000;
	[sflag:s31] =	ssyncadd.s32 $0xFFFFE000  }
0x11c: {  	[tilespmem:s8], [sflag:$0x2] =	stream.indirect.gather [spmem:s2], $0x80, s24, s1, $0xb8;
	[tilespmem:$0x12340] =	vst v63  }
0x11d: {  	_ =	swait.ge [sflag:s17], $0x2000  }
0x11e: {  	s4 =	rddreg [dreg:$0xb];
	[sflag:s17] =	ssyncset.done $0x0  }
0x11f: {  	[sflag:s17] =	ssyncadd.s32 $0xFFFFE000;
	s24 =	sadd.s32 s21, s4  }
0x120: {  	[hbm4b:s24+s3] =	stream.linear.scatter [tilespmem:s25], [sflag:$0x3], $0x2000, $0x38;
	[tilespmem:$0x12340] =	vst v63  }
0x121: {  	_ =	swait.ge [sflag:s31], $0x2000  }
0x122: {  	[sflag:s31] =	ssyncset.done $0x0  }
0x123: {  	[sflag:s31] =	ssyncadd.s32 $0xFFFFE000  }
0x124: {  	[tilespmem:s9], [sflag:$0x2] =	stream.indirect.gather [spmem:s2], $0x80, s11, s1, $0xb8;
	[tilespmem:$0x12340] =	vst v63  }
0x125: {  	_ = 	snop  }
0x126: {  	[tilespmem:s26], [sflag:$0x1] =	stream.linear.gather [hbm4b:s18+s3], $0x80, $0x38;
	[tilespmem:$0x12340] =	vst v63  }
0x127: {  	s5 =	sadd.s32 $0x10, s18  }
0x128: {  	[tilespmem:s28], [sflag:$0x1] =	stream.linear.gather [hbm4b:s5+s3], $0x80, $0x38;
	[tilespmem:$0x12340] =	vst v63  }
0x129: {  	s4 =	sadd.s32 $0x20, s18  }
0x12a: {  	[tilespmem:s29], [sflag:$0x1] =	stream.linear.gather [hbm4b:s4+s3], $0x80, $0x38;
	[tilespmem:$0x12340] =	vst v63  }
0x12b: {  	s5 =	sadd.s32 $0x30, s18  }
0x12c: {  	[tilespmem:s30], [sflag:$0x1] =	stream.linear.gather [hbm4b:s5+s3], $0x80, $0x38;
	[tilespmem:$0x12340] =	vst v63  }
0x12d: {  	_ =	swait.ge [sflag:s17], $0x2000  }
0x12e: {  	s4 =	rddreg [dreg:$0x6]  }
0x12f: {  	[sflag:s17] =	ssyncset.done $0x0;
	s24 =	sadd.s32 s21, s4  }
0x130: {  	[sflag:s17] =	ssyncadd.s32 $0xFFFFE000;
	s5 =	sadd.s32 $0x2000, s24  }
0x131: {  	[hbm4b:s5+s3] =	stream.linear.scatter [tilespmem:s0], [sflag:$0x3], $0x2000, $0x38;
	[tilespmem:$0x12340] =	vst v63  }
0x132: {  	_ =	swait.ge [sflag:s31], $0x2000  }
0x133: {  	[sflag:s31] =	ssyncset.done $0x0  }
0x134: {  	s5 =	simm.s32 $0x2100;
	[sflag:s31] =	ssyncadd.s32 $0xFFFFE000  }
0x135: {  	[tilespmem:s19], [sflag:$0x2] =	stream.indirect.gather [spmem:s2], $0x80, s5, s1, $0xb8;
	[tilespmem:$0x12340] =	vst v63  }
0x136: {  	_ =	swait.ge [sflag:s17], $0x2000  }
0x137: {  	s5 =	rddreg [dreg:$0xa]  }
0x138: {  	[sflag:s17] =	ssyncset.done $0x0;
	s4 =	sadd.s32 s21, s5  }
0x139: {  	[sflag:s17] =	ssyncadd.s32 $0xFFFFE000;
	s5 =	sadd.s32 $0x400, s4  }
0x13a: {  	[hbm4b:s5+s3] =	stream.linear.scatter [tilespmem:s8], [sflag:$0x3], $0x2000, $0x38;
	[tilespmem:$0x12340] =	vst v63  }
0x13b: {  	_ =	swait.ge [sflag:s31], $0x2000  }
0x13c: {  	[sflag:s31] =	ssyncset.done $0x0  }
0x13d: {  	[sflag:s31] =	ssyncadd.s32 $0xFFFFE000  }
0x13e: {  	[tilespmem:s20], [sflag:$0x2] =	stream.indirect.gather [spmem:s2], $0x80, s15, s1, $0xb8;
	[tilespmem:$0x12340] =	vst v63  }
0x13f: {  	_ =	swait.ge [sflag:s17], $0x2000  }
0x140: {  	[sflag:s17] =	ssyncset.done $0x0  }
0x141: {  	s5 =	sadd.s32 $0x800, s4;
	[sflag:s17] =	ssyncadd.s32 $0xFFFFE000  }
0x142: {  	[hbm4b:s5+s3] =	stream.linear.scatter [tilespmem:s9], [sflag:$0x3], $0x2000, $0x38;
	[tilespmem:$0x12340] =	vst v63  }
0x143: {  	_ =	swait.ge [sflag:s31], $0x2000  }
0x144: {  	[sflag:s31] =	ssyncset.done $0x0  }
0x145: {  	s5 =	simm.s32 $0x2200;
	[sflag:s31] =	ssyncadd.s32 $0xFFFFE000  }
0x146: {  	[tilespmem:s22], [sflag:$0x2] =	stream.indirect.gather [spmem:s2], $0x80, s5, s1, $0xb8;
	[tilespmem:$0x12340] =	vst v63  }
0x147: {  	_ =	swait.ge [sflag:s17], $0x2000  }
0x148: {  	[sflag:s17] =	ssyncset.done $0x0  }
0x149: {  	s5 =	sadd.s32 $0xC00, s4;
	[sflag:s17] =	ssyncadd.s32 $0xFFFFE000  }
0x14a: {  	[hbm4b:s5+s3] =	stream.linear.scatter [tilespmem:s19], [sflag:$0x3], $0x2000, $0x38;
	[tilespmem:$0x12340] =	vst v63  }
0x14b: {  	_ =	swait.ge [sflag:s31], $0x2000  }
0x14c: {  	[sflag:s31] =	ssyncset.done $0x0  }
0x14d: {  	[sflag:s31] =	ssyncadd.s32 $0xFFFFE000  }
0x14e: {  	[tilespmem:s23], [sflag:$0x2] =	stream.indirect.gather [spmem:s2], $0x80, s16, s1, $0xb8;
	[tilespmem:$0x12340] =	vst v63  }
0x14f: {  	_ =	swait.ge [sflag:s17], $0x2000  }
0x150: {  	[sflag:s17] =	ssyncset.done $0x0  }
0x151: {  	s4 =	sadd.s32 $0x1000, s4;
	[sflag:s17] =	ssyncadd.s32 $0xFFFFE000  }
0x152: {  	[hbm4b:s4+s3] =	stream.linear.scatter [tilespmem:s20], [sflag:$0x3], $0x2000, $0x38;
	[tilespmem:$0x12340] =	vst v63  }
0x153: {  	_ =	swait.ge [sflag:s31], $0x2000  }
0x154: {  	[sflag:s31] =	ssyncset.done $0x0  }
0x155: {  	[sflag:s31] =	ssyncadd.s32 $0xFFFFE000  }
0x156: {  	[tilespmem:s25], [sflag:$0x2] =	stream.indirect.gather [spmem:s2], $0x80, s13, s1, $0xb8;
	[tilespmem:$0x12340] =	vst v63  }
0x157: {  	_ =	swait.ge [sflag:s6], $0x200  }
0x158: {  	[sflag:s6] =	ssyncset.done $0x0  }
0x159: {  	[sflag:s6] =	ssyncadd.s32 $0xFFFFFE00  }
0x15a: {  	_ =	swait.ge [sflag:s17], $0x2000  }
0x15b: {  	s5 =	rddreg [dreg:$0x9];
	[sflag:s17] =	ssyncset.done $0x0  }
0x15c: {  	[sflag:s17] =	ssyncadd.s32 $0xFFFFE000;
	s4 =	sadd.s32 s21, s5  }
0x15d: {  	[hbm4b:s4+s3] =	stream.linear.scatter [tilespmem:s22], [sflag:$0x3], $0x2000, $0x38;
	[tilespmem:$0x12340] =	vst v63  }
0x15e: {  	_ =	swait.ge [sflag:s31], $0x2000  }
0x15f: {  	[sflag:s31] =	ssyncset.done $0x0  }
0x160: {  	[sflag:s31] =	ssyncadd.s32 $0xFFFFE000  }
0x161: {  	[tilespmem:s0], [sflag:$0x2] =	stream.indirect.gather [spmem:s2], $0x80, s26, s1, $0xb8;
	[tilespmem:$0x12340] =	vst v63  }
0x162: {  	_ =	swait.ge [sflag:s17], $0x2000  }
0x163: {  	s5 =	rddreg [dreg:$0x8];
	[sflag:s17] =	ssyncset.done $0x0  }
0x164: {  	[sflag:s17] =	ssyncadd.s32 $0xFFFFE000;
	s4 =	sadd.s32 s21, s5  }
0x165: {  	[hbm4b:s4+s3] =	stream.linear.scatter [tilespmem:s23], [sflag:$0x3], $0x2000, $0x38;
	[tilespmem:$0x12340] =	vst v63  }
0x166: {  	_ =	swait.ge [sflag:s31], $0x2000  }
0x167: {  	[sflag:s31] =	ssyncset.done $0x0  }
0x168: {  	[sflag:s31] =	ssyncadd.s32 $0xFFFFE000  }
0x169: {  	[tilespmem:s8], [sflag:$0x2] =	stream.indirect.gather [spmem:s2], $0x80, s12, s1, $0xb8;
	[tilespmem:$0x12340] =	vst v63  }
0x16a: {  	_ =	swait.ge [sflag:s17], $0x2000  }
0x16b: {  	s5 =	rddreg [dreg:$0x7];
	[sflag:s17] =	ssyncset.done $0x0  }
0x16c: {  	[sflag:s17] =	ssyncadd.s32 $0xFFFFE000;
	s4 =	sadd.s32 s21, s5  }
0x16d: {  	[hbm4b:s4+s3] =	stream.linear.scatter [tilespmem:s25], [sflag:$0x3], $0x2000, $0x38;
	[tilespmem:$0x12340] =	vst v63  }
0x16e: {  	_ =	swait.ge [sflag:s31], $0x2000  }
0x16f: {  	[sflag:s31] =	ssyncset.done $0x0  }
0x170: {  	[sflag:s31] =	ssyncadd.s32 $0xFFFFE000  }
0x171: {  	[tilespmem:s9], [sflag:$0x2] =	stream.indirect.gather [spmem:s2], $0x80, s28, s1, $0xb8;
	[tilespmem:$0x12340] =	vst v63  }
0x172: {  	_ = 	snop  }
0x173: {  	[tilespmem:s10], [sflag:$0x1] =	stream.linear.gather [hbm4b:s7+s3], $0x80, $0x38;
	[tilespmem:$0x12340] =	vst v63  }
0x174: {  	s5 =	sadd.s32 $0x10, s7  }
0x175: {  	[tilespmem:s11], [sflag:$0x1] =	stream.linear.gather [hbm4b:s5+s3], $0x80, $0x38;
	[tilespmem:$0x12340] =	vst v63  }
0x176: {  	s5 =	sadd.s32 $0x20, s7  }
0x177: {  	[tilespmem:s15], [sflag:$0x1] =	stream.linear.gather [hbm4b:s5+s3], $0x80, $0x38;
	[tilespmem:$0x12340] =	vst v63  }
0x178: {  	s5 =	sadd.s32 $0x30, s7  }
0x179: {  	[tilespmem:s16], [sflag:$0x1] =	stream.linear.gather [hbm4b:s5+s3], $0x80, $0x38;
	[tilespmem:$0x12340] =	vst v63  }
0x17a: {  	_ =	swait.ge [sflag:s17], $0x2000  }
0x17b: {  	[sflag:s17] =	ssyncset.done $0x0  }
0x17c: {  	s5 =	sadd.s32 $0x4000, s24;
	[sflag:s17] =	ssyncadd.s32 $0xFFFFE000  }
0x17d: {  	[hbm4b:s5+s3] =	stream.linear.scatter [tilespmem:s0], [sflag:$0x3], $0x2000, $0x38;
	[tilespmem:$0x12340] =	vst v63  }
0x17e: {  	_ =	swait.ge [sflag:s31], $0x2000  }
0x17f: {  	[sflag:s31] =	ssyncset.done $0x0  }
0x180: {  	s24 =	simm.s32 $0x2080;
	[sflag:s31] =	ssyncadd.s32 $0xFFFFE000  }
0x181: {  	[tilespmem:s19], [sflag:$0x2] =	stream.indirect.gather [spmem:s2], $0x80, s24, s1, $0xb8;
	[tilespmem:$0x12340] =	vst v63  }
0x182: {  	_ =	swait.ge [sflag:s17], $0x2000  }
0x183: {  	s5 =	rddreg [dreg:$0x5]  }
0x184: {  	[sflag:s17] =	ssyncset.done $0x0;
	s4 =	sadd.s32 s21, s5  }
0x185: {  	[sflag:s17] =	ssyncadd.s32 $0xFFFFE000;
	s5 =	sadd.s32 $0x400, s4  }
0x186: {  	[hbm4b:s5+s3] =	stream.linear.scatter [tilespmem:s8], [sflag:$0x3], $0x2000, $0x38;
	[tilespmem:$0x12340] =	vst v63  }
0x187: {  	_ =	swait.ge [sflag:s31], $0x2000  }
0x188: {  	[sflag:s31] =	ssyncset.done $0x0  }
0x189: {  	[sflag:s31] =	ssyncadd.s32 $0xFFFFE000  }
0x18a: {  	[tilespmem:s20], [sflag:$0x2] =	stream.indirect.gather [spmem:s2], $0x80, s29, s1, $0xb8;
	[tilespmem:$0x12340] =	vst v63  }
0x18b: {  	_ =	swait.ge [sflag:s17], $0x2000  }
0x18c: {  	[sflag:s17] =	ssyncset.done $0x0  }
0x18d: {  	s5 =	sadd.s32 $0x800, s4;
	[sflag:s17] =	ssyncadd.s32 $0xFFFFE000  }
0x18e: {  	[hbm4b:s5+s3] =	stream.linear.scatter [tilespmem:s9], [sflag:$0x3], $0x2000, $0x38;
	[tilespmem:$0x12340] =	vst v63  }
0x18f: {  	_ =	swait.ge [sflag:s31], $0x2000  }
0x190: {  	[sflag:s31] =	ssyncset.done $0x0  }
0x191: {  	s21 =	simm.s32 $0x2180;
	[sflag:s31] =	ssyncadd.s32 $0xFFFFE000  }
0x192: {  	[tilespmem:s22], [sflag:$0x2] =	stream.indirect.gather [spmem:s2], $0x80, s21, s1, $0xb8;
	[tilespmem:$0x12340] =	vst v63  }
0x193: {  	_ =	swait.ge [sflag:s17], $0x2000  }
0x194: {  	[sflag:s17] =	ssyncset.done $0x0  }
0x195: {  	s5 =	sadd.s32 $0xC00, s4;
	[sflag:s17] =	ssyncadd.s32 $0xFFFFE000  }
0x196: {  	[hbm4b:s5+s3] =	stream.linear.scatter [tilespmem:s19], [sflag:$0x3], $0x2000, $0x38;
	[tilespmem:$0x12340] =	vst v63  }
0x197: {  	_ =	swait.ge [sflag:s31], $0x2000  }
0x198: {  	[sflag:s31] =	ssyncset.done $0x0  }
0x199: {  	[sflag:s31] =	ssyncadd.s32 $0xFFFFE000  }
0x19a: {  	[tilespmem:s23], [sflag:$0x2] =	stream.indirect.gather [spmem:s2], $0x80, s30, s1, $0xb8;
	[tilespmem:$0x12340] =	vst v63  }
0x19b: {  	_ =	swait.ge [sflag:s17], $0x2000  }
0x19c: {  	p1 =	sne.s32 s14, $0x188000;
	[sflag:s17] =	ssyncset.done $0x0  }
.Ltmp0:
0x19d: {  	s4 =	sadd.s32 $0x1000, s4;
	[sflag:s17] =	ssyncadd.s32 $0xFFFFE000;
	(pc) =	sbr.rel @p1 .LBB2_2-.Ltmp0, $4  }
0x19e: {  	[hbm4b:s4+s3] =	stream.linear.scatter [tilespmem:s20], [sflag:$0x3], $0x2000, $0x38;
	[tilespmem:$0x12340] =	vst v63  }
0x19f: {  	_ =	swait.ge [sflag:s31], $0x2000  }
0x1a0: {  	s14 =	sadd.s32 $0x4000, s14;
	[sflag:s31] =	ssyncset.done $0x0  }
0x1a1: {  	s18 =	sadd.s32 $0x80, s18;
	s7 =	sadd.s32 $0x80, s7;
	[sflag:s31] =	ssyncadd.s32 $0xFFFFE000  }
0x1a2: {  	s4 =	simm.s32 $0x2280  }
0x1a3: {  	[tilespmem:s25], [sflag:$0x2] =	stream.indirect.gather [spmem:s2], $0x80, s4, s1, $0xb8;
	[tilespmem:$0x12340] =	vst v63  }
0x1a4: {  	_ =	swait.ge [sflag:s6], $0x200  }
0x1a5: {  	[sflag:s6] =	ssyncset.done $0x0  }
0x1a6: {  	[sflag:s6] =	ssyncadd.s32 $0xFFFFFE00  }
0x1a7: {  	_ =	swait.ge [sflag:s17], $0x2000  }
0x1a8: {  	[sflag:s17] =	ssyncset.done $0x0  }
0x1a9: {  	s5 =	rddreg [dreg:$0x15];
	[sflag:s17] =	ssyncadd.s32 $0xFFFFE000  }
0x1aa: {  	[hbm4b:s5+s3] =	stream.linear.scatter [tilespmem:s22], [sflag:$0x3], $0x2000, $0x38;
	[tilespmem:$0x12340] =	vst v63  }
0x1ab: {  	_ =	swait.ge [sflag:s31], $0x2000  }
0x1ac: {  	[sflag:s31] =	ssyncset.done $0x0  }
0x1ad: {  	[sflag:s31] =	ssyncadd.s32 $0xFFFFE000  }
0x1ae: {  	[tilespmem:s0], [sflag:$0x2] =	stream.indirect.gather [spmem:s2], $0x80, s10, s1, $0xb8;
	[tilespmem:$0x12340] =	vst v63  }
0x1af: {  	_ =	swait.ge [sflag:s17], $0x2000  }
0x1b0: {  	[sflag:s17] =	ssyncset.done $0x0  }
0x1b1: {  	s7 =	rddreg [dreg:$0x19];
	[sflag:s17] =	ssyncadd.s32 $0xFFFFE000  }
0x1b2: {  	[hbm4b:s7+s3] =	stream.linear.scatter [tilespmem:s23], [sflag:$0x3], $0x2000, $0x38;
	[tilespmem:$0x12340] =	vst v63  }
0x1b3: {  	_ =	swait.ge [sflag:s31], $0x2000  }
0x1b4: {  	[sflag:s31] =	ssyncset.done $0x0  }
0x1b5: {  	s12 =	simm.s32 $0x2000;
	[sflag:s31] =	ssyncadd.s32 $0xFFFFE000  }
0x1b6: {  	[tilespmem:s8], [sflag:$0x2] =	stream.indirect.gather [spmem:s2], $0x80, s12, s1, $0xb8;
	[tilespmem:$0x12340] =	vst v63  }
0x1b7: {  	_ =	swait.ge [sflag:s17], $0x2000  }
0x1b8: {  	[sflag:s17] =	ssyncset.done $0x0  }
0x1b9: {  	s14 =	rddreg [dreg:$0x1a];
	[sflag:s17] =	ssyncadd.s32 $0xFFFFE000  }
0x1ba: {  	[hbm4b:s14+s3] =	stream.linear.scatter [tilespmem:s25], [sflag:$0x3], $0x2000, $0x38;
	[tilespmem:$0x12340] =	vst v63  }
0x1bb: {  	_ =	swait.ge [sflag:s31], $0x2000  }
0x1bc: {  	[sflag:s31] =	ssyncset.done $0x0  }
0x1bd: {  	[sflag:s31] =	ssyncadd.s32 $0xFFFFE000  }
0x1be: {  	[tilespmem:s9], [sflag:$0x2] =	stream.indirect.gather [spmem:s2], $0x80, s11, s1, $0xb8;
	[tilespmem:$0x12340] =	vst v63  }
0x1bf: {  	s5 =	rddreg [dreg:$0x16]  }
0x1c0: {  	[tilespmem:s26], [sflag:$0x1] =	stream.linear.gather [hbm4b:s5+s3], $0x80, $0x38;
	[tilespmem:$0x12340] =	vst v63  }
0x1c1: {  	s18 =	sadd.s32 $0x10, s5  }
0x1c2: {  	[tilespmem:s28], [sflag:$0x1] =	stream.linear.gather [hbm4b:s18+s3], $0x80, $0x38;
	[tilespmem:$0x12340] =	vst v63  }
0x1c3: {  	s7 =	sadd.s32 $0x20, s5  }
0x1c4: {  	[tilespmem:s29], [sflag:$0x1] =	stream.linear.gather [hbm4b:s7+s3], $0x80, $0x38;
	[tilespmem:$0x12340] =	vst v63  }
0x1c5: {  	s12 =	sadd.s32 $0x30, s5  }
0x1c6: {  	[tilespmem:s30], [sflag:$0x1] =	stream.linear.gather [hbm4b:s12+s3], $0x80, $0x38;
	[tilespmem:$0x12340] =	vst v63  }
0x1c7: {  	_ =	swait.ge [sflag:s17], $0x2000  }
0x1c8: {  	[sflag:s17] =	ssyncset.done $0x0  }
0x1c9: {  	s14 =	rddreg [dreg:$0x1b];
	[sflag:s17] =	ssyncadd.s32 $0xFFFFE000  }
0x1ca: {  	[hbm4b:s14+s3] =	stream.linear.scatter [tilespmem:s0], [sflag:$0x3], $0x2000, $0x38;
	[tilespmem:$0x12340] =	vst v63  }
0x1cb: {  	_ =	swait.ge [sflag:s31], $0x2000  }
0x1cc: {  	[sflag:s31] =	ssyncset.done $0x0  }
0x1cd: {  	s18 =	simm.s32 $0x2100;
	[sflag:s31] =	ssyncadd.s32 $0xFFFFE000  }
0x1ce: {  	[tilespmem:s19], [sflag:$0x2] =	stream.indirect.gather [spmem:s2], $0x80, s18, s1, $0xb8;
	[tilespmem:$0x12340] =	vst v63  }
0x1cf: {  	_ =	swait.ge [sflag:s17], $0x2000  }
0x1d0: {  	[sflag:s17] =	ssyncset.done $0x0  }
0x1d1: {  	s5 =	rddreg [dreg:$0x1c];
	[sflag:s17] =	ssyncadd.s32 $0xFFFFE000  }
0x1d2: {  	[hbm4b:s5+s3] =	stream.linear.scatter [tilespmem:s8], [sflag:$0x3], $0x2000, $0x38;
	[tilespmem:$0x12340] =	vst v63  }
0x1d3: {  	_ =	swait.ge [sflag:s31], $0x2000  }
0x1d4: {  	[sflag:s31] =	ssyncset.done $0x0  }
0x1d5: {  	[sflag:s31] =	ssyncadd.s32 $0xFFFFE000  }
0x1d6: {  	[tilespmem:s20], [sflag:$0x2] =	stream.indirect.gather [spmem:s2], $0x80, s15, s1, $0xb8;
	[tilespmem:$0x12340] =	vst v63  }
0x1d7: {  	_ =	swait.ge [sflag:s17], $0x2000  }
0x1d8: {  	[sflag:s17] =	ssyncset.done $0x0  }
0x1d9: {  	s7 =	rddreg [dreg:$0x1d];
	[sflag:s17] =	ssyncadd.s32 $0xFFFFE000  }
0x1da: {  	[hbm4b:s7+s3] =	stream.linear.scatter [tilespmem:s9], [sflag:$0x3], $0x2000, $0x38;
	[tilespmem:$0x12340] =	vst v63  }
0x1db: {  	_ =	swait.ge [sflag:s31], $0x2000  }
0x1dc: {  	[sflag:s31] =	ssyncset.done $0x0  }
0x1dd: {  	s12 =	simm.s32 $0x2200;
	[sflag:s31] =	ssyncadd.s32 $0xFFFFE000  }
0x1de: {  	[tilespmem:s22], [sflag:$0x2] =	stream.indirect.gather [spmem:s2], $0x80, s12, s1, $0xb8;
	[tilespmem:$0x12340] =	vst v63  }
0x1df: {  	_ =	swait.ge [sflag:s17], $0x2000  }
0x1e0: {  	[sflag:s17] =	ssyncset.done $0x0  }
0x1e1: {  	s14 =	rddreg [dreg:$0x1e];
	[sflag:s17] =	ssyncadd.s32 $0xFFFFE000  }
0x1e2: {  	[hbm4b:s14+s3] =	stream.linear.scatter [tilespmem:s19], [sflag:$0x3], $0x2000, $0x38;
	[tilespmem:$0x12340] =	vst v63  }
0x1e3: {  	_ =	swait.ge [sflag:s31], $0x2000  }
0x1e4: {  	[sflag:s31] =	ssyncset.done $0x0  }
0x1e5: {  	[sflag:s31] =	ssyncadd.s32 $0xFFFFE000  }
0x1e6: {  	[tilespmem:s23], [sflag:$0x2] =	stream.indirect.gather [spmem:s2], $0x80, s16, s1, $0xb8;
	[tilespmem:$0x12340] =	vst v63  }
0x1e7: {  	_ =	swait.ge [sflag:s17], $0x2000  }
0x1e8: {  	[sflag:s17] =	ssyncset.done $0x0  }
0x1e9: {  	s18 =	rddreg [dreg:$0x1f];
	[sflag:s17] =	ssyncadd.s32 $0xFFFFE000  }
0x1ea: {  	[hbm4b:s18+s3] =	stream.linear.scatter [tilespmem:s20], [sflag:$0x3], $0x2000, $0x38;
	[tilespmem:$0x12340] =	vst v63  }
0x1eb: {  	_ =	swait.ge [sflag:s31], $0x2000  }
0x1ec: {  	[sflag:s31] =	ssyncset.done $0x0  }
0x1ed: {  	[sflag:s31] =	ssyncadd.s32 $0xFFFFE000  }
0x1ee: {  	[tilespmem:s25], [sflag:$0x2] =	stream.indirect.gather [spmem:s2], $0x80, s13, s1, $0xb8;
	[tilespmem:$0x12340] =	vst v63  }
0x1ef: {  	_ =	swait.ge [sflag:s6], $0x200  }
0x1f0: {  	[sflag:s6] =	ssyncset.done $0x0  }
0x1f1: {  	[sflag:s6] =	ssyncadd.s32 $0xFFFFFE00  }
0x1f2: {  	_ =	swait.ge [sflag:s17], $0x2000  }
0x1f3: {  	s5 =	sld [smem:$0x7FA]  }
0x1f4: {  	[sflag:s17] =	ssyncset.done $0x0  }
0x1f5: {  	[sflag:s17] =	ssyncadd.s32 $0xFFFFE000  }
0x1f6: {  	[hbm4b:s5+s3] =	stream.linear.scatter [tilespmem:s22], [sflag:$0x3], $0x2000, $0x38;
	[tilespmem:$0x12340] =	vst v63  }
0x1f7: {  	_ =	swait.ge [sflag:s17], $0x2000  }
0x1f8: {  	s7 =	sld [smem:$0x7FB]  }
0x1f9: {  	[sflag:s17] =	ssyncset.done $0x0  }
0x1fa: {  	[sflag:s17] =	ssyncadd.s32 $0xFFFFE000  }
0x1fb: {  	[hbm4b:s7+s3] =	stream.linear.scatter [tilespmem:s23], [sflag:$0x3], $0x2000, $0x38;
	[tilespmem:$0x12340] =	vst v63  }
0x1fc: {  	_ =	swait.ge [sflag:s17], $0x2000  }
0x1fd: {  	s12 =	sld [smem:$0x7FC]  }
0x1fe: {  	[sflag:s17] =	ssyncset.done $0x0  }
0x1ff: {  	[sflag:s17] =	ssyncadd.s32 $0xFFFFE000  }
0x200: {  	[hbm4b:s12+s3] =	stream.linear.scatter [tilespmem:s25], [sflag:$0x3], $0x2000, $0x38;
	[tilespmem:$0x12340] =	vst v63  }
0x201: {  	_ =	swait.ge [sflag:s31], $0x2000  }
0x202: {  	[sflag:s31] =	ssyncset.done $0x0  }
0x203: {  	[sflag:s31] =	ssyncadd.s32 $0xFFFFE000  }
0x204: {  	_ =	swait.ge [sflag:s31], $0x2000  }
0x205: {  	[sflag:s31] =	ssyncset.done $0x0  }
0x206: {  	[sflag:s31] =	ssyncadd.s32 $0xFFFFE000  }
0x207: {  	_ =	swait.ge [sflag:s31], $0x2000  }
0x208: {  	[sflag:s31] =	ssyncset.done $0x0  }
0x209: {  	[sflag:s31] =	ssyncadd.s32 $0xFFFFE000  }
0x20a: {  	_ =	swait.ge [sflag:s31], $0x2000  }
0x20b: {  	[sflag:s31] =	ssyncset.done $0x0  }
0x20c: {  	[sflag:s31] =	ssyncadd.s32 $0xFFFFE000  }
0x20d: {  	_ =	swait.ge [sflag:s31], $0x2000  }
0x20e: {  	[sflag:s31] =	ssyncset.done $0x0  }
0x20f: {  	[sflag:s31] =	ssyncadd.s32 $0xFFFFE000  }
0x210: {  	_ =	swait.ge [sflag:s31], $0x2000  }
0x211: {  	[sflag:s31] =	ssyncset.done $0x0  }
0x212: {  	[sflag:s31] =	ssyncadd.s32 $0xFFFFE000  }
0x213: {  	_ =	swait.ge [sflag:s31], $0x2000  }
0x214: {  	[sflag:s31] =	ssyncset.done $0x0  }
0x215: {  	[sflag:s31] =	ssyncadd.s32 $0xFFFFE000  }
0x216: {  	_ =	swait.ge [sflag:s31], $0x2000  }
0x217: {  	s14 =	sld [smem:$0x7F9]  }
0x218: {  	s18 =	sld [smem:$0x7FD];
	_ =	sdelay $0x1  }
0x219: {  	s5 =	sadd.s32 $0x1, s14  }
0x21a: {  	p1 =	sne.s32 s5, s18  }
.Ltmp1:
0x21b: {  	_ = 	snop;
	(pc) =	sbr.rel @p1 .LBB2_1-.Ltmp1, $3  }
0x21c: {  	_ =	sdelay $0x1  }
0x21d: {  	[sflag:s31] =	ssyncset.done $0x0  }
0x21e: {  	s12 =	simm.s32 $0x1F80;
	[sflag:s31] =	ssyncadd.s32 $0xFFFFE000  }
0x21f: {  	_ =	sfence.sel $0x180000  }
0x220: {  	[bflag:$0x0] =	sbarrier.arrive $0xFFFF  }
0x221: {  	_ =	strace $0x90000047  }
0x222: {  	[bflag:$0x2] =	sbarrier.arrive $0xFFFF  }
0x223: {  	s0 =	rddreg [dreg:$0x4]  }
0x224: {  	s0 =	sadd.s32 @!p0 $0x100000, s0  }
0x225: {  	[sflag:s0] =	ssyncadd.tile.s32 @!p0 $0x1;
	_ =	shalt  }
.Lfunc_end2:
_tile_overlayer_lowered:
.L_overlay_start_2:
0x226: {  	(tag) =	ssettag $0x2  }
0x227: {  	s0 =	rddreg [dreg:$0x0];
	s2 =	stileid.u32  }
0x228: {  	s1 =	rddreg [dreg:$0x1];
	p0 =	sne.s32 s2, $0x0  }
0x229: {  	s3 =	rddreg [dreg:$0x2];
	[bflag:$0x3] =	sbarrier.arrive $0xFFFF;
	s2 =	simm.s32 @!p0 $0x1C04  }
0x22a: {  	[timem:s3], [sflag:s2] =	dma.local @!p0 [hbm:s0], s1  }
0x22b: {  	s0 =	simm.s32 @!p0 $0x4  }
0x22c: {  	_ =	swait.ge @!p0 [sflag:s0], s1  }
0x22d: {  	s1 =	ssub.s32 @!p0 $0x0, s1;
	[sflag:s0] =	ssyncset.done @!p0 $0x0  }
0x22e: {  	[sflag:s0] =	ssyncadd.s32 @!p0 s1  }
0x22f: {  	[bflag:$0x3] =	sbarrier.arrive $0xFFFF  }
0x230: {  	_ =	shalt  }

</sc_bundles>
